<compile_context>
chip_gen: v7x
topology: tpu7x:2x2x1
jax: 0.10.2.dev20260603
libtpu: 0.0.44.dev20260713+nightly
codegen_flags: <defaults>
</compile_context>

<pallas_src>
import functools

import jax
import jax.numpy as jnp
from jax import lax
from jax.experimental import pallas as pl
from jax.experimental.pallas import tpu as pltpu
from jax.experimental.pallas import tpu_sc as plsc

N = 10000
E = 320000
NROW = 10240
C = 128
NCH = 160
E_PAD = 16 * NCH * C
ROWS_PER_TILE = NROW // 16
BLK = 400

_MESH = plsc.VectorSubcoreMesh(
    core_axis_name="c", subcore_axis_name="s", num_cores=2, num_subcores=16)


@functools.partial(
    pl.kernel,
    out_type=jax.ShapeDtypeStruct((NROW,), jnp.float32),
    mesh=_MESH,
    scratch_types=[
        pltpu.VMEM((NCH, C), jnp.int32),
        pltpu.VMEM((C,), jnp.float32),
        pltpu.VMEM((ROWS_PER_TILE,), jnp.float32),
        pltpu.VMEM_SHARED((NROW,), jnp.float32),
    ],
)
def _deg_hist(srcd_hbm, deg_hbm, srcv, ones_v, degv, deg_sh):
  c = lax.axis_index("c")
  s = lax.axis_index("s")

  def zb(i, _):
    degv[pl.ds(i * 16, 16)] = jnp.zeros((16,), jnp.float32)
    return 0
  lax.fori_loop(0, ROWS_PER_TILE // 16, zb, 0)
  pltpu.sync_copy(degv, deg_sh.at[pl.ds(s * ROWS_PER_TILE, ROWS_PER_TILE)])

  def ob(i, _):
    ones_v[pl.ds(i * 16, 16)] = jnp.ones((16,), jnp.float32)
    return 0
  lax.fori_loop(0, C // 16, ob, 0)
  pltpu.sync_copy(srcd_hbm.at[s], srcv)
  plsc.subcore_barrier()

  def body(j, _):
    pltpu.sync_copy(ones_v, deg_sh.at[srcv.at[j]], add=True)
    return 0
  lax.fori_loop(0, NCH, body, 0)
  plsc.subcore_barrier()

  @pl.when(c == 0)
  def _():
    pltpu.sync_copy(
        deg_sh.at[pl.ds(s * ROWS_PER_TILE, ROWS_PER_TILE)],
        deg_hbm.at[pl.ds(s * ROWS_PER_TILE, ROWS_PER_TILE)])


def _make_aggregate(nch, nch1=None):
  nch0 = nch
  if nch1 is None:
    nch1 = nch
  @functools.partial(
      pl.kernel,
      out_type=jax.ShapeDtypeStruct((2 * NROW, 128), jnp.float32),
      mesh=_MESH,
      scratch_types=[
          pltpu.VMEM((C,), jnp.int32),
          pltpu.VMEM((C,), jnp.int32),
          pltpu.VMEM((C,), jnp.int32),
          pltpu.VMEM((C,), jnp.int32),
          pltpu.VMEM((C, 128), jnp.float32),
          pltpu.VMEM((C, 128), jnp.float32),
          pltpu.VMEM_SHARED((NROW, 128), jnp.float32),
          pltpu.SemaphoreType.DMA, pltpu.SemaphoreType.DMA,
          pltpu.SemaphoreType.DMA, pltpu.SemaphoreType.DMA,
          pltpu.SemaphoreType.DMA, pltpu.SemaphoreType.DMA,
      ],
  )
  def _aggregate(tbl_hbm, srcd_hbm, dstd_hbm, out_hbm,
                 isrc0, isrc1, idst0, idst1, rbuf0, rbuf1, acc_sh,
                 si0, si1, sd0, sd1, sr0, sr1):
    c = lax.axis_index("c")
    s = lax.axis_index("s")
    if nch0 == nch1:
      base = (c * 16 + s) * nch0
      trip = nch0 // 2
    else:
      base = c * 16 * nch0 + s * jnp.where(c == 0, nch0, nch1)
      trip = jnp.where(c == 0, nch0 // 2, nch1 // 2)

    def zb(j, _):
      for k in range(128 // 16):
        rbuf0[j, pl.ds(k * 16, 16)] = jnp.zeros((16,), jnp.float32)
      return 0
    lax.fori_loop(0, C, zb, 0)
    for r in range(ROWS_PER_TILE // C):
      pltpu.sync_copy(rbuf0, acc_sh.at[pl.ds(s * ROWS_PER_TILE + r * C, C)])
    plsc.subcore_barrier()

    pltpu.async_copy(srcd_hbm.at[base], isrc0, si0)
    pltpu.async_copy(dstd_hbm.at[base], idst0, sd0)
    pltpu.async_copy(srcd_hbm.at[base + 1], isrc1, si1)
    pltpu.async_copy(dstd_hbm.at[base + 1], idst1, sd1)
    pltpu.make_async_copy(srcd_hbm.at[base], isrc0, si0).wait()
    pltpu.make_async_copy(dstd_hbm.at[base], idst0, sd0).wait()
    pltpu.async_copy(tbl_hbm.at[isrc0], rbuf0, sr0)

    def body(i, _):
      j0 = base + 2 * i
      last = i >= trip - 1
      pltpu.make_async_copy(srcd_hbm.at[j0 + 1], isrc1, si1).wait()
      pltpu.make_async_copy(dstd_hbm.at[j0 + 1], idst1, sd1).wait()
      pltpu.async_copy(tbl_hbm.at[isrc1], rbuf1, sr1)
      pltpu.make_async_copy(tbl_hbm.at[isrc0], rbuf0, sr0).wait()
      pltpu.sync_copy(rbuf0, acc_sh.at[idst0], add=True)

      @pl.when(jnp.logical_not(last))
      def _():
        pltpu.async_copy(srcd_hbm.at[j0 + 2], isrc0, si0)
        pltpu.async_copy(dstd_hbm.at[j0 + 2], idst0, sd0)
        pltpu.make_async_copy(srcd_hbm.at[j0 + 2], isrc0, si0).wait()
        pltpu.make_async_copy(dstd_hbm.at[j0 + 2], idst0, sd0).wait()
        pltpu.async_copy(tbl_hbm.at[isrc0], rbuf0, sr0)
      pltpu.make_async_copy(tbl_hbm.at[isrc1], rbuf1, sr1).wait()
      pltpu.sync_copy(rbuf1, acc_sh.at[idst1], add=True)

      @pl.when(jnp.logical_not(last))
      def _():
        pltpu.async_copy(srcd_hbm.at[j0 + 3], isrc1, si1)
        pltpu.async_copy(dstd_hbm.at[j0 + 3], idst1, sd1)
      return 0

    lax.fori_loop(0, trip, body, 0)
    plsc.subcore_barrier()

    pltpu.sync_copy(
        acc_sh.at[pl.ds(s * ROWS_PER_TILE, ROWS_PER_TILE)],
        out_hbm.at[pl.ds(c * NROW + s * ROWS_PER_TILE, ROWS_PER_TILE)])

  return _aggregate


NCH_ES = NCH // 2
_aggregate_es = _make_aggregate(NCH_ES)
_aggregate_cs = _make_aggregate(NCH)


def _prescale_body(x_ref, deg_ref, out_ref, dinv_ref):
  deg = deg_ref[...]
  dinv = jnp.where(deg > 0.5, lax.rsqrt(deg), 0.0)
  dinv_ref[...] = dinv
  out_ref[...] = x_ref[...] * dinv


def _prescale(x, deg2):
  return pl.pallas_call(
      _prescale_body,
      grid=(N // BLK,),
      in_specs=[
          pl.BlockSpec((BLK, 128), lambda i: (i, 0)),
          pl.BlockSpec((BLK, 1), lambda i: (i, 0)),
      ],
      out_specs=[
          pl.BlockSpec((BLK, 128), lambda i: (i, 0)),
          pl.BlockSpec((BLK, 1), lambda i: (i, 0)),
      ],
      out_shape=[
          jax.ShapeDtypeStruct((N, 128), jnp.float32),
          jax.ShapeDtypeStruct((N, 1), jnp.float32),
      ],
  )(x, deg2)


def _mm_post_body(p_ref, s0_ref, s1_ref, dinv_ref, w0_ref, b_ref,
                  w1a_ref, w1b_ref, out_ref, ht_ref, *, relu, sum_parts):
  if sum_parts:
    agg = jnp.dot(s0_ref[0] + s1_ref[0], w1a_ref[...],
                  preferred_element_type=jnp.float32)
  else:
    agg = jnp.dot(s0_ref[0], w1a_ref[...], preferred_element_type=jnp.float32)
    agg += jnp.dot(s1_ref[0], w1b_ref[...], preferred_element_type=jnp.float32)
  dinv = dinv_ref[...]
  out = jnp.dot(p_ref[...], w0_ref[...],
                preferred_element_type=jnp.float32) - dinv * agg + b_ref[...]
  if relu:
    out = jnp.maximum(out, 0.0)
  out_ref[...] = out
  if ht_ref is not None:
    ht = out * dinv
    ht_ref[0, :, :] = ht[:, :128]
    ht_ref[1, :, :] = ht[:, 128:]


def _mm_layer(h, S2, dinv2, W0, W1s, b, relu, want_ht, sum_parts):
  D = h.shape[1]
  Dh = S2.shape[2]
  body = functools.partial(_mm_post_body, relu=relu, sum_parts=sum_parts)
  if not want_ht:
    body = functools.partial(
        lambda *refs, relu, sum_parts: _mm_post_body(
            *refs, None, relu=relu, sum_parts=sum_parts),
        relu=relu, sum_parts=sum_parts)
  out_shapes = [jax.ShapeDtypeStruct((N, 256), jnp.float32)]
  out_specs = [pl.BlockSpec((BLK, 256), lambda i: (i, 0))]
  if want_ht:
    out_shapes.append(jax.ShapeDtypeStruct((2, N, 128), jnp.float32))
    out_specs.append(pl.BlockSpec((2, BLK, 128), lambda i: (0, i, 0)))
  return pl.pallas_call(
      body,
      grid=(N // BLK,),
      in_specs=[
          pl.BlockSpec((BLK, D), lambda i: (i, 0)),
          pl.BlockSpec((1, BLK, Dh), lambda i: (0, i, 0)),
          pl.BlockSpec((1, BLK, Dh), lambda i: (1, i, 0)),
          pl.BlockSpec((BLK, 1), lambda i: (i, 0)),
          pl.BlockSpec((D, 256), lambda i: (0, 0)),
          pl.BlockSpec((1, 256), lambda i: (0, 0)),
          pl.BlockSpec((W1s[0].shape[0], 256), lambda i: (0, 0)),
          pl.BlockSpec((W1s[1].shape[0], 256), lambda i: (0, 0)),
      ],
      out_specs=out_specs,
      out_shape=out_shapes,
  )(h, S2, S2, dinv2, W0, b, W1s[0], W1s[1])


def kernel(x, edge_index, W1_0, W1_1, b1, W2_0, W2_1, b2, W3_0, W3_1, b3):
  src = edge_index[0]
  dst = edge_index[1]

  pad = E_PAD - E
  src_p = jnp.concatenate([src, jnp.zeros((pad,), jnp.int32)])
  dst_p = jnp.concatenate([dst, jnp.full((pad,), N, jnp.int32)])
  srcd_cs = jnp.stack([src_p, src_p + N]).reshape(2 * 16 * NCH, C)
  dstd_cs = jnp.stack([dst_p, dst_p]).reshape(2 * 16 * NCH, C)
  srcd_es = src_p.reshape(32 * NCH_ES, C)
  dstd_es = dst_p.reshape(32 * NCH_ES, C)
  srcd_deg = jnp.concatenate(
      [src, jnp.full((pad,), NROW - 1, jnp.int32)]).reshape(16, NCH, C)

  deg = _deg_hist(srcd_deg)
  deg2 = deg[:N].reshape(N, 1)

  xt, dinv2 = _prescale(x, deg2)
  S1 = _aggregate_es(xt, srcd_es, dstd_es).reshape(2, NROW, 128)
  h1, ht1 = _mm_layer(x, S1, dinv2, W1_0, (W1_1, W1_1), b1.reshape(1, 256),
                      relu=True, want_ht=True, sum_parts=True)

  S2 = _aggregate_cs(ht1.reshape(2 * N, 128), srcd_cs, dstd_cs).reshape(2, NROW, 128)
  h2, ht2 = _mm_layer(h1, S2, dinv2, W2_0, tuple(W2_1.reshape(2, 128, 256)),
                      b2.reshape(1, 256), relu=True, want_ht=True,
                      sum_parts=False)

  S3 = _aggregate_cs(ht2.reshape(2 * N, 128), srcd_cs, dstd_cs).reshape(2, NROW, 128)
  (out,) = _mm_layer(h2, S3, dinv2, W3_0, tuple(W3_1.reshape(2, 128, 256)),
                     b3.reshape(1, 256), relu=False, want_ht=False,
                     sum_parts=False)
  return out

# --- scband reference (transcript-rebuilt; emitter-appended) ---
"""Pipeline reference for scband-graph-cheb-net-40785009443419 (READ-ONLY COPY).

The authoritative reference and input builder live on the scoring server;
editing this copy changes nothing except your own understanding.
"""

import jax, jax.numpy as jnp
import numpy as np

N = 10000
E = 320000
IN_DIM = 128
HDIM = 256


def _glorot(k, fan_in, fan_out):
    limit = float(np.sqrt(6.0 / (fan_in + fan_out)))
    return jax.random.uniform(k, (fan_in, fan_out), dtype=jnp.float32, minval=-limit, maxval=limit)


def setup_inputs(seed: int = 0) -> dict:
    key = jax.random.key(seed)
    keys = jax.random.split(key, 12)
    x = jax.random.normal(keys[0], (N, IN_DIM), dtype=jnp.float32)
    edge_index = jax.random.randint(keys[1], (2, E), 0, N, dtype=jnp.int32)
    W1_0 = _glorot(keys[2], IN_DIM, HDIM)
    W1_1 = _glorot(keys[3], IN_DIM, HDIM)
    b1 = jnp.zeros((HDIM,), dtype=jnp.float32)
    W2_0 = _glorot(keys[4], HDIM, HDIM)
    W2_1 = _glorot(keys[5], HDIM, HDIM)
    b2 = jnp.zeros((HDIM,), dtype=jnp.float32)
    W3_0 = _glorot(keys[6], HDIM, HDIM)
    W3_1 = _glorot(keys[7], HDIM, HDIM)
    b3 = jnp.zeros((HDIM,), dtype=jnp.float32)
    return {"x": x, "edge_index": edge_index, "W1_0": W1_0, "W1_1": W1_1, "b1": b1,
            "W2_0": W2_0, "W2_1": W2_1, "b2": b2, "W3_0": W3_0, "W3_1": W3_1, "b3": b3}


def _cheb_edge_weight(edge_index, num_nodes):
    # ChebConv(K=2), sym normalization, lambda_max=2.0:
    # L_hat = 2L/lambda_max - I = -D^{-1/2} A D^{-1/2}
    src = edge_index[0]
    dst = edge_index[1]
    deg = jnp.zeros((num_nodes,), dtype=jnp.float32).at[src].add(1.0)
    dinv = jnp.where(deg > 0, 1.0 / jnp.sqrt(jnp.maximum(deg, 1e-12)), 0.0)
    return -(dinv[src] * dinv[dst])


def _cheb_conv(x, edge_index, w, W0, W1k, b):
    src = edge_index[0]
    dst = edge_index[1]
    Tx0 = x
    Tx1 = jnp.zeros_like(x).at[dst].add(w[:, None] * x[src])
    return Tx0 @ W0 + Tx1 @ W1k + b


def reference(x, edge_index, W1_0, W1_1, b1, W2_0, W2_1, b2, W3_0, W3_1, b3):
    # dropout is identity in eval mode
    w = _cheb_edge_weight(edge_index, x.shape[0])
    h = jax.nn.relu(_cheb_conv(x, edge_index, w, W1_0, W1_1, b1))
    h = jax.nn.relu(_cheb_conv(h, edge_index, w, W2_0, W2_1, b2))
    h = _cheb_conv(h, edge_index, w, W3_0, W3_1, b3)
    return h

if __name__ == "__main__":
    import jax
    _d = setup_inputs()
    print(jax.jit(kernel)(*tuple(_d.values())))

</pallas_src>

<mosaic_0001>
#map = affine_map<(d0, d1) -> (0, 0, 0)>
#map1 = affine_map<(d0, d1) -> (0)>
module attributes {stable_mosaic.version = 14 : i64} {
  func.func @_deg_hist(%arg0: i32, %arg1: i32, %arg2: memref<16x160x128xi32, #tpu.memory_space<hbm>>, %arg3: memref<10240xf32, #tpu.memory_space<hbm>>, %arg4: memref<160x128xi32, #tpu.memory_space<vmem>>, %arg5: memref<128xf32, #tpu.memory_space<vmem>>, %arg6: memref<640xf32, #tpu.memory_space<vmem>>, %arg7: memref<10240xf32, #tpu.memory_space<vmem_shared>>) attributes {dimension_semantics = [#tpu.dimension_semantics<core_parallel>, #tpu.dimension_semantics<subcore_parallel>], iteration_bounds = array<i64: 2, 16>, scalar_prefetch = 0 : i64, scratch_operands = 4 : i64, tpu.core_type = #tpu.core_type<sc_vector_subcore>, window_params = [{transform_indices = #map}, {transform_indices = #map1}]} {
    %scan3A = arith.constant 0 : i32
    %scan3A_0 = arith.constant 0 : i32
    %scan3A_1 = arith.constant 40 : i32
    %scan3A_2 = arith.addi %scan3A_0, %scan3A_1 : i32
    %scan3A_3 = arith.constant 1 : i32
    %scan3A_4 = scf.for %scan3A_24 = %scan3A_0 to %scan3A_2 step %scan3A_3 iter_args(%scan3A_25 = %scan3A) -> (i32)  : i32 {
      %broadcast_in_dim3A = arith.constant 0.000000e+00 : f32
      %broadcast_in_dim3A_26 = vector.broadcast %broadcast_in_dim3A : f32 to vector<16xf32>
      %mul3A_27 = arith.constant 16 : i32
      %mul3A_28 = arith.muli %scan3A_24, %mul3A_27 : i32
      %swap3A = arith.index_cast %mul3A_28 : i32 to index
      %swap3A_29 = tpu.vector_load %arg6[%swap3A] {strides = array<i32>} : memref<640xf32, #tpu.memory_space<vmem>>, vector<16xf32>,
      %swap3A_30 = vector.shape_cast %swap3A_29 : vector<16xf32> to vector<16xf32>
      %swap3A_31 = vector.shape_cast %broadcast_in_dim3A_26 : vector<16xf32> to vector<16xf32>
      tpu.vector_store %arg6[%swap3A], %swap3A_31 {strides = array<i32>} : memref<640xf32, #tpu.memory_space<vmem>>, vector<16xf32>,
      %scan3A_32 = arith.constant 0 : i32
      scf.yield %scan3A_32 : i32
    }
    %scan3A_5 = arith.constant 40 : i32
    %mul3A = arith.constant 640 : i32
    %mul3A_6 = arith.muli %arg1, %mul3A : i32
    "tpu.region"() ({
      %run_scoped3A = tpu.sem_alloc : memref<!tpu.dma_semaphore, #tpu.memory_space<semaphore_mem>>
      %dma_start3A = tpu.memref_slice %arg7[%mul3A_6] : memref<10240xf32, #tpu.memory_space<vmem_shared>> -> memref<640xf32, #tpu.memory_space<vmem_shared>>
      %dma_start3A_24 = tpu.memref_slice %arg7[%mul3A_6] : memref<10240xf32, #tpu.memory_space<vmem_shared>> -> memref<640xf32, #tpu.memory_space<vmem_shared>>
      tpu.enqueue_dma source(%arg6 : memref<640xf32, #tpu.memory_space<vmem>>) target(%dma_start3A_24 : memref<640xf32, #tpu.memory_space<vmem_shared>>) target_semaphore(%run_scoped3A : memref<!tpu.dma_semaphore, #tpu.memory_space<semaphore_mem>>)
      %dma_wait3A = tpu.memref_slice %arg7[%mul3A_6] : memref<10240xf32, #tpu.memory_space<vmem_shared>> -> memref<640xf32, #tpu.memory_space<vmem_shared>>
      %dma_wait3A_25 = tpu.memref_slice %arg7[%mul3A_6] : memref<10240xf32, #tpu.memory_space<vmem_shared>> -> memref<640xf32, #tpu.memory_space<vmem_shared>>
      tpu.wait_dma2 semaphore(%run_scoped3A : memref<!tpu.dma_semaphore, #tpu.memory_space<semaphore_mem>>) src(%arg6 : memref<640xf32, #tpu.memory_space<vmem>>) dst(%dma_wait3A_25 : memref<640xf32, #tpu.memory_space<vmem_shared>>)
      tpu.yield
    }) : () -> ()
    %scan3A_7 = arith.constant 0 : i32
    %scan3A_8 = arith.constant 0 : i32
    %scan3A_9 = arith.constant 8 : i32
    %scan3A_10 = arith.addi %scan3A_8, %scan3A_9 : i32
    %scan3A_11 = arith.constant 1 : i32
    %scan3A_12 = scf.for %scan3A_24 = %scan3A_8 to %scan3A_10 step %scan3A_11 iter_args(%scan3A_25 = %scan3A_7) -> (i32)  : i32 {
      %broadcast_in_dim3A = arith.constant 1.000000e+00 : f32
      %broadcast_in_dim3A_26 = vector.broadcast %broadcast_in_dim3A : f32 to vector<16xf32>
      %mul3A_27 = arith.constant 16 : i32
      %mul3A_28 = arith.muli %scan3A_24, %mul3A_27 : i32
      %swap3A = arith.index_cast %mul3A_28 : i32 to index
      %swap3A_29 = tpu.vector_load %arg5[%swap3A] {strides = array<i32>} : memref<128xf32, #tpu.memory_space<vmem>>, vector<16xf32>,
      %swap3A_30 = vector.shape_cast %swap3A_29 : vector<16xf32> to vector<16xf32>
      %swap3A_31 = vector.shape_cast %broadcast_in_dim3A_26 : vector<16xf32> to vector<16xf32>
      tpu.vector_store %arg5[%swap3A], %swap3A_31 {strides = array<i32>} : memref<128xf32, #tpu.memory_space<vmem>>, vector<16xf32>,
      %scan3A_32 = arith.constant 0 : i32
      scf.yield %scan3A_32 : i32
    }
    %scan3A_13 = arith.constant 8 : i32
    "tpu.region"() ({
      %run_scoped3A = tpu.sem_alloc : memref<!tpu.dma_semaphore, #tpu.memory_space<semaphore_mem>>
      %dma_start3A = arith.constant 0 : i32
      %dma_start3A_24 = arith.constant 0 : i32
      %dma_start3A_25 = tpu.memref_slice %arg2[%arg1, %dma_start3A, %dma_start3A_24] : memref<16x160x128xi32, #tpu.memory_space<hbm>> -> memref<1x160x128xi32, #tpu.memory_space<hbm>>
      %dma_start3A_26 = tpu.memref_squeeze %dma_start3A_25 : memref<1x160x128xi32, #tpu.memory_space<hbm>> -> memref<160x128xi32, #tpu.memory_space<hbm>>
      %dma_start3A_27 = arith.constant 0 : i32
      %dma_start3A_28 = arith.constant 0 : i32
      %dma_start3A_29 = tpu.memref_slice %arg2[%arg1, %dma_start3A_27, %dma_start3A_28] : memref<16x160x128xi32, #tpu.memory_space<hbm>> -> memref<1x160x128xi32, #tpu.memory_space<hbm>>
      %dma_start3A_30 = tpu.memref_squeeze %dma_start3A_29 : memref<1x160x128xi32, #tpu.memory_space<hbm>> -> memref<160x128xi32, #tpu.memory_space<hbm>>
      tpu.enqueue_dma source(%dma_start3A_30 : memref<160x128xi32, #tpu.memory_space<hbm>>) target(%arg4 : memref<160x128xi32, #tpu.memory_space<vmem>>) target_semaphore(%run_scoped3A : memref<!tpu.dma_semaphore, #tpu.memory_space<semaphore_mem>>)
      %dma_wait3A = arith.constant 0 : i32
      %dma_wait3A_31 = arith.constant 0 : i32
      %dma_wait3A_32 = tpu.memref_slice %arg2[%arg1, %dma_wait3A, %dma_wait3A_31] : memref<16x160x128xi32, #tpu.memory_space<hbm>> -> memref<1x160x128xi32, #tpu.memory_space<hbm>>
      %dma_wait3A_33 = tpu.memref_squeeze %dma_wait3A_32 : memref<1x160x128xi32, #tpu.memory_space<hbm>> -> memref<160x128xi32, #tpu.memory_space<hbm>>
      %dma_wait3A_34 = arith.constant 0 : i32
      %dma_wait3A_35 = arith.constant 0 : i32
      %dma_wait3A_36 = tpu.memref_slice %arg2[%arg1, %dma_wait3A_34, %dma_wait3A_35] : memref<16x160x128xi32, #tpu.memory_space<hbm>> -> memref<1x160x128xi32, #tpu.memory_space<hbm>>
      %dma_wait3A_37 = tpu.memref_squeeze %dma_wait3A_36 : memref<1x160x128xi32, #tpu.memory_space<hbm>> -> memref<160x128xi32, #tpu.memory_space<hbm>>
      tpu.wait_dma2 semaphore(%run_scoped3A : memref<!tpu.dma_semaphore, #tpu.memory_space<semaphore_mem>>) src(%dma_wait3A_37 : memref<160x128xi32, #tpu.memory_space<hbm>>) dst(%arg4 : memref<160x128xi32, #tpu.memory_space<vmem>>)
      tpu.yield
    }) : () -> ()
    %barrier3A = arith.constant 0 : index
    tpu.barrier barrier_id(%barrier3A)
    %scan3A_14 = arith.constant 0 : i32
    %scan3A_15 = arith.constant 0 : i32
    %scan3A_16 = arith.constant 160 : i32
    %scan3A_17 = arith.addi %scan3A_15, %scan3A_16 : i32
    %scan3A_18 = arith.constant 1 : i32
    %scan3A_19 = scf.for %scan3A_24 = %scan3A_15 to %scan3A_17 step %scan3A_18 iter_args(%scan3A_25 = %scan3A_14) -> (i32)  : i32 {
      "tpu.region"() ({
        %run_scoped3A = tpu.sem_alloc : memref<!tpu.dma_semaphore, #tpu.memory_space<semaphore_mem>>
        %dma_start3A = arith.constant 0 : i32
        %dma_start3A_27 = tpu.memref_slice %arg4[%scan3A_24, %dma_start3A] : memref<160x128xi32, #tpu.memory_space<vmem>> -> memref<1x128xi32, #tpu.memory_space<vmem>>
        %dma_start3A_28 = tpu.memref_squeeze %dma_start3A_27 : memref<1x128xi32, #tpu.memory_space<vmem>> -> memref<128xi32, #tpu.memory_space<vmem>>
        %dma_start3A_29 = arith.constant 0 : i32
        %dma_start3A_30 = tpu.memref_slice %arg7[%dma_start3A_29] : memref<10240xf32, #tpu.memory_space<vmem_shared>> -> memref<10240xf32, #tpu.memory_space<vmem_shared>>
        tpu.enqueue_indirect_dma source(%arg5 : memref<128xf32, #tpu.memory_space<vmem>>) target(%dma_start3A_30 : memref<10240xf32, #tpu.memory_space<vmem_shared>>) offsets(%dma_start3A_28 : memref<128xi32, #tpu.memory_space<vmem>>) semaphore(%run_scoped3A : memref<!tpu.dma_semaphore, #tpu.memory_space<semaphore_mem>>) {add = true}
        %dma_wait3A = arith.constant 0 : i32
        %dma_wait3A_31 = tpu.memref_slice %arg4[%scan3A_24, %dma_wait3A] : memref<160x128xi32, #tpu.memory_space<vmem>> -> memref<1x128xi32, #tpu.memory_space<vmem>>
        %dma_wait3A_32 = tpu.memref_squeeze %dma_wait3A_31 : memref<1x128xi32, #tpu.memory_space<vmem>> -> memref<128xi32, #tpu.memory_space<vmem>>
        %dma_wait3A_33 = arith.constant 0 : i32
        %dma_wait3A_34 = tpu.memref_slice %arg7[%dma_wait3A_33] : memref<10240xf32, #tpu.memory_space<vmem_shared>> -> memref<10240xf32, #tpu.memory_space<vmem_shared>>
        tpu.wait_indirect_dma semaphore(%run_scoped3A : memref<!tpu.dma_semaphore, #tpu.memory_space<semaphore_mem>>) src(%arg5 : memref<128xf32, #tpu.memory_space<vmem>>) dst(%dma_wait3A_34 : memref<10240xf32, #tpu.memory_space<vmem_shared>>)
        tpu.yield
      }) : () -> ()
      %scan3A_26 = arith.constant 0 : i32
      scf.yield %scan3A_26 : i32
    }
    %scan3A_20 = arith.constant 160 : i32
    %barrier3A_21 = arith.constant 0 : index
    tpu.barrier barrier_id(%barrier3A_21)
    %eq3A = arith.constant 0 : i32
    %eq3A_22 = arith.cmpi eq, %arg0, %eq3A : i32
    %convert_element_type3A = arith.extui %eq3A_22 : i1 to i32
    %cond3A = arith.constant 0 : i32
    %cond3A_23 = arith.cmpi ne, %convert_element_type3A, %cond3A : i32
    scf.if %cond3A_23 {
      %mul3A_24 = arith.constant 640 : i32
      %mul3A_25 = arith.muli %arg1, %mul3A_24 : i32
      %mul3A_26 = arith.constant 640 : i32
      %mul3A_27 = arith.muli %arg1, %mul3A_26 : i32
      "tpu.region"() ({
        %run_scoped3A = tpu.sem_alloc : memref<!tpu.dma_semaphore, #tpu.memory_space<semaphore_mem>>
        %dma_start3A = tpu.memref_slice %arg3[%mul3A_27] : memref<10240xf32, #tpu.memory_space<hbm>> -> memref<640xf32, #tpu.memory_space<hbm>>
        %dma_start3A_28 = tpu.memref_slice %arg7[%mul3A_25] : memref<10240xf32, #tpu.memory_space<vmem_shared>> -> memref<640xf32, #tpu.memory_space<vmem_shared>>
        tpu.enqueue_dma source(%dma_start3A_28 : memref<640xf32, #tpu.memory_space<vmem_shared>>) target(%dma_start3A : memref<640xf32, #tpu.memory_space<hbm>>) target_semaphore(%run_scoped3A : memref<!tpu.dma_semaphore, #tpu.memory_space<semaphore_mem>>)
        %dma_wait3A = tpu.memref_slice %arg3[%mul3A_27] : memref<10240xf32, #tpu.memory_space<hbm>> -> memref<640xf32, #tpu.memory_space<hbm>>
        %dma_wait3A_29 = tpu.memref_slice %arg7[%mul3A_25] : memref<10240xf32, #tpu.memory_space<vmem_shared>> -> memref<640xf32, #tpu.memory_space<vmem_shared>>
        tpu.wait_dma2 semaphore(%run_scoped3A : memref<!tpu.dma_semaphore, #tpu.memory_space<semaphore_mem>>) src(%dma_wait3A_29 : memref<640xf32, #tpu.memory_space<vmem_shared>>) dst(%dma_wait3A : memref<640xf32, #tpu.memory_space<hbm>>)
        tpu.yield
      }) : () -> ()
    } else {
    }
    return
  }
}

#map = affine_map<(d0, d1) -> (0, 0)>
module attributes {stable_mosaic.version = 14 : i64} {
  func.func @_aggregate(%arg0: i32, %arg1: i32, %arg2: memref<10000x128xf32, #tpu.memory_space<hbm>>, %arg3: memref<2560x128xi32, #tpu.memory_space<hbm>>, %arg4: memref<2560x128xi32, #tpu.memory_space<hbm>>, %arg5: memref<20480x128xf32, #tpu.memory_space<hbm>>, %arg6: memref<128xi32, #tpu.memory_space<vmem>>, %arg7: memref<128xi32, #tpu.memory_space<vmem>>, %arg8: memref<128xi32, #tpu.memory_space<vmem>>, %arg9: memref<128xi32, #tpu.memory_space<vmem>>, %arg10: memref<128x128xf32, #tpu.memory_space<vmem>>, %arg11: memref<128x128xf32, #tpu.memory_space<vmem>>, %arg12: memref<10240x128xf32, #tpu.memory_space<vmem_shared>>, %arg13: memref<!tpu.dma_semaphore, #tpu.memory_space<semaphore_mem>>, %arg14: memref<!tpu.dma_semaphore, #tpu.memory_space<semaphore_mem>>, %arg15: memref<!tpu.dma_semaphore, #tpu.memory_space<semaphore_mem>>, %arg16: memref<!tpu.dma_semaphore, #tpu.memory_space<semaphore_mem>>, %arg17: memref<!tpu.dma_semaphore, #tpu.memory_space<semaphore_mem>>, %arg18: memref<!tpu.dma_semaphore, #tpu.memory_space<semaphore_mem>>) attributes {dimension_semantics = [#tpu.dimension_semantics<core_parallel>, #tpu.dimension_semantics<subcore_parallel>], iteration_bounds = array<i64: 2, 16>, scalar_prefetch = 0 : i64, scratch_operands = 13 : i64, tpu.core_type = #tpu.core_type<sc_vector_subcore>, window_params = [{transform_indices = #map}, {transform_indices = #map}, {transform_indices = #map}, {transform_indices = #map}]} {
    %mul3A = arith.constant 16 : i32
    %mul3A_0 = arith.muli %arg0, %mul3A : i32
    %add3A = arith.addi %mul3A_0, %arg1 : i32
    %mul3A_1 = arith.constant 80 : i32
    %mul3A_2 = arith.muli %add3A, %mul3A_1 : i32
    %scan3A = arith.constant 0 : i32
    %scan3A_3 = arith.constant 0 : i32
    %scan3A_4 = arith.constant 128 : i32
    %scan3A_5 = arith.addi %scan3A_3, %scan3A_4 : i32
    %scan3A_6 = arith.constant 1 : i32
    %scan3A_7 = scf.for %scan3A_85 = %scan3A_3 to %scan3A_5 step %scan3A_6 iter_args(%scan3A_86 = %scan3A) -> (i32)  : i32 {
      %broadcast_in_dim3A = arith.constant 0.000000e+00 : f32
      %broadcast_in_dim3A_87 = vector.broadcast %broadcast_in_dim3A : f32 to vector<16xf32>
      %swap3A = arith.index_cast %scan3A_85 : i32 to index
      %swap3A_88 = arith.constant 0 : index
      %swap3A_89 = tpu.vector_load %arg10[%swap3A, %swap3A_88] {strides = array<i32>} : memref<128x128xf32, #tpu.memory_space<vmem>>, vector<1x16xf32>,
      %swap3A_90 = vector.shape_cast %swap3A_89 : vector<1x16xf32> to vector<16xf32>
      %swap3A_91 = vector.shape_cast %broadcast_in_dim3A_87 : vector<16xf32> to vector<1x16xf32>
      tpu.vector_store %arg10[%swap3A, %swap3A_88], %swap3A_91 {strides = array<i32>} : memref<128x128xf32, #tpu.memory_space<vmem>>, vector<1x16xf32>,
      %broadcast_in_dim3A_92 = arith.constant 0.000000e+00 : f32
      %broadcast_in_dim3A_93 = vector.broadcast %broadcast_in_dim3A_92 : f32 to vector<16xf32>
      %swap3A_94 = arith.index_cast %scan3A_85 : i32 to index
      %swap3A_95 = arith.constant 16 : index
      %swap3A_96 = tpu.vector_load %arg10[%swap3A_94, %swap3A_95] {strides = array<i32>} : memref<128x128xf32, #tpu.memory_space<vmem>>, vector<1x16xf32>,
      %swap3A_97 = vector.shape_cast %swap3A_96 : vector<1x16xf32> to vector<16xf32>
      %swap3A_98 = vector.shape_cast %broadcast_in_dim3A_93 : vector<16xf32> to vector<1x16xf32>
      tpu.vector_store %arg10[%swap3A_94, %swap3A_95], %swap3A_98 {strides = array<i32>} : memref<128x128xf32, #tpu.memory_space<vmem>>, vector<1x16xf32>,
      %broadcast_in_dim3A_99 = arith.constant 0.000000e+00 : f32
      %broadcast_in_dim3A_100 = vector.broadcast %broadcast_in_dim3A_99 : f32 to vector<16xf32>
      %swap3A_101 = arith.index_cast %scan3A_85 : i32 to index
      %swap3A_102 = arith.constant 32 : index
      %swap3A_103 = tpu.vector_load %arg10[%swap3A_101, %swap3A_102] {strides = array<i32>} : memref<128x128xf32, #tpu.memory_space<vmem>>, vector<1x16xf32>,
      %swap3A_104 = vector.shape_cast %swap3A_103 : vector<1x16xf32> to vector<16xf32>
      %swap3A_105 = vector.shape_cast %broadcast_in_dim3A_100 : vector<16xf32> to vector<1x16xf32>
      tpu.vector_store %arg10[%swap3A_101, %swap3A_102], %swap3A_105 {strides = array<i32>} : memref<128x128xf32, #tpu.memory_space<vmem>>, vector<1x16xf32>,
      %broadcast_in_dim3A_106 = arith.constant 0.000000e+00 : f32
      %broadcast_in_dim3A_107 = vector.broadcast %broadcast_in_dim3A_106 : f32 to vector<16xf32>
      %swap3A_108 = arith.index_cast %scan3A_85 : i32 to index
      %swap3A_109 = arith.constant 48 : index
      %swap3A_110 = tpu.vector_load %arg10[%swap3A_108, %swap3A_109] {strides = array<i32>} : memref<128x128xf32, #tpu.memory_space<vmem>>, vector<1x16xf32>,
      %swap3A_111 = vector.shape_cast %swap3A_110 : vector<1x16xf32> to vector<16xf32>
      %swap3A_112 = vector.shape_cast %broadcast_in_dim3A_107 : vector<16xf32> to vector<1x16xf32>
      tpu.vector_store %arg10[%swap3A_108, %swap3A_109], %swap3A_112 {strides = array<i32>} : memref<128x128xf32, #tpu.memory_space<vmem>>, vector<1x16xf32>,
      %broadcast_in_dim3A_113 = arith.constant 0.000000e+00 : f32
      %broadcast_in_dim3A_114 = vector.broadcast %broadcast_in_dim3A_113 : f32 to vector<16xf32>
      %swap3A_115 = arith.index_cast %scan3A_85 : i32 to index
      %swap3A_116 = arith.constant 64 : index
      %swap3A_117 = tpu.vector_load %arg10[%swap3A_115, %swap3A_116] {strides = array<i32>} : memref<128x128xf32, #tpu.memory_space<vmem>>, vector<1x16xf32>,
      %swap3A_118 = vector.shape_cast %swap3A_117 : vector<1x16xf32> to vector<16xf32>
      %swap3A_119 = vector.shape_cast %broadcast_in_dim3A_114 : vector<16xf32> to vector<1x16xf32>
      tpu.vector_store %arg10[%swap3A_115, %swap3A_116], %swap3A_119 {strides = array<i32>} : memref<128x128xf32, #tpu.memory_space<vmem>>, vector<1x16xf32>,
      %broadcast_in_dim3A_120 = arith.constant 0.000000e+00 : f32
      %broadcast_in_dim3A_121 = vector.broadcast %broadcast_in_dim3A_120 : f32 to vector<16xf32>
      %swap3A_122 = arith.index_cast %scan3A_85 : i32 to index
      %swap3A_123 = arith.constant 80 : index
      %swap3A_124 = tpu.vector_load %arg10[%swap3A_122, %swap3A_123] {strides = array<i32>} : memref<128x128xf32, #tpu.memory_space<vmem>>, vector<1x16xf32>,
      %swap3A_125 = vector.shape_cast %swap3A_124 : vector<1x16xf32> to vector<16xf32>
      %swap3A_126 = vector.shape_cast %broadcast_in_dim3A_121 : vector<16xf32> to vector<1x16xf32>
      tpu.vector_store %arg10[%swap3A_122, %swap3A_123], %swap3A_126 {strides = array<i32>} : memref<128x128xf32, #tpu.memory_space<vmem>>, vector<1x16xf32>,
      %broadcast_in_dim3A_127 = arith.constant 0.000000e+00 : f32
      %broadcast_in_dim3A_128 = vector.broadcast %broadcast_in_dim3A_127 : f32 to vector<16xf32>
      %swap3A_129 = arith.index_cast %scan3A_85 : i32 to index
      %swap3A_130 = arith.constant 96 : index
      %swap3A_131 = tpu.vector_load %arg10[%swap3A_129, %swap3A_130] {strides = array<i32>} : memref<128x128xf32, #tpu.memory_space<vmem>>, vector<1x16xf32>,
      %swap3A_132 = vector.shape_cast %swap3A_131 : vector<1x16xf32> to vector<16xf32>
      %swap3A_133 = vector.shape_cast %broadcast_in_dim3A_128 : vector<16xf32> to vector<1x16xf32>
      tpu.vector_store %arg10[%swap3A_129, %swap3A_130], %swap3A_133 {strides = array<i32>} : memref<128x128xf32, #tpu.memory_space<vmem>>, vector<1x16xf32>,
      %broadcast_in_dim3A_134 = arith.constant 0.000000e+00 : f32
      %broadcast_in_dim3A_135 = vector.broadcast %broadcast_in_dim3A_134 : f32 to vector<16xf32>
      %swap3A_136 = arith.index_cast %scan3A_85 : i32 to index
      %swap3A_137 = arith.constant 112 : index
      %swap3A_138 = tpu.vector_load %arg10[%swap3A_136, %swap3A_137] {strides = array<i32>} : memref<128x128xf32, #tpu.memory_space<vmem>>, vector<1x16xf32>,
      %swap3A_139 = vector.shape_cast %swap3A_138 : vector<1x16xf32> to vector<16xf32>
      %swap3A_140 = vector.shape_cast %broadcast_in_dim3A_135 : vector<16xf32> to vector<1x16xf32>
      tpu.vector_store %arg10[%swap3A_136, %swap3A_137], %swap3A_140 {strides = array<i32>} : memref<128x128xf32, #tpu.memory_space<vmem>>, vector<1x16xf32>,
      %scan3A_141 = arith.constant 0 : i32
      scf.yield %scan3A_141 : i32
    }
    %scan3A_8 = arith.constant 128 : i32
    %mul3A_9 = arith.constant 640 : i32
    %mul3A_10 = arith.muli %arg1, %mul3A_9 : i32
    %add3A_11 = arith.constant 0 : i32
    %add3A_12 = arith.addi %mul3A_10, %add3A_11 : i32
    "tpu.region"() ({
      %run_scoped3A = tpu.sem_alloc : memref<!tpu.dma_semaphore, #tpu.memory_space<semaphore_mem>>
      %dma_start3A_85 = arith.constant 0 : i32
      %dma_start3A_86 = tpu.memref_slice %arg12[%add3A_12, %dma_start3A_85] : memref<10240x128xf32, #tpu.memory_space<vmem_shared>> -> memref<128x128xf32, #tpu.memory_space<vmem_shared>>
      %dma_start3A_87 = arith.constant 0 : i32
      %dma_start3A_88 = tpu.memref_slice %arg12[%add3A_12, %dma_start3A_87] : memref<10240x128xf32, #tpu.memory_space<vmem_shared>> -> memref<128x128xf32, #tpu.memory_space<vmem_shared>>
      tpu.enqueue_dma source(%arg10 : memref<128x128xf32, #tpu.memory_space<vmem>>) target(%dma_start3A_88 : memref<128x128xf32, #tpu.memory_space<vmem_shared>>) target_semaphore(%run_scoped3A : memref<!tpu.dma_semaphore, #tpu.memory_space<semaphore_mem>>)
      %dma_wait3A_89 = arith.constant 0 : i32
      %dma_wait3A_90 = tpu.memref_slice %arg12[%add3A_12, %dma_wait3A_89] : memref<10240x128xf32, #tpu.memory_space<vmem_shared>> -> memref<128x128xf32, #tpu.memory_space<vmem_shared>>
      %dma_wait3A_91 = arith.constant 0 : i32
      %dma_wait3A_92 = tpu.memref_slice %arg12[%add3A_12, %dma_wait3A_91] : memref<10240x128xf32, #tpu.memory_space<vmem_shared>> -> memref<128x128xf32, #tpu.memory_space<vmem_shared>>
      tpu.wait_dma2 semaphore(%run_scoped3A : memref<!tpu.dma_semaphore, #tpu.memory_space<semaphore_mem>>) src(%arg10 : memref<128x128xf32, #tpu.memory_space<vmem>>) dst(%dma_wait3A_92 : memref<128x128xf32, #tpu.memory_space<vmem_shared>>)
      tpu.yield
    }) : () -> ()
    %mul3A_13 = arith.constant 640 : i32
    %mul3A_14 = arith.muli %arg1, %mul3A_13 : i32
    %add3A_15 = arith.constant 128 : i32
    %add3A_16 = arith.addi %mul3A_14, %add3A_15 : i32
    "tpu.region"() ({
      %run_scoped3A = tpu.sem_alloc : memref<!tpu.dma_semaphore, #tpu.memory_space<semaphore_mem>>
      %dma_start3A_85 = arith.constant 0 : i32
      %dma_start3A_86 = tpu.memref_slice %arg12[%add3A_16, %dma_start3A_85] : memref<10240x128xf32, #tpu.memory_space<vmem_shared>> -> memref<128x128xf32, #tpu.memory_space<vmem_shared>>
      %dma_start3A_87 = arith.constant 0 : i32
      %dma_start3A_88 = tpu.memref_slice %arg12[%add3A_16, %dma_start3A_87] : memref<10240x128xf32, #tpu.memory_space<vmem_shared>> -> memref<128x128xf32, #tpu.memory_space<vmem_shared>>
      tpu.enqueue_dma source(%arg10 : memref<128x128xf32, #tpu.memory_space<vmem>>) target(%dma_start3A_88 : memref<128x128xf32, #tpu.memory_space<vmem_shared>>) target_semaphore(%run_scoped3A : memref<!tpu.dma_semaphore, #tpu.memory_space<semaphore_mem>>)
      %dma_wait3A_89 = arith.constant 0 : i32
      %dma_wait3A_90 = tpu.memref_slice %arg12[%add3A_16, %dma_wait3A_89] : memref<10240x128xf32, #tpu.memory_space<vmem_shared>> -> memref<128x128xf32, #tpu.memory_space<vmem_shared>>
      %dma_wait3A_91 = arith.constant 0 : i32
      %dma_wait3A_92 = tpu.memref_slice %arg12[%add3A_16, %dma_wait3A_91] : memref<10240x128xf32, #tpu.memory_space<vmem_shared>> -> memref<128x128xf32, #tpu.memory_space<vmem_shared>>
      tpu.wait_dma2 semaphore(%run_scoped3A : memref<!tpu.dma_semaphore, #tpu.memory_space<semaphore_mem>>) src(%arg10 : memref<128x128xf32, #tpu.memory_space<vmem>>) dst(%dma_wait3A_92 : memref<128x128xf32, #tpu.memory_space<vmem_shared>>)
      tpu.yield
    }) : () -> ()
    %mul3A_17 = arith.constant 640 : i32
    %mul3A_18 = arith.muli %arg1, %mul3A_17 : i32
    %add3A_19 = arith.constant 256 : i32
    %add3A_20 = arith.addi %mul3A_18, %add3A_19 : i32
    "tpu.region"() ({
      %run_scoped3A = tpu.sem_alloc : memref<!tpu.dma_semaphore, #tpu.memory_space<semaphore_mem>>
      %dma_start3A_85 = arith.constant 0 : i32
      %dma_start3A_86 = tpu.memref_slice %arg12[%add3A_20, %dma_start3A_85] : memref<10240x128xf32, #tpu.memory_space<vmem_shared>> -> memref<128x128xf32, #tpu.memory_space<vmem_shared>>
      %dma_start3A_87 = arith.constant 0 : i32
      %dma_start3A_88 = tpu.memref_slice %arg12[%add3A_20, %dma_start3A_87] : memref<10240x128xf32, #tpu.memory_space<vmem_shared>> -> memref<128x128xf32, #tpu.memory_space<vmem_shared>>
      tpu.enqueue_dma source(%arg10 : memref<128x128xf32, #tpu.memory_space<vmem>>) target(%dma_start3A_88 : memref<128x128xf32, #tpu.memory_space<vmem_shared>>) target_semaphore(%run_scoped3A : memref<!tpu.dma_semaphore, #tpu.memory_space<semaphore_mem>>)
      %dma_wait3A_89 = arith.constant 0 : i32
      %dma_wait3A_90 = tpu.memref_slice %arg12[%add3A_20, %dma_wait3A_89] : memref<10240x128xf32, #tpu.memory_space<vmem_shared>> -> memref<128x128xf32, #tpu.memory_space<vmem_shared>>
      %dma_wait3A_91 = arith.constant 0 : i32
      %dma_wait3A_92 = tpu.memref_slice %arg12[%add3A_20, %dma_wait3A_91] : memref<10240x128xf32, #tpu.memory_space<vmem_shared>> -> memref<128x128xf32, #tpu.memory_space<vmem_shared>>
      tpu.wait_dma2 semaphore(%run_scoped3A : memref<!tpu.dma_semaphore, #tpu.memory_space<semaphore_mem>>) src(%arg10 : memref<128x128xf32, #tpu.memory_space<vmem>>) dst(%dma_wait3A_92 : memref<128x128xf32, #tpu.memory_space<vmem_shared>>)
      tpu.yield
    }) : () -> ()
    %mul3A_21 = arith.constant 640 : i32
    %mul3A_22 = arith.muli %arg1, %mul3A_21 : i32
    %add3A_23 = arith.constant 384 : i32
    %add3A_24 = arith.addi %mul3A_22, %add3A_23 : i32
    "tpu.region"() ({
      %run_scoped3A = tpu.sem_alloc : memref<!tpu.dma_semaphore, #tpu.memory_space<semaphore_mem>>
      %dma_start3A_85 = arith.constant 0 : i32
      %dma_start3A_86 = tpu.memref_slice %arg12[%add3A_24, %dma_start3A_85] : memref<10240x128xf32, #tpu.memory_space<vmem_shared>> -> memref<128x128xf32, #tpu.memory_space<vmem_shared>>
      %dma_start3A_87 = arith.constant 0 : i32
      %dma_start3A_88 = tpu.memref_slice %arg12[%add3A_24, %dma_start3A_87] : memref<10240x128xf32, #tpu.memory_space<vmem_shared>> -> memref<128x128xf32, #tpu.memory_space<vmem_shared>>
      tpu.enqueue_dma source(%arg10 : memref<128x128xf32, #tpu.memory_space<vmem>>) target(%dma_start3A_88 : memref<128x128xf32, #tpu.memory_space<vmem_shared>>) target_semaphore(%run_scoped3A : memref<!tpu.dma_semaphore, #tpu.memory_space<semaphore_mem>>)
      %dma_wait3A_89 = arith.constant 0 : i32
      %dma_wait3A_90 = tpu.memref_slice %arg12[%add3A_24, %dma_wait3A_89] : memref<10240x128xf32, #tpu.memory_space<vmem_shared>> -> memref<128x128xf32, #tpu.memory_space<vmem_shared>>
      %dma_wait3A_91 = arith.constant 0 : i32
      %dma_wait3A_92 = tpu.memref_slice %arg12[%add3A_24, %dma_wait3A_91] : memref<10240x128xf32, #tpu.memory_space<vmem_shared>> -> memref<128x128xf32, #tpu.memory_space<vmem_shared>>
      tpu.wait_dma2 semaphore(%run_scoped3A : memref<!tpu.dma_semaphore, #tpu.memory_space<semaphore_mem>>) src(%arg10 : memref<128x128xf32, #tpu.memory_space<vmem>>) dst(%dma_wait3A_92 : memref<128x128xf32, #tpu.memory_space<vmem_shared>>)
      tpu.yield
    }) : () -> ()
    %mul3A_25 = arith.constant 640 : i32
    %mul3A_26 = arith.muli %arg1, %mul3A_25 : i32
    %add3A_27 = arith.constant 512 : i32
    %add3A_28 = arith.addi %mul3A_26, %add3A_27 : i32
    "tpu.region"() ({
      %run_scoped3A = tpu.sem_alloc : memref<!tpu.dma_semaphore, #tpu.memory_space<semaphore_mem>>
      %dma_start3A_85 = arith.constant 0 : i32
      %dma_start3A_86 = tpu.memref_slice %arg12[%add3A_28, %dma_start3A_85] : memref<10240x128xf32, #tpu.memory_space<vmem_shared>> -> memref<128x128xf32, #tpu.memory_space<vmem_shared>>
      %dma_start3A_87 = arith.constant 0 : i32
      %dma_start3A_88 = tpu.memref_slice %arg12[%add3A_28, %dma_start3A_87] : memref<10240x128xf32, #tpu.memory_space<vmem_shared>> -> memref<128x128xf32, #tpu.memory_space<vmem_shared>>
      tpu.enqueue_dma source(%arg10 : memref<128x128xf32, #tpu.memory_space<vmem>>) target(%dma_start3A_88 : memref<128x128xf32, #tpu.memory_space<vmem_shared>>) target_semaphore(%run_scoped3A : memref<!tpu.dma_semaphore, #tpu.memory_space<semaphore_mem>>)
      %dma_wait3A_89 = arith.constant 0 : i32
      %dma_wait3A_90 = tpu.memref_slice %arg12[%add3A_28, %dma_wait3A_89] : memref<10240x128xf32, #tpu.memory_space<vmem_shared>> -> memref<128x128xf32, #tpu.memory_space<vmem_shared>>
      %dma_wait3A_91 = arith.constant 0 : i32
      %dma_wait3A_92 = tpu.memref_slice %arg12[%add3A_28, %dma_wait3A_91] : memref<10240x128xf32, #tpu.memory_space<vmem_shared>> -> memref<128x128xf32, #tpu.memory_space<vmem_shared>>
      tpu.wait_dma2 semaphore(%run_scoped3A : memref<!tpu.dma_semaphore, #tpu.memory_space<semaphore_mem>>) src(%arg10 : memref<128x128xf32, #tpu.memory_space<vmem>>) dst(%dma_wait3A_92 : memref<128x128xf32, #tpu.memory_space<vmem_shared>>)
      tpu.yield
    }) : () -> ()
    %barrier3A = arith.constant 0 : index
    tpu.barrier barrier_id(%barrier3A)
    %dma_start3A = arith.constant 0 : i32
    %dma_start3A_29 = tpu.memref_slice %arg3[%mul3A_2, %dma_start3A] : memref<2560x128xi32, #tpu.memory_space<hbm>> -> memref<1x128xi32, #tpu.memory_space<hbm>>
    %dma_start3A_30 = tpu.memref_squeeze %dma_start3A_29 : memref<1x128xi32, #tpu.memory_space<hbm>> -> memref<128xi32, #tpu.memory_space<hbm>>
    %dma_start3A_31 = arith.constant 0 : i32
    %dma_start3A_32 = tpu.memref_slice %arg3[%mul3A_2, %dma_start3A_31] : memref<2560x128xi32, #tpu.memory_space<hbm>> -> memref<1x128xi32, #tpu.memory_space<hbm>>
    %dma_start3A_33 = tpu.memref_squeeze %dma_start3A_32 : memref<1x128xi32, #tpu.memory_space<hbm>> -> memref<128xi32, #tpu.memory_space<hbm>>
    tpu.enqueue_dma source(%dma_start3A_33 : memref<128xi32, #tpu.memory_space<hbm>>) target(%arg6 : memref<128xi32, #tpu.memory_space<vmem>>) target_semaphore(%arg13 : memref<!tpu.dma_semaphore, #tpu.memory_space<semaphore_mem>>)
    %dma_start3A_34 = arith.constant 0 : i32
    %dma_start3A_35 = tpu.memref_slice %arg4[%mul3A_2, %dma_start3A_34] : memref<2560x128xi32, #tpu.memory_space<hbm>> -> memref<1x128xi32, #tpu.memory_space<hbm>>
    %dma_start3A_36 = tpu.memref_squeeze %dma_start3A_35 : memref<1x128xi32, #tpu.memory_space<hbm>> -> memref<128xi32, #tpu.memory_space<hbm>>
    %dma_start3A_37 = arith.constant 0 : i32
    %dma_start3A_38 = tpu.memref_slice %arg4[%mul3A_2, %dma_start3A_37] : memref<2560x128xi32, #tpu.memory_space<hbm>> -> memref<1x128xi32, #tpu.memory_space<hbm>>
    %dma_start3A_39 = tpu.memref_squeeze %dma_start3A_38 : memref<1x128xi32, #tpu.memory_space<hbm>> -> memref<128xi32, #tpu.memory_space<hbm>>
    tpu.enqueue_dma source(%dma_start3A_39 : memref<128xi32, #tpu.memory_space<hbm>>) target(%arg8 : memref<128xi32, #tpu.memory_space<vmem>>) target_semaphore(%arg15 : memref<!tpu.dma_semaphore, #tpu.memory_space<semaphore_mem>>)
    %add3A_40 = arith.constant 1 : i32
    %add3A_41 = arith.addi %mul3A_2, %add3A_40 : i32
    %dma_start3A_42 = arith.constant 0 : i32
    %dma_start3A_43 = tpu.memref_slice %arg3[%add3A_41, %dma_start3A_42] : memref<2560x128xi32, #tpu.memory_space<hbm>> -> memref<1x128xi32, #tpu.memory_space<hbm>>
    %dma_start3A_44 = tpu.memref_squeeze %dma_start3A_43 : memref<1x128xi32, #tpu.memory_space<hbm>> -> memref<128xi32, #tpu.memory_space<hbm>>
    %dma_start3A_45 = arith.constant 0 : i32
    %dma_start3A_46 = tpu.memref_slice %arg3[%add3A_41, %dma_start3A_45] : memref<2560x128xi32, #tpu.memory_space<hbm>> -> memref<1x128xi32, #tpu.memory_space<hbm>>
    %dma_start3A_47 = tpu.memref_squeeze %dma_start3A_46 : memref<1x128xi32, #tpu.memory_space<hbm>> -> memref<128xi32, #tpu.memory_space<hbm>>
    tpu.enqueue_dma source(%dma_start3A_47 : memref<128xi32, #tpu.memory_space<hbm>>) target(%arg7 : memref<128xi32, #tpu.memory_space<vmem>>) target_semaphore(%arg14 : memref<!tpu.dma_semaphore, #tpu.memory_space<semaphore_mem>>)
    %add3A_48 = arith.constant 1 : i32
    %add3A_49 = arith.addi %mul3A_2, %add3A_48 : i32
    %dma_start3A_50 = arith.constant 0 : i32
    %dma_start3A_51 = tpu.memref_slice %arg4[%add3A_49, %dma_start3A_50] : memref<2560x128xi32, #tpu.memory_space<hbm>> -> memref<1x128xi32, #tpu.memory_space<hbm>>
    %dma_start3A_52 = tpu.memref_squeeze %dma_start3A_51 : memref<1x128xi32, #tpu.memory_space<hbm>> -> memref<128xi32, #tpu.memory_space<hbm>>
    %dma_start3A_53 = arith.constant 0 : i32
    %dma_start3A_54 = tpu.memref_slice %arg4[%add3A_49, %dma_start3A_53] : memref<2560x128xi32, #tpu.memory_space<hbm>> -> memref<1x128xi32, #tpu.memory_space<hbm>>
    %dma_start3A_55 = tpu.memref_squeeze %dma_start3A_54 : memref<1x128xi32, #tpu.memory_space<hbm>> -> memref<128xi32, #tpu.memory_space<hbm>>
    tpu.enqueue_dma source(%dma_start3A_55 : memref<128xi32, #tpu.memory_space<hbm>>) target(%arg9 : memref<128xi32, #tpu.memory_space<vmem>>) target_semaphore(%arg16 : memref<!tpu.dma_semaphore, #tpu.memory_space<semaphore_mem>>)
    %dma_wait3A = arith.constant 0 : i32
    %dma_wait3A_56 = tpu.memref_slice %arg3[%mul3A_2, %dma_wait3A] : memref<2560x128xi32, #tpu.memory_space<hbm>> -> memref<1x128xi32, #tpu.memory_space<hbm>>
    %dma_wait3A_57 = tpu.memref_squeeze %dma_wait3A_56 : memref<1x128xi32, #tpu.memory_space<hbm>> -> memref<128xi32, #tpu.memory_space<hbm>>
    %dma_wait3A_58 = arith.constant 0 : i32
    %dma_wait3A_59 = tpu.memref_slice %arg3[%mul3A_2, %dma_wait3A_58] : memref<2560x128xi32, #tpu.memory_space<hbm>> -> memref<1x128xi32, #tpu.memory_space<hbm>>
    %dma_wait3A_60 = tpu.memref_squeeze %dma_wait3A_59 : memref<1x128xi32, #tpu.memory_space<hbm>> -> memref<128xi32, #tpu.memory_space<hbm>>
    tpu.wait_dma2 semaphore(%arg13 : memref<!tpu.dma_semaphore, #tpu.memory_space<semaphore_mem>>) src(%dma_wait3A_60 : memref<128xi32, #tpu.memory_space<hbm>>) dst(%arg6 : memref<128xi32, #tpu.memory_space<vmem>>)
    %dma_wait3A_61 = arith.constant 0 : i32
    %dma_wait3A_62 = tpu.memref_slice %arg4[%mul3A_2, %dma_wait3A_61] : memref<2560x128xi32, #tpu.memory_space<hbm>> -> memref<1x128xi32, #tpu.memory_space<hbm>>
    %dma_wait3A_63 = tpu.memref_squeeze %dma_wait3A_62 : memref<1x128xi32, #tpu.memory_space<hbm>> -> memref<128xi32, #tpu.memory_space<hbm>>
    %dma_wait3A_64 = arith.constant 0 : i32
    %dma_wait3A_65 = tpu.memref_slice %arg4[%mul3A_2, %dma_wait3A_64] : memref<2560x128xi32, #tpu.memory_space<hbm>> -> memref<1x128xi32, #tpu.memory_space<hbm>>
    %dma_wait3A_66 = tpu.memref_squeeze %dma_wait3A_65 : memref<1x128xi32, #tpu.memory_space<hbm>> -> memref<128xi32, #tpu.memory_space<hbm>>
    tpu.wait_dma2 semaphore(%arg15 : memref<!tpu.dma_semaphore, #tpu.memory_space<semaphore_mem>>) src(%dma_wait3A_66 : memref<128xi32, #tpu.memory_space<hbm>>) dst(%arg8 : memref<128xi32, #tpu.memory_space<vmem>>)
    %dma_start3A_67 = arith.constant 0 : i32
    %dma_start3A_68 = arith.constant 0 : i32
    %dma_start3A_69 = tpu.memref_slice %arg2[%dma_start3A_67, %dma_start3A_68] : memref<10000x128xf32, #tpu.memory_space<hbm>> -> memref<10000x128xf32, #tpu.memory_space<hbm>>
    tpu.enqueue_indirect_dma source(%dma_start3A_69 : memref<10000x128xf32, #tpu.memory_space<hbm>>) target(%arg10 : memref<128x128xf32, #tpu.memory_space<vmem>>) offsets(%arg6 : memref<128xi32, #tpu.memory_space<vmem>>) semaphore(%arg17 : memref<!tpu.dma_semaphore, #tpu.memory_space<semaphore_mem>>)
    %scan3A_70 = arith.constant 0 : i32
    %scan3A_71 = arith.constant 0 : i32
    %scan3A_72 = arith.constant 40 : i32
    %scan3A_73 = arith.addi %scan3A_71, %scan3A_72 : i32
    %scan3A_74 = arith.constant 1 : i32
    %scan3A_75 = scf.for %scan3A_85 = %scan3A_71 to %scan3A_73 step %scan3A_74 iter_args(%scan3A_86 = %scan3A_70) -> (i32)  : i32 {
      %mul3A_87 = arith.constant 2 : i32
      %mul3A_88 = arith.muli %mul3A_87, %scan3A_85 : i32
      %add3A_89 = arith.addi %mul3A_2, %mul3A_88 : i32
      %ge3A = arith.constant 39 : i32
      %ge3A_90 = arith.cmpi sge, %scan3A_85, %ge3A : i32
      %add3A_91 = arith.constant 1 : i32
      %add3A_92 = arith.addi %add3A_89, %add3A_91 : i32
      %dma_wait3A_93 = arith.constant 0 : i32
      %dma_wait3A_94 = tpu.memref_slice %arg3[%add3A_92, %dma_wait3A_93] : memref<2560x128xi32, #tpu.memory_space<hbm>> -> memref<1x128xi32, #tpu.memory_space<hbm>>
      %dma_wait3A_95 = tpu.memref_squeeze %dma_wait3A_94 : memref<1x128xi32, #tpu.memory_space<hbm>> -> memref<128xi32, #tpu.memory_space<hbm>>
      %dma_wait3A_96 = arith.constant 0 : i32
      %dma_wait3A_97 = tpu.memref_slice %arg3[%add3A_92, %dma_wait3A_96] : memref<2560x128xi32, #tpu.memory_space<hbm>> -> memref<1x128xi32, #tpu.memory_space<hbm>>
      %dma_wait3A_98 = tpu.memref_squeeze %dma_wait3A_97 : memref<1x128xi32, #tpu.memory_space<hbm>> -> memref<128xi32, #tpu.memory_space<hbm>>
      tpu.wait_dma2 semaphore(%arg14 : memref<!tpu.dma_semaphore, #tpu.memory_space<semaphore_mem>>) src(%dma_wait3A_98 : memref<128xi32, #tpu.memory_space<hbm>>) dst(%arg7 : memref<128xi32, #tpu.memory_space<vmem>>)
      %add3A_99 = arith.constant 1 : i32
      %add3A_100 = arith.addi %add3A_89, %add3A_99 : i32
      %dma_wait3A_101 = arith.constant 0 : i32
      %dma_wait3A_102 = tpu.memref_slice %arg4[%add3A_100, %dma_wait3A_101] : memref<2560x128xi32, #tpu.memory_space<hbm>> -> memref<1x128xi32, #tpu.memory_space<hbm>>
      %dma_wait3A_103 = tpu.memref_squeeze %dma_wait3A_102 : memref<1x128xi32, #tpu.memory_space<hbm>> -> memref<128xi32, #tpu.memory_space<hbm>>
      %dma_wait3A_104 = arith.constant 0 : i32
      %dma_wait3A_105 = tpu.memref_slice %arg4[%add3A_100, %dma_wait3A_104] : memref<2560x128xi32, #tpu.memory_space<hbm>> -> memref<1x128xi32, #tpu.memory_space<hbm>>
      %dma_wait3A_106 = tpu.memref_squeeze %dma_wait3A_105 : memref<1x128xi32, #tpu.memory_space<hbm>> -> memref<128xi32, #tpu.memory_space<hbm>>
      tpu.wait_dma2 semaphore(%arg16 : memref<!tpu.dma_semaphore, #tpu.memory_space<semaphore_mem>>) src(%dma_wait3A_106 : memref<128xi32, #tpu.memory_space<hbm>>) dst(%arg9 : memref<128xi32, #tpu.memory_space<vmem>>)
      %dma_start3A_107 = arith.constant 0 : i32
      %dma_start3A_108 = arith.constant 0 : i32
      %dma_start3A_109 = tpu.memref_slice %arg2[%dma_start3A_107, %dma_start3A_108] : memref<10000x128xf32, #tpu.memory_space<hbm>> -> memref<10000x128xf32, #tpu.memory_space<hbm>>
      tpu.enqueue_indirect_dma source(%dma_start3A_109 : memref<10000x128xf32, #tpu.memory_space<hbm>>) target(%arg11 : memref<128x128xf32, #tpu.memory_space<vmem>>) offsets(%arg7 : memref<128xi32, #tpu.memory_space<vmem>>) semaphore(%arg18 : memref<!tpu.dma_semaphore, #tpu.memory_space<semaphore_mem>>)
      %dma_wait3A_110 = arith.constant 0 : i32
      %dma_wait3A_111 = arith.constant 0 : i32
      %dma_wait3A_112 = tpu.memref_slice %arg2[%dma_wait3A_110, %dma_wait3A_111] : memref<10000x128xf32, #tpu.memory_space<hbm>> -> memref<10000x128xf32, #tpu.memory_space<hbm>>
      tpu.wait_indirect_dma semaphore(%arg17 : memref<!tpu.dma_semaphore, #tpu.memory_space<semaphore_mem>>) src(%dma_wait3A_112 : memref<10000x128xf32, #tpu.memory_space<hbm>>) dst(%arg10 : memref<128x128xf32, #tpu.memory_space<vmem>>)
      "tpu.region"() ({
        %run_scoped3A = tpu.sem_alloc : memref<!tpu.dma_semaphore, #tpu.memory_space<semaphore_mem>>
        %dma_start3A_124 = arith.constant 0 : i32
        %dma_start3A_125 = arith.constant 0 : i32
        %dma_start3A_126 = tpu.memref_slice %arg12[%dma_start3A_124, %dma_start3A_125] : memref<10240x128xf32, #tpu.memory_space<vmem_shared>> -> memref<10240x128xf32, #tpu.memory_space<vmem_shared>>
        tpu.enqueue_indirect_dma source(%arg10 : memref<128x128xf32, #tpu.memory_space<vmem>>) target(%dma_start3A_126 : memref<10240x128xf32, #tpu.memory_space<vmem_shared>>) offsets(%arg8 : memref<128xi32, #tpu.memory_space<vmem>>) semaphore(%run_scoped3A : memref<!tpu.dma_semaphore, #tpu.memory_space<semaphore_mem>>) {add = true}
        %dma_wait3A_127 = arith.constant 0 : i32
        %dma_wait3A_128 = arith.constant 0 : i32
        %dma_wait3A_129 = tpu.memref_slice %arg12[%dma_wait3A_127, %dma_wait3A_128] : memref<10240x128xf32, #tpu.memory_space<vmem_shared>> -> memref<10240x128xf32, #tpu.memory_space<vmem_shared>>
        tpu.wait_indirect_dma semaphore(%run_scoped3A : memref<!tpu.dma_semaphore, #tpu.memory_space<semaphore_mem>>) src(%arg10 : memref<128x128xf32, #tpu.memory_space<vmem>>) dst(%dma_wait3A_129 : memref<10240x128xf32, #tpu.memory_space<vmem_shared>>)
        tpu.yield
      }) : () -> ()
      %not3A = arith.constant true
      %not3A_113 = arith.xori %ge3A_90, %not3A : i1
      %convert_element_type3A = arith.extui %not3A_113 : i1 to i32
      %cond3A = arith.constant 0 : i32
      %cond3A_114 = arith.cmpi ne, %convert_element_type3A, %cond3A : i32
      scf.if %cond3A_114 {
        %add3A_124 = arith.constant 2 : i32
        %add3A_125 = arith.addi %add3A_89, %add3A_124 : i32
        %dma_start3A_126 = arith.constant 0 : i32
        %dma_start3A_127 = tpu.memref_slice %arg3[%add3A_125, %dma_start3A_126] : memref<2560x128xi32, #tpu.memory_space<hbm>> -> memref<1x128xi32, #tpu.memory_space<hbm>>
        %dma_start3A_128 = tpu.memref_squeeze %dma_start3A_127 : memref<1x128xi32, #tpu.memory_space<hbm>> -> memref<128xi32, #tpu.memory_space<hbm>>
        %dma_start3A_129 = arith.constant 0 : i32
        %dma_start3A_130 = tpu.memref_slice %arg3[%add3A_125, %dma_start3A_129] : memref<2560x128xi32, #tpu.memory_space<hbm>> -> memref<1x128xi32, #tpu.memory_space<hbm>>
        %dma_start3A_131 = tpu.memref_squeeze %dma_start3A_130 : memref<1x128xi32, #tpu.memory_space<hbm>> -> memref<128xi32, #tpu.memory_space<hbm>>
        tpu.enqueue_dma source(%dma_start3A_131 : memref<128xi32, #tpu.memory_space<hbm>>) target(%arg6 : memref<128xi32, #tpu.memory_space<vmem>>) target_semaphore(%arg13 : memref<!tpu.dma_semaphore, #tpu.memory_space<semaphore_mem>>)
        %add3A_132 = arith.constant 2 : i32
        %add3A_133 = arith.addi %add3A_89, %add3A_132 : i32
        %dma_start3A_134 = arith.constant 0 : i32
        %dma_start3A_135 = tpu.memref_slice %arg4[%add3A_133, %dma_start3A_134] : memref<2560x128xi32, #tpu.memory_space<hbm>> -> memref<1x128xi32, #tpu.memory_space<hbm>>
        %dma_start3A_136 = tpu.memref_squeeze %dma_start3A_135 : memref<1x128xi32, #tpu.memory_space<hbm>> -> memref<128xi32, #tpu.memory_space<hbm>>
        %dma_start3A_137 = arith.constant 0 : i32
        %dma_start3A_138 = tpu.memref_slice %arg4[%add3A_133, %dma_start3A_137] : memref<2560x128xi32, #tpu.memory_space<hbm>> -> memref<1x128xi32, #tpu.memory_space<hbm>>
        %dma_start3A_139 = tpu.memref_squeeze %dma_start3A_138 : memref<1x128xi32, #tpu.memory_space<hbm>> -> memref<128xi32, #tpu.memory_space<hbm>>
        tpu.enqueue_dma source(%dma_start3A_139 : memref<128xi32, #tpu.memory_space<hbm>>) target(%arg8 : memref<128xi32, #tpu.memory_space<vmem>>) target_semaphore(%arg15 : memref<!tpu.dma_semaphore, #tpu.memory_space<semaphore_mem>>)
        %add3A_140 = arith.constant 2 : i32
        %add3A_141 = arith.addi %add3A_89, %add3A_140 : i32
        %dma_wait3A_142 = arith.constant 0 : i32
        %dma_wait3A_143 = tpu.memref_slice %arg3[%add3A_141, %dma_wait3A_142] : memref<2560x128xi32, #tpu.memory_space<hbm>> -> memref<1x128xi32, #tpu.memory_space<hbm>>
        %dma_wait3A_144 = tpu.memref_squeeze %dma_wait3A_143 : memref<1x128xi32, #tpu.memory_space<hbm>> -> memref<128xi32, #tpu.memory_space<hbm>>
        %dma_wait3A_145 = arith.constant 0 : i32
        %dma_wait3A_146 = tpu.memref_slice %arg3[%add3A_141, %dma_wait3A_145] : memref<2560x128xi32, #tpu.memory_space<hbm>> -> memref<1x128xi32, #tpu.memory_space<hbm>>
        %dma_wait3A_147 = tpu.memref_squeeze %dma_wait3A_146 : memref<1x128xi32, #tpu.memory_space<hbm>> -> memref<128xi32, #tpu.memory_space<hbm>>
        tpu.wait_dma2 semaphore(%arg13 : memref<!tpu.dma_semaphore, #tpu.memory_space<semaphore_mem>>) src(%dma_wait3A_147 : memref<128xi32, #tpu.memory_space<hbm>>) dst(%arg6 : memref<128xi32, #tpu.memory_space<vmem>>)
        %add3A_148 = arith.constant 2 : i32
        %add3A_149 = arith.addi %add3A_89, %add3A_148 : i32
        %dma_wait3A_150 = arith.constant 0 : i32
        %dma_wait3A_151 = tpu.memref_slice %arg4[%add3A_149, %dma_wait3A_150] : memref<2560x128xi32, #tpu.memory_space<hbm>> -> memref<1x128xi32, #tpu.memory_space<hbm>>
        %dma_wait3A_152 = tpu.memref_squeeze %dma_wait3A_151 : memref<1x128xi32, #tpu.memory_space<hbm>> -> memref<128xi32, #tpu.memory_space<hbm>>
        %dma_wait3A_153 = arith.constant 0 : i32
        %dma_wait3A_154 = tpu.memref_slice %arg4[%add3A_149, %dma_wait3A_153] : memref<2560x128xi32, #tpu.memory_space<hbm>> -> memref<1x128xi32, #tpu.memory_space<hbm>>
        %dma_wait3A_155 = tpu.memref_squeeze %dma_wait3A_154 : memref<1x128xi32, #tpu.memory_space<hbm>> -> memref<128xi32, #tpu.memory_space<hbm>>
        tpu.wait_dma2 semaphore(%arg15 : memref<!tpu.dma_semaphore, #tpu.memory_space<semaphore_mem>>) src(%dma_wait3A_155 : memref<128xi32, #tpu.memory_space<hbm>>) dst(%arg8 : memref<128xi32, #tpu.memory_space<vmem>>)
        %dma_start3A_156 = arith.constant 0 : i32
        %dma_start3A_157 = arith.constant 0 : i32
        %dma_start3A_158 = tpu.memref_slice %arg2[%dma_start3A_156, %dma_start3A_157] : memref<10000x128xf32, #tpu.memory_space<hbm>> -> memref<10000x128xf32, #tpu.memory_space<hbm>>
        tpu.enqueue_indirect_dma source(%dma_start3A_158 : memref<10000x128xf32, #tpu.memory_space<hbm>>) target(%arg10 : memref<128x128xf32, #tpu.memory_space<vmem>>) offsets(%arg6 : memref<128xi32, #tpu.memory_space<vmem>>) semaphore(%arg17 : memref<!tpu.dma_semaphore, #tpu.memory_space<semaphore_mem>>)
      } else {
      }
      %dma_wait3A_115 = arith.constant 0 : i32
      %dma_wait3A_116 = arith.constant 0 : i32
      %dma_wait3A_117 = tpu.memref_slice %arg2[%dma_wait3A_115, %dma_wait3A_116] : memref<10000x128xf32, #tpu.memory_space<hbm>> -> memref<10000x128xf32, #tpu.memory_space<hbm>>
      tpu.wait_indirect_dma semaphore(%arg18 : memref<!tpu.dma_semaphore, #tpu.memory_space<semaphore_mem>>) src(%dma_wait3A_117 : memref<10000x128xf32, #tpu.memory_space<hbm>>) dst(%arg11 : memref<128x128xf32, #tpu.memory_space<vmem>>)
      "tpu.region"() ({
        %run_scoped3A = tpu.sem_alloc : memref<!tpu.dma_semaphore, #tpu.memory_space<semaphore_mem>>
        %dma_start3A_124 = arith.constant 0 : i32
        %dma_start3A_125 = arith.constant 0 : i32
        %dma_start3A_126 = tpu.memref_slice %arg12[%dma_start3A_124, %dma_start3A_125] : memref<10240x128xf32, #tpu.memory_space<vmem_shared>> -> memref<10240x128xf32, #tpu.memory_space<vmem_shared>>
        tpu.enqueue_indirect_dma source(%arg11 : memref<128x128xf32, #tpu.memory_space<vmem>>) target(%dma_start3A_126 : memref<10240x128xf32, #tpu.memory_space<vmem_shared>>) offsets(%arg9 : memref<128xi32, #tpu.memory_space<vmem>>) semaphore(%run_scoped3A : memref<!tpu.dma_semaphore, #tpu.memory_space<semaphore_mem>>) {add = true}
        %dma_wait3A_127 = arith.constant 0 : i32
        %dma_wait3A_128 = arith.constant 0 : i32
        %dma_wait3A_129 = tpu.memref_slice %arg12[%dma_wait3A_127, %dma_wait3A_128] : memref<10240x128xf32, #tpu.memory_space<vmem_shared>> -> memref<10240x128xf32, #tpu.memory_space<vmem_shared>>
        tpu.wait_indirect_dma semaphore(%run_scoped3A : memref<!tpu.dma_semaphore, #tpu.memory_space<semaphore_mem>>) src(%arg11 : memref<128x128xf32, #tpu.memory_space<vmem>>) dst(%dma_wait3A_129 : memref<10240x128xf32, #tpu.memory_space<vmem_shared>>)
        tpu.yield
      }) : () -> ()
      %not3A_118 = arith.constant true
      %not3A_119 = arith.xori %ge3A_90, %not3A_118 : i1
      %convert_element_type3A_120 = arith.extui %not3A_119 : i1 to i32
      %cond3A_121 = arith.constant 0 : i32
      %cond3A_122 = arith.cmpi ne, %convert_element_type3A_120, %cond3A_121 : i32
      scf.if %cond3A_122 {
        %add3A_124 = arith.constant 3 : i32
        %add3A_125 = arith.addi %add3A_89, %add3A_124 : i32
        %dma_start3A_126 = arith.constant 0 : i32
        %dma_start3A_127 = tpu.memref_slice %arg3[%add3A_125, %dma_start3A_126] : memref<2560x128xi32, #tpu.memory_space<hbm>> -> memref<1x128xi32, #tpu.memory_space<hbm>>
        %dma_start3A_128 = tpu.memref_squeeze %dma_start3A_127 : memref<1x128xi32, #tpu.memory_space<hbm>> -> memref<128xi32, #tpu.memory_space<hbm>>
        %dma_start3A_129 = arith.constant 0 : i32
        %dma_start3A_130 = tpu.memref_slice %arg3[%add3A_125, %dma_start3A_129] : memref<2560x128xi32, #tpu.memory_space<hbm>> -> memref<1x128xi32, #tpu.memory_space<hbm>>
        %dma_start3A_131 = tpu.memref_squeeze %dma_start3A_130 : memref<1x128xi32, #tpu.memory_space<hbm>> -> memref<128xi32, #tpu.memory_space<hbm>>
        tpu.enqueue_dma source(%dma_start3A_131 : memref<128xi32, #tpu.memory_space<hbm>>) target(%arg7 : memref<128xi32, #tpu.memory_space<vmem>>) target_semaphore(%arg14 : memref<!tpu.dma_semaphore, #tpu.memory_space<semaphore_mem>>)
        %add3A_132 = arith.constant 3 : i32
        %add3A_133 = arith.addi %add3A_89, %add3A_132 : i32
        %dma_start3A_134 = arith.constant 0 : i32
        %dma_start3A_135 = tpu.memref_slice %arg4[%add3A_133, %dma_start3A_134] : memref<2560x128xi32, #tpu.memory_space<hbm>> -> memref<1x128xi32, #tpu.memory_space<hbm>>
        %dma_start3A_136 = tpu.memref_squeeze %dma_start3A_135 : memref<1x128xi32, #tpu.memory_space<hbm>> -> memref<128xi32, #tpu.memory_space<hbm>>
        %dma_start3A_137 = arith.constant 0 : i32
        %dma_start3A_138 = tpu.memref_slice %arg4[%add3A_133, %dma_start3A_137] : memref<2560x128xi32, #tpu.memory_space<hbm>> -> memref<1x128xi32, #tpu.memory_space<hbm>>
        %dma_start3A_139 = tpu.memref_squeeze %dma_start3A_138 : memref<1x128xi32, #tpu.memory_space<hbm>> -> memref<128xi32, #tpu.memory_space<hbm>>
        tpu.enqueue_dma source(%dma_start3A_139 : memref<128xi32, #tpu.memory_space<hbm>>) target(%arg9 : memref<128xi32, #tpu.memory_space<vmem>>) target_semaphore(%arg16 : memref<!tpu.dma_semaphore, #tpu.memory_space<semaphore_mem>>)
      } else {
      }
      %scan3A_123 = arith.constant 0 : i32
      scf.yield %scan3A_123 : i32
    }
    %scan3A_76 = arith.constant 40 : i32
    %barrier3A_77 = arith.constant 0 : index
    tpu.barrier barrier_id(%barrier3A_77)
    %mul3A_78 = arith.constant 640 : i32
    %mul3A_79 = arith.muli %arg1, %mul3A_78 : i32
    %mul3A_80 = arith.constant 10240 : i32
    %mul3A_81 = arith.muli %arg0, %mul3A_80 : i32
    %mul3A_82 = arith.constant 640 : i32
    %mul3A_83 = arith.muli %arg1, %mul3A_82 : i32
    %add3A_84 = arith.addi %mul3A_81, %mul3A_83 : i32
    "tpu.region"() ({
      %run_scoped3A = tpu.sem_alloc : memref<!tpu.dma_semaphore, #tpu.memory_space<semaphore_mem>>
      %dma_start3A_85 = arith.constant 0 : i32
      %dma_start3A_86 = tpu.memref_slice %arg5[%add3A_84, %dma_start3A_85] : memref<20480x128xf32, #tpu.memory_space<hbm>> -> memref<640x128xf32, #tpu.memory_space<hbm>>
      %dma_start3A_87 = arith.constant 0 : i32
      %dma_start3A_88 = tpu.memref_slice %arg12[%mul3A_79, %dma_start3A_87] : memref<10240x128xf32, #tpu.memory_space<vmem_shared>> -> memref<640x128xf32, #tpu.memory_space<vmem_shared>>
      tpu.enqueue_dma source(%dma_start3A_88 : memref<640x128xf32, #tpu.memory_space<vmem_shared>>) target(%dma_start3A_86 : memref<640x128xf32, #tpu.memory_space<hbm>>) target_semaphore(%run_scoped3A : memref<!tpu.dma_semaphore, #tpu.memory_space<semaphore_mem>>)
      %dma_wait3A_89 = arith.constant 0 : i32
      %dma_wait3A_90 = tpu.memref_slice %arg5[%add3A_84, %dma_wait3A_89] : memref<20480x128xf32, #tpu.memory_space<hbm>> -> memref<640x128xf32, #tpu.memory_space<hbm>>
      %dma_wait3A_91 = arith.constant 0 : i32
      %dma_wait3A_92 = tpu.memref_slice %arg12[%mul3A_79, %dma_wait3A_91] : memref<10240x128xf32, #tpu.memory_space<vmem_shared>> -> memref<640x128xf32, #tpu.memory_space<vmem_shared>>
      tpu.wait_dma2 semaphore(%run_scoped3A : memref<!tpu.dma_semaphore, #tpu.memory_space<semaphore_mem>>) src(%dma_wait3A_92 : memref<640x128xf32, #tpu.memory_space<vmem_shared>>) dst(%dma_wait3A_90 : memref<640x128xf32, #tpu.memory_space<hbm>>)
      tpu.yield
    }) : () -> ()
    return
  }
}

#map = affine_map<(d0, d1) -> (0, 0)>
module attributes {stable_mosaic.version = 14 : i64} {
  func.func @_aggregate(%arg0: i32, %arg1: i32, %arg2: memref<20000x128xf32, #tpu.memory_space<hbm>>, %arg3: memref<5120x128xi32, #tpu.memory_space<hbm>>, %arg4: memref<5120x128xi32, #tpu.memory_space<hbm>>, %arg5: memref<20480x128xf32, #tpu.memory_space<hbm>>, %arg6: memref<128xi32, #tpu.memory_space<vmem>>, %arg7: memref<128xi32, #tpu.memory_space<vmem>>, %arg8: memref<128xi32, #tpu.memory_space<vmem>>, %arg9: memref<128xi32, #tpu.memory_space<vmem>>, %arg10: memref<128x128xf32, #tpu.memory_space<vmem>>, %arg11: memref<128x128xf32, #tpu.memory_space<vmem>>, %arg12: memref<10240x128xf32, #tpu.memory_space<vmem_shared>>, %arg13: memref<!tpu.dma_semaphore, #tpu.memory_space<semaphore_mem>>, %arg14: memref<!tpu.dma_semaphore, #tpu.memory_space<semaphore_mem>>, %arg15: memref<!tpu.dma_semaphore, #tpu.memory_space<semaphore_mem>>, %arg16: memref<!tpu.dma_semaphore, #tpu.memory_space<semaphore_mem>>, %arg17: memref<!tpu.dma_semaphore, #tpu.memory_space<semaphore_mem>>, %arg18: memref<!tpu.dma_semaphore, #tpu.memory_space<semaphore_mem>>) attributes {dimension_semantics = [#tpu.dimension_semantics<core_parallel>, #tpu.dimension_semantics<subcore_parallel>], iteration_bounds = array<i64: 2, 16>, scalar_prefetch = 0 : i64, scratch_operands = 13 : i64, tpu.core_type = #tpu.core_type<sc_vector_subcore>, window_params = [{transform_indices = #map}, {transform_indices = #map}, {transform_indices = #map}, {transform_indices = #map}]} {
    %mul3A = arith.constant 16 : i32
    %mul3A_0 = arith.muli %arg0, %mul3A : i32
    %add3A = arith.addi %mul3A_0, %arg1 : i32
    %mul3A_1 = arith.constant 160 : i32
    %mul3A_2 = arith.muli %add3A, %mul3A_1 : i32
    %scan3A = arith.constant 0 : i32
    %scan3A_3 = arith.constant 0 : i32
    %scan3A_4 = arith.constant 128 : i32
    %scan3A_5 = arith.addi %scan3A_3, %scan3A_4 : i32
    %scan3A_6 = arith.constant 1 : i32
    %scan3A_7 = scf.for %scan3A_85 = %scan3A_3 to %scan3A_5 step %scan3A_6 iter_args(%scan3A_86 = %scan3A) -> (i32)  : i32 {
      %broadcast_in_dim3A = arith.constant 0.000000e+00 : f32
      %broadcast_in_dim3A_87 = vector.broadcast %broadcast_in_dim3A : f32 to vector<16xf32>
      %swap3A = arith.index_cast %scan3A_85 : i32 to index
      %swap3A_88 = arith.constant 0 : index
      %swap3A_89 = tpu.vector_load %arg10[%swap3A, %swap3A_88] {strides = array<i32>} : memref<128x128xf32, #tpu.memory_space<vmem>>, vector<1x16xf32>,
      %swap3A_90 = vector.shape_cast %swap3A_89 : vector<1x16xf32> to vector<16xf32>
      %swap3A_91 = vector.shape_cast %broadcast_in_dim3A_87 : vector<16xf32> to vector<1x16xf32>
      tpu.vector_store %arg10[%swap3A, %swap3A_88], %swap3A_91 {strides = array<i32>} : memref<128x128xf32, #tpu.memory_space<vmem>>, vector<1x16xf32>,
      %broadcast_in_dim3A_92 = arith.constant 0.000000e+00 : f32
      %broadcast_in_dim3A_93 = vector.broadcast %broadcast_in_dim3A_92 : f32 to vector<16xf32>
      %swap3A_94 = arith.index_cast %scan3A_85 : i32 to index
      %swap3A_95 = arith.constant 16 : index
      %swap3A_96 = tpu.vector_load %arg10[%swap3A_94, %swap3A_95] {strides = array<i32>} : memref<128x128xf32, #tpu.memory_space<vmem>>, vector<1x16xf32>,
      %swap3A_97 = vector.shape_cast %swap3A_96 : vector<1x16xf32> to vector<16xf32>
      %swap3A_98 = vector.shape_cast %broadcast_in_dim3A_93 : vector<16xf32> to vector<1x16xf32>
      tpu.vector_store %arg10[%swap3A_94, %swap3A_95], %swap3A_98 {strides = array<i32>} : memref<128x128xf32, #tpu.memory_space<vmem>>, vector<1x16xf32>,
      %broadcast_in_dim3A_99 = arith.constant 0.000000e+00 : f32
      %broadcast_in_dim3A_100 = vector.broadcast %broadcast_in_dim3A_99 : f32 to vector<16xf32>
      %swap3A_101 = arith.index_cast %scan3A_85 : i32 to index
      %swap3A_102 = arith.constant 32 : index
      %swap3A_103 = tpu.vector_load %arg10[%swap3A_101, %swap3A_102] {strides = array<i32>} : memref<128x128xf32, #tpu.memory_space<vmem>>, vector<1x16xf32>,
      %swap3A_104 = vector.shape_cast %swap3A_103 : vector<1x16xf32> to vector<16xf32>
      %swap3A_105 = vector.shape_cast %broadcast_in_dim3A_100 : vector<16xf32> to vector<1x16xf32>
      tpu.vector_store %arg10[%swap3A_101, %swap3A_102], %swap3A_105 {strides = array<i32>} : memref<128x128xf32, #tpu.memory_space<vmem>>, vector<1x16xf32>,
      %broadcast_in_dim3A_106 = arith.constant 0.000000e+00 : f32
      %broadcast_in_dim3A_107 = vector.broadcast %broadcast_in_dim3A_106 : f32 to vector<16xf32>
      %swap3A_108 = arith.index_cast %scan3A_85 : i32 to index
      %swap3A_109 = arith.constant 48 : index
      %swap3A_110 = tpu.vector_load %arg10[%swap3A_108, %swap3A_109] {strides = array<i32>} : memref<128x128xf32, #tpu.memory_space<vmem>>, vector<1x16xf32>,
      %swap3A_111 = vector.shape_cast %swap3A_110 : vector<1x16xf32> to vector<16xf32>
      %swap3A_112 = vector.shape_cast %broadcast_in_dim3A_107 : vector<16xf32> to vector<1x16xf32>
      tpu.vector_store %arg10[%swap3A_108, %swap3A_109], %swap3A_112 {strides = array<i32>} : memref<128x128xf32, #tpu.memory_space<vmem>>, vector<1x16xf32>,
      %broadcast_in_dim3A_113 = arith.constant 0.000000e+00 : f32
      %broadcast_in_dim3A_114 = vector.broadcast %broadcast_in_dim3A_113 : f32 to vector<16xf32>
      %swap3A_115 = arith.index_cast %scan3A_85 : i32 to index
      %swap3A_116 = arith.constant 64 : index
      %swap3A_117 = tpu.vector_load %arg10[%swap3A_115, %swap3A_116] {strides = array<i32>} : memref<128x128xf32, #tpu.memory_space<vmem>>, vector<1x16xf32>,
      %swap3A_118 = vector.shape_cast %swap3A_117 : vector<1x16xf32> to vector<16xf32>
      %swap3A_119 = vector.shape_cast %broadcast_in_dim3A_114 : vector<16xf32> to vector<1x16xf32>
      tpu.vector_store %arg10[%swap3A_115, %swap3A_116], %swap3A_119 {strides = array<i32>} : memref<128x128xf32, #tpu.memory_space<vmem>>, vector<1x16xf32>,
      %broadcast_in_dim3A_120 = arith.constant 0.000000e+00 : f32
      %broadcast_in_dim3A_121 = vector.broadcast %broadcast_in_dim3A_120 : f32 to vector<16xf32>
      %swap3A_122 = arith.index_cast %scan3A_85 : i32 to index
      %swap3A_123 = arith.constant 80 : index
      %swap3A_124 = tpu.vector_load %arg10[%swap3A_122, %swap3A_123] {strides = array<i32>} : memref<128x128xf32, #tpu.memory_space<vmem>>, vector<1x16xf32>,
      %swap3A_125 = vector.shape_cast %swap3A_124 : vector<1x16xf32> to vector<16xf32>
      %swap3A_126 = vector.shape_cast %broadcast_in_dim3A_121 : vector<16xf32> to vector<1x16xf32>
      tpu.vector_store %arg10[%swap3A_122, %swap3A_123], %swap3A_126 {strides = array<i32>} : memref<128x128xf32, #tpu.memory_space<vmem>>, vector<1x16xf32>,
      %broadcast_in_dim3A_127 = arith.constant 0.000000e+00 : f32
      %broadcast_in_dim3A_128 = vector.broadcast %broadcast_in_dim3A_127 : f32 to vector<16xf32>
      %swap3A_129 = arith.index_cast %scan3A_85 : i32 to index
      %swap3A_130 = arith.constant 96 : index
      %swap3A_131 = tpu.vector_load %arg10[%swap3A_129, %swap3A_130] {strides = array<i32>} : memref<128x128xf32, #tpu.memory_space<vmem>>, vector<1x16xf32>,
      %swap3A_132 = vector.shape_cast %swap3A_131 : vector<1x16xf32> to vector<16xf32>
      %swap3A_133 = vector.shape_cast %broadcast_in_dim3A_128 : vector<16xf32> to vector<1x16xf32>
      tpu.vector_store %arg10[%swap3A_129, %swap3A_130], %swap3A_133 {strides = array<i32>} : memref<128x128xf32, #tpu.memory_space<vmem>>, vector<1x16xf32>,
      %broadcast_in_dim3A_134 = arith.constant 0.000000e+00 : f32
      %broadcast_in_dim3A_135 = vector.broadcast %broadcast_in_dim3A_134 : f32 to vector<16xf32>
      %swap3A_136 = arith.index_cast %scan3A_85 : i32 to index
      %swap3A_137 = arith.constant 112 : index
      %swap3A_138 = tpu.vector_load %arg10[%swap3A_136, %swap3A_137] {strides = array<i32>} : memref<128x128xf32, #tpu.memory_space<vmem>>, vector<1x16xf32>,
      %swap3A_139 = vector.shape_cast %swap3A_138 : vector<1x16xf32> to vector<16xf32>
      %swap3A_140 = vector.shape_cast %broadcast_in_dim3A_135 : vector<16xf32> to vector<1x16xf32>
      tpu.vector_store %arg10[%swap3A_136, %swap3A_137], %swap3A_140 {strides = array<i32>} : memref<128x128xf32, #tpu.memory_space<vmem>>, vector<1x16xf32>,
      %scan3A_141 = arith.constant 0 : i32
      scf.yield %scan3A_141 : i32
    }
    %scan3A_8 = arith.constant 128 : i32
    %mul3A_9 = arith.constant 640 : i32
    %mul3A_10 = arith.muli %arg1, %mul3A_9 : i32
    %add3A_11 = arith.constant 0 : i32
    %add3A_12 = arith.addi %mul3A_10, %add3A_11 : i32
    "tpu.region"() ({
      %run_scoped3A = tpu.sem_alloc : memref<!tpu.dma_semaphore, #tpu.memory_space<semaphore_mem>>
      %dma_start3A_85 = arith.constant 0 : i32
      %dma_start3A_86 = tpu.memref_slice %arg12[%add3A_12, %dma_start3A_85] : memref<10240x128xf32, #tpu.memory_space<vmem_shared>> -> memref<128x128xf32, #tpu.memory_space<vmem_shared>>
      %dma_start3A_87 = arith.constant 0 : i32
      %dma_start3A_88 = tpu.memref_slice %arg12[%add3A_12, %dma_start3A_87] : memref<10240x128xf32, #tpu.memory_space<vmem_shared>> -> memref<128x128xf32, #tpu.memory_space<vmem_shared>>
      tpu.enqueue_dma source(%arg10 : memref<128x128xf32, #tpu.memory_space<vmem>>) target(%dma_start3A_88 : memref<128x128xf32, #tpu.memory_space<vmem_shared>>) target_semaphore(%run_scoped3A : memref<!tpu.dma_semaphore, #tpu.memory_space<semaphore_mem>>)
      %dma_wait3A_89 = arith.constant 0 : i32
      %dma_wait3A_90 = tpu.memref_slice %arg12[%add3A_12, %dma_wait3A_89] : memref<10240x128xf32, #tpu.memory_space<vmem_shared>> -> memref<128x128xf32, #tpu.memory_space<vmem_shared>>
      %dma_wait3A_91 = arith.constant 0 : i32
      %dma_wait3A_92 = tpu.memref_slice %arg12[%add3A_12, %dma_wait3A_91] : memref<10240x128xf32, #tpu.memory_space<vmem_shared>> -> memref<128x128xf32, #tpu.memory_space<vmem_shared>>
      tpu.wait_dma2 semaphore(%run_scoped3A : memref<!tpu.dma_semaphore, #tpu.memory_space<semaphore_mem>>) src(%arg10 : memref<128x128xf32, #tpu.memory_space<vmem>>) dst(%dma_wait3A_92 : memref<128x128xf32, #tpu.memory_space<vmem_shared>>)
      tpu.yield
    }) : () -> ()
    %mul3A_13 = arith.constant 640 : i32
    %mul3A_14 = arith.muli %arg1, %mul3A_13 : i32
    %add3A_15 = arith.constant 128 : i32
    %add3A_16 = arith.addi %mul3A_14, %add3A_15 : i32
    "tpu.region"() ({
      %run_scoped3A = tpu.sem_alloc : memref<!tpu.dma_semaphore, #tpu.memory_space<semaphore_mem>>
      %dma_start3A_85 = arith.constant 0 : i32
      %dma_start3A_86 = tpu.memref_slice %arg12[%add3A_16, %dma_start3A_85] : memref<10240x128xf32, #tpu.memory_space<vmem_shared>> -> memref<128x128xf32, #tpu.memory_space<vmem_shared>>
      %dma_start3A_87 = arith.constant 0 : i32
      %dma_start3A_88 = tpu.memref_slice %arg12[%add3A_16, %dma_start3A_87] : memref<10240x128xf32, #tpu.memory_space<vmem_shared>> -> memref<128x128xf32, #tpu.memory_space<vmem_shared>>
      tpu.enqueue_dma source(%arg10 : memref<128x128xf32, #tpu.memory_space<vmem>>) target(%dma_start3A_88 : memref<128x128xf32, #tpu.memory_space<vmem_shared>>) target_semaphore(%run_scoped3A : memref<!tpu.dma_semaphore, #tpu.memory_space<semaphore_mem>>)
      %dma_wait3A_89 = arith.constant 0 : i32
      %dma_wait3A_90 = tpu.memref_slice %arg12[%add3A_16, %dma_wait3A_89] : memref<10240x128xf32, #tpu.memory_space<vmem_shared>> -> memref<128x128xf32, #tpu.memory_space<vmem_shared>>
      %dma_wait3A_91 = arith.constant 0 : i32
      %dma_wait3A_92 = tpu.memref_slice %arg12[%add3A_16, %dma_wait3A_91] : memref<10240x128xf32, #tpu.memory_space<vmem_shared>> -> memref<128x128xf32, #tpu.memory_space<vmem_shared>>
      tpu.wait_dma2 semaphore(%run_scoped3A : memref<!tpu.dma_semaphore, #tpu.memory_space<semaphore_mem>>) src(%arg10 : memref<128x128xf32, #tpu.memory_space<vmem>>) dst(%dma_wait3A_92 : memref<128x128xf32, #tpu.memory_space<vmem_shared>>)
      tpu.yield
    }) : () -> ()
    %mul3A_17 = arith.constant 640 : i32
    %mul3A_18 = arith.muli %arg1, %mul3A_17 : i32
    %add3A_19 = arith.constant 256 : i32
    %add3A_20 = arith.addi %mul3A_18, %add3A_19 : i32
    "tpu.region"() ({
      %run_scoped3A = tpu.sem_alloc : memref<!tpu.dma_semaphore, #tpu.memory_space<semaphore_mem>>
      %dma_start3A_85 = arith.constant 0 : i32
      %dma_start3A_86 = tpu.memref_slice %arg12[%add3A_20, %dma_start3A_85] : memref<10240x128xf32, #tpu.memory_space<vmem_shared>> -> memref<128x128xf32, #tpu.memory_space<vmem_shared>>
      %dma_start3A_87 = arith.constant 0 : i32
      %dma_start3A_88 = tpu.memref_slice %arg12[%add3A_20, %dma_start3A_87] : memref<10240x128xf32, #tpu.memory_space<vmem_shared>> -> memref<128x128xf32, #tpu.memory_space<vmem_shared>>
      tpu.enqueue_dma source(%arg10 : memref<128x128xf32, #tpu.memory_space<vmem>>) target(%dma_start3A_88 : memref<128x128xf32, #tpu.memory_space<vmem_shared>>) target_semaphore(%run_scoped3A : memref<!tpu.dma_semaphore, #tpu.memory_space<semaphore_mem>>)
      %dma_wait3A_89 = arith.constant 0 : i32
      %dma_wait3A_90 = tpu.memref_slice %arg12[%add3A_20, %dma_wait3A_89] : memref<10240x128xf32, #tpu.memory_space<vmem_shared>> -> memref<128x128xf32, #tpu.memory_space<vmem_shared>>
      %dma_wait3A_91 = arith.constant 0 : i32
      %dma_wait3A_92 = tpu.memref_slice %arg12[%add3A_20, %dma_wait3A_91] : memref<10240x128xf32, #tpu.memory_space<vmem_shared>> -> memref<128x128xf32, #tpu.memory_space<vmem_shared>>
      tpu.wait_dma2 semaphore(%run_scoped3A : memref<!tpu.dma_semaphore, #tpu.memory_space<semaphore_mem>>) src(%arg10 : memref<128x128xf32, #tpu.memory_space<vmem>>) dst(%dma_wait3A_92 : memref<128x128xf32, #tpu.memory_space<vmem_shared>>)
      tpu.yield
    }) : () -> ()
    %mul3A_21 = arith.constant 640 : i32
    %mul3A_22 = arith.muli %arg1, %mul3A_21 : i32
    %add3A_23 = arith.constant 384 : i32
    %add3A_24 = arith.addi %mul3A_22, %add3A_23 : i32
    "tpu.region"() ({
      %run_scoped3A = tpu.sem_alloc : memref<!tpu.dma_semaphore, #tpu.memory_space<semaphore_mem>>
      %dma_start3A_85 = arith.constant 0 : i32
      %dma_start3A_86 = tpu.memref_slice %arg12[%add3A_24, %dma_start3A_85] : memref<10240x128xf32, #tpu.memory_space<vmem_shared>> -> memref<128x128xf32, #tpu.memory_space<vmem_shared>>
      %dma_start3A_87 = arith.constant 0 : i32
      %dma_start3A_88 = tpu.memref_slice %arg12[%add3A_24, %dma_start3A_87] : memref<10240x128xf32, #tpu.memory_space<vmem_shared>> -> memref<128x128xf32, #tpu.memory_space<vmem_shared>>
      tpu.enqueue_dma source(%arg10 : memref<128x128xf32, #tpu.memory_space<vmem>>) target(%dma_start3A_88 : memref<128x128xf32, #tpu.memory_space<vmem_shared>>) target_semaphore(%run_scoped3A : memref<!tpu.dma_semaphore, #tpu.memory_space<semaphore_mem>>)
      %dma_wait3A_89 = arith.constant 0 : i32
      %dma_wait3A_90 = tpu.memref_slice %arg12[%add3A_24, %dma_wait3A_89] : memref<10240x128xf32, #tpu.memory_space<vmem_shared>> -> memref<128x128xf32, #tpu.memory_space<vmem_shared>>
      %dma_wait3A_91 = arith.constant 0 : i32
      %dma_wait3A_92 = tpu.memref_slice %arg12[%add3A_24, %dma_wait3A_91] : memref<10240x128xf32, #tpu.memory_space<vmem_shared>> -> memref<128x128xf32, #tpu.memory_space<vmem_shared>>
      tpu.wait_dma2 semaphore(%run_scoped3A : memref<!tpu.dma_semaphore, #tpu.memory_space<semaphore_mem>>) src(%arg10 : memref<128x128xf32, #tpu.memory_space<vmem>>) dst(%dma_wait3A_92 : memref<128x128xf32, #tpu.memory_space<vmem_shared>>)
      tpu.yield
    }) : () -> ()
    %mul3A_25 = arith.constant 640 : i32
    %mul3A_26 = arith.muli %arg1, %mul3A_25 : i32
    %add3A_27 = arith.constant 512 : i32
    %add3A_28 = arith.addi %mul3A_26, %add3A_27 : i32
    "tpu.region"() ({
      %run_scoped3A = tpu.sem_alloc : memref<!tpu.dma_semaphore, #tpu.memory_space<semaphore_mem>>
      %dma_start3A_85 = arith.constant 0 : i32
      %dma_start3A_86 = tpu.memref_slice %arg12[%add3A_28, %dma_start3A_85] : memref<10240x128xf32, #tpu.memory_space<vmem_shared>> -> memref<128x128xf32, #tpu.memory_space<vmem_shared>>
      %dma_start3A_87 = arith.constant 0 : i32
      %dma_start3A_88 = tpu.memref_slice %arg12[%add3A_28, %dma_start3A_87] : memref<10240x128xf32, #tpu.memory_space<vmem_shared>> -> memref<128x128xf32, #tpu.memory_space<vmem_shared>>
      tpu.enqueue_dma source(%arg10 : memref<128x128xf32, #tpu.memory_space<vmem>>) target(%dma_start3A_88 : memref<128x128xf32, #tpu.memory_space<vmem_shared>>) target_semaphore(%run_scoped3A : memref<!tpu.dma_semaphore, #tpu.memory_space<semaphore_mem>>)
      %dma_wait3A_89 = arith.constant 0 : i32
      %dma_wait3A_90 = tpu.memref_slice %arg12[%add3A_28, %dma_wait3A_89] : memref<10240x128xf32, #tpu.memory_space<vmem_shared>> -> memref<128x128xf32, #tpu.memory_space<vmem_shared>>
      %dma_wait3A_91 = arith.constant 0 : i32
      %dma_wait3A_92 = tpu.memref_slice %arg12[%add3A_28, %dma_wait3A_91] : memref<10240x128xf32, #tpu.memory_space<vmem_shared>> -> memref<128x128xf32, #tpu.memory_space<vmem_shared>>
      tpu.wait_dma2 semaphore(%run_scoped3A : memref<!tpu.dma_semaphore, #tpu.memory_space<semaphore_mem>>) src(%arg10 : memref<128x128xf32, #tpu.memory_space<vmem>>) dst(%dma_wait3A_92 : memref<128x128xf32, #tpu.memory_space<vmem_shared>>)
      tpu.yield
    }) : () -> ()
    %barrier3A = arith.constant 0 : index
    tpu.barrier barrier_id(%barrier3A)
    %dma_start3A = arith.constant 0 : i32
    %dma_start3A_29 = tpu.memref_slice %arg3[%mul3A_2, %dma_start3A] : memref<5120x128xi32, #tpu.memory_space<hbm>> -> memref<1x128xi32, #tpu.memory_space<hbm>>
    %dma_start3A_30 = tpu.memref_squeeze %dma_start3A_29 : memref<1x128xi32, #tpu.memory_space<hbm>> -> memref<128xi32, #tpu.memory_space<hbm>>
    %dma_start3A_31 = arith.constant 0 : i32
    %dma_start3A_32 = tpu.memref_slice %arg3[%mul3A_2, %dma_start3A_31] : memref<5120x128xi32, #tpu.memory_space<hbm>> -> memref<1x128xi32, #tpu.memory_space<hbm>>
    %dma_start3A_33 = tpu.memref_squeeze %dma_start3A_32 : memref<1x128xi32, #tpu.memory_space<hbm>> -> memref<128xi32, #tpu.memory_space<hbm>>
    tpu.enqueue_dma source(%dma_start3A_33 : memref<128xi32, #tpu.memory_space<hbm>>) target(%arg6 : memref<128xi32, #tpu.memory_space<vmem>>) target_semaphore(%arg13 : memref<!tpu.dma_semaphore, #tpu.memory_space<semaphore_mem>>)
    %dma_start3A_34 = arith.constant 0 : i32
    %dma_start3A_35 = tpu.memref_slice %arg4[%mul3A_2, %dma_start3A_34] : memref<5120x128xi32, #tpu.memory_space<hbm>> -> memref<1x128xi32, #tpu.memory_space<hbm>>
    %dma_start3A_36 = tpu.memref_squeeze %dma_start3A_35 : memref<1x128xi32, #tpu.memory_space<hbm>> -> memref<128xi32, #tpu.memory_space<hbm>>
    %dma_start3A_37 = arith.constant 0 : i32
    %dma_start3A_38 = tpu.memref_slice %arg4[%mul3A_2, %dma_start3A_37] : memref<5120x128xi32, #tpu.memory_space<hbm>> -> memref<1x128xi32, #tpu.memory_space<hbm>>
    %dma_start3A_39 = tpu.memref_squeeze %dma_start3A_38 : memref<1x128xi32, #tpu.memory_space<hbm>> -> memref<128xi32, #tpu.memory_space<hbm>>
    tpu.enqueue_dma source(%dma_start3A_39 : memref<128xi32, #tpu.memory_space<hbm>>) target(%arg8 : memref<128xi32, #tpu.memory_space<vmem>>) target_semaphore(%arg15 : memref<!tpu.dma_semaphore, #tpu.memory_space<semaphore_mem>>)
    %add3A_40 = arith.constant 1 : i32
    %add3A_41 = arith.addi %mul3A_2, %add3A_40 : i32
    %dma_start3A_42 = arith.constant 0 : i32
    %dma_start3A_43 = tpu.memref_slice %arg3[%add3A_41, %dma_start3A_42] : memref<5120x128xi32, #tpu.memory_space<hbm>> -> memref<1x128xi32, #tpu.memory_space<hbm>>
    %dma_start3A_44 = tpu.memref_squeeze %dma_start3A_43 : memref<1x128xi32, #tpu.memory_space<hbm>> -> memref<128xi32, #tpu.memory_space<hbm>>
    %dma_start3A_45 = arith.constant 0 : i32
    %dma_start3A_46 = tpu.memref_slice %arg3[%add3A_41, %dma_start3A_45] : memref<5120x128xi32, #tpu.memory_space<hbm>> -> memref<1x128xi32, #tpu.memory_space<hbm>>
    %dma_start3A_47 = tpu.memref_squeeze %dma_start3A_46 : memref<1x128xi32, #tpu.memory_space<hbm>> -> memref<128xi32, #tpu.memory_space<hbm>>
    tpu.enqueue_dma source(%dma_start3A_47 : memref<128xi32, #tpu.memory_space<hbm>>) target(%arg7 : memref<128xi32, #tpu.memory_space<vmem>>) target_semaphore(%arg14 : memref<!tpu.dma_semaphore, #tpu.memory_space<semaphore_mem>>)
    %add3A_48 = arith.constant 1 : i32
    %add3A_49 = arith.addi %mul3A_2, %add3A_48 : i32
    %dma_start3A_50 = arith.constant 0 : i32
    %dma_start3A_51 = tpu.memref_slice %arg4[%add3A_49, %dma_start3A_50] : memref<5120x128xi32, #tpu.memory_space<hbm>> -> memref<1x128xi32, #tpu.memory_space<hbm>>
    %dma_start3A_52 = tpu.memref_squeeze %dma_start3A_51 : memref<1x128xi32, #tpu.memory_space<hbm>> -> memref<128xi32, #tpu.memory_space<hbm>>
    %dma_start3A_53 = arith.constant 0 : i32
    %dma_start3A_54 = tpu.memref_slice %arg4[%add3A_49, %dma_start3A_53] : memref<5120x128xi32, #tpu.memory_space<hbm>> -> memref<1x128xi32, #tpu.memory_space<hbm>>
    %dma_start3A_55 = tpu.memref_squeeze %dma_start3A_54 : memref<1x128xi32, #tpu.memory_space<hbm>> -> memref<128xi32, #tpu.memory_space<hbm>>
    tpu.enqueue_dma source(%dma_start3A_55 : memref<128xi32, #tpu.memory_space<hbm>>) target(%arg9 : memref<128xi32, #tpu.memory_space<vmem>>) target_semaphore(%arg16 : memref<!tpu.dma_semaphore, #tpu.memory_space<semaphore_mem>>)
    %dma_wait3A = arith.constant 0 : i32
    %dma_wait3A_56 = tpu.memref_slice %arg3[%mul3A_2, %dma_wait3A] : memref<5120x128xi32, #tpu.memory_space<hbm>> -> memref<1x128xi32, #tpu.memory_space<hbm>>
    %dma_wait3A_57 = tpu.memref_squeeze %dma_wait3A_56 : memref<1x128xi32, #tpu.memory_space<hbm>> -> memref<128xi32, #tpu.memory_space<hbm>>
    %dma_wait3A_58 = arith.constant 0 : i32
    %dma_wait3A_59 = tpu.memref_slice %arg3[%mul3A_2, %dma_wait3A_58] : memref<5120x128xi32, #tpu.memory_space<hbm>> -> memref<1x128xi32, #tpu.memory_space<hbm>>
    %dma_wait3A_60 = tpu.memref_squeeze %dma_wait3A_59 : memref<1x128xi32, #tpu.memory_space<hbm>> -> memref<128xi32, #tpu.memory_space<hbm>>
    tpu.wait_dma2 semaphore(%arg13 : memref<!tpu.dma_semaphore, #tpu.memory_space<semaphore_mem>>) src(%dma_wait3A_60 : memref<128xi32, #tpu.memory_space<hbm>>) dst(%arg6 : memref<128xi32, #tpu.memory_space<vmem>>)
    %dma_wait3A_61 = arith.constant 0 : i32
    %dma_wait3A_62 = tpu.memref_slice %arg4[%mul3A_2, %dma_wait3A_61] : memref<5120x128xi32, #tpu.memory_space<hbm>> -> memref<1x128xi32, #tpu.memory_space<hbm>>
    %dma_wait3A_63 = tpu.memref_squeeze %dma_wait3A_62 : memref<1x128xi32, #tpu.memory_space<hbm>> -> memref<128xi32, #tpu.memory_space<hbm>>
    %dma_wait3A_64 = arith.constant 0 : i32
    %dma_wait3A_65 = tpu.memref_slice %arg4[%mul3A_2, %dma_wait3A_64] : memref<5120x128xi32, #tpu.memory_space<hbm>> -> memref<1x128xi32, #tpu.memory_space<hbm>>
    %dma_wait3A_66 = tpu.memref_squeeze %dma_wait3A_65 : memref<1x128xi32, #tpu.memory_space<hbm>> -> memref<128xi32, #tpu.memory_space<hbm>>
    tpu.wait_dma2 semaphore(%arg15 : memref<!tpu.dma_semaphore, #tpu.memory_space<semaphore_mem>>) src(%dma_wait3A_66 : memref<128xi32, #tpu.memory_space<hbm>>) dst(%arg8 : memref<128xi32, #tpu.memory_space<vmem>>)
    %dma_start3A_67 = arith.constant 0 : i32
    %dma_start3A_68 = arith.constant 0 : i32
    %dma_start3A_69 = tpu.memref_slice %arg2[%dma_start3A_67, %dma_start3A_68] : memref<20000x128xf32, #tpu.memory_space<hbm>> -> memref<20000x128xf32, #tpu.memory_space<hbm>>
    tpu.enqueue_indirect_dma source(%dma_start3A_69 : memref<20000x128xf32, #tpu.memory_space<hbm>>) target(%arg10 : memref<128x128xf32, #tpu.memory_space<vmem>>) offsets(%arg6 : memref<128xi32, #tpu.memory_space<vmem>>) semaphore(%arg17 : memref<!tpu.dma_semaphore, #tpu.memory_space<semaphore_mem>>)
    %scan3A_70 = arith.constant 0 : i32
    %scan3A_71 = arith.constant 0 : i32
    %scan3A_72 = arith.constant 80 : i32
    %scan3A_73 = arith.addi %scan3A_71, %scan3A_72 : i32
    %scan3A_74 = arith.constant 1 : i32
    %scan3A_75 = scf.for %scan3A_85 = %scan3A_71 to %scan3A_73 step %scan3A_74 iter_args(%scan3A_86 = %scan3A_70) -> (i32)  : i32 {
      %mul3A_87 = arith.constant 2 : i32
      %mul3A_88 = arith.muli %mul3A_87, %scan3A_85 : i32
      %add3A_89 = arith.addi %mul3A_2, %mul3A_88 : i32
      %ge3A = arith.constant 79 : i32
      %ge3A_90 = arith.cmpi sge, %scan3A_85, %ge3A : i32
      %add3A_91 = arith.constant 1 : i32
      %add3A_92 = arith.addi %add3A_89, %add3A_91 : i32
      %dma_wait3A_93 = arith.constant 0 : i32
      %dma_wait3A_94 = tpu.memref_slice %arg3[%add3A_92, %dma_wait3A_93] : memref<5120x128xi32, #tpu.memory_space<hbm>> -> memref<1x128xi32, #tpu.memory_space<hbm>>
      %dma_wait3A_95 = tpu.memref_squeeze %dma_wait3A_94 : memref<1x128xi32, #tpu.memory_space<hbm>> -> memref<128xi32, #tpu.memory_space<hbm>>
      %dma_wait3A_96 = arith.constant 0 : i32
      %dma_wait3A_97 = tpu.memref_slice %arg3[%add3A_92, %dma_wait3A_96] : memref<5120x128xi32, #tpu.memory_space<hbm>> -> memref<1x128xi32, #tpu.memory_space<hbm>>
      %dma_wait3A_98 = tpu.memref_squeeze %dma_wait3A_97 : memref<1x128xi32, #tpu.memory_space<hbm>> -> memref<128xi32, #tpu.memory_space<hbm>>
      tpu.wait_dma2 semaphore(%arg14 : memref<!tpu.dma_semaphore, #tpu.memory_space<semaphore_mem>>) src(%dma_wait3A_98 : memref<128xi32, #tpu.memory_space<hbm>>) dst(%arg7 : memref<128xi32, #tpu.memory_space<vmem>>)
      %add3A_99 = arith.constant 1 : i32
      %add3A_100 = arith.addi %add3A_89, %add3A_99 : i32
      %dma_wait3A_101 = arith.constant 0 : i32
      %dma_wait3A_102 = tpu.memref_slice %arg4[%add3A_100, %dma_wait3A_101] : memref<5120x128xi32, #tpu.memory_space<hbm>> -> memref<1x128xi32, #tpu.memory_space<hbm>>
      %dma_wait3A_103 = tpu.memref_squeeze %dma_wait3A_102 : memref<1x128xi32, #tpu.memory_space<hbm>> -> memref<128xi32, #tpu.memory_space<hbm>>
      %dma_wait3A_104 = arith.constant 0 : i32
      %dma_wait3A_105 = tpu.memref_slice %arg4[%add3A_100, %dma_wait3A_104] : memref<5120x128xi32, #tpu.memory_space<hbm>> -> memref<1x128xi32, #tpu.memory_space<hbm>>
      %dma_wait3A_106 = tpu.memref_squeeze %dma_wait3A_105 : memref<1x128xi32, #tpu.memory_space<hbm>> -> memref<128xi32, #tpu.memory_space<hbm>>
      tpu.wait_dma2 semaphore(%arg16 : memref<!tpu.dma_semaphore, #tpu.memory_space<semaphore_mem>>) src(%dma_wait3A_106 : memref<128xi32, #tpu.memory_space<hbm>>) dst(%arg9 : memref<128xi32, #tpu.memory_space<vmem>>)
      %dma_start3A_107 = arith.constant 0 : i32
      %dma_start3A_108 = arith.constant 0 : i32
      %dma_start3A_109 = tpu.memref_slice %arg2[%dma_start3A_107, %dma_start3A_108] : memref<20000x128xf32, #tpu.memory_space<hbm>> -> memref<20000x128xf32, #tpu.memory_space<hbm>>
      tpu.enqueue_indirect_dma source(%dma_start3A_109 : memref<20000x128xf32, #tpu.memory_space<hbm>>) target(%arg11 : memref<128x128xf32, #tpu.memory_space<vmem>>) offsets(%arg7 : memref<128xi32, #tpu.memory_space<vmem>>) semaphore(%arg18 : memref<!tpu.dma_semaphore, #tpu.memory_space<semaphore_mem>>)
      %dma_wait3A_110 = arith.constant 0 : i32
      %dma_wait3A_111 = arith.constant 0 : i32
      %dma_wait3A_112 = tpu.memref_slice %arg2[%dma_wait3A_110, %dma_wait3A_111] : memref<20000x128xf32, #tpu.memory_space<hbm>> -> memref<20000x128xf32, #tpu.memory_space<hbm>>
      tpu.wait_indirect_dma semaphore(%arg17 : memref<!tpu.dma_semaphore, #tpu.memory_space<semaphore_mem>>) src(%dma_wait3A_112 : memref<20000x128xf32, #tpu.memory_space<hbm>>) dst(%arg10 : memref<128x128xf32, #tpu.memory_space<vmem>>)
      "tpu.region"() ({
        %run_scoped3A = tpu.sem_alloc : memref<!tpu.dma_semaphore, #tpu.memory_space<semaphore_mem>>
        %dma_start3A_124 = arith.constant 0 : i32
        %dma_start3A_125 = arith.constant 0 : i32
        %dma_start3A_126 = tpu.memref_slice %arg12[%dma_start3A_124, %dma_start3A_125] : memref<10240x128xf32, #tpu.memory_space<vmem_shared>> -> memref<10240x128xf32, #tpu.memory_space<vmem_shared>>
        tpu.enqueue_indirect_dma source(%arg10 : memref<128x128xf32, #tpu.memory_space<vmem>>) target(%dma_start3A_126 : memref<10240x128xf32, #tpu.memory_space<vmem_shared>>) offsets(%arg8 : memref<128xi32, #tpu.memory_space<vmem>>) semaphore(%run_scoped3A : memref<!tpu.dma_semaphore, #tpu.memory_space<semaphore_mem>>) {add = true}
        %dma_wait3A_127 = arith.constant 0 : i32
        %dma_wait3A_128 = arith.constant 0 : i32
        %dma_wait3A_129 = tpu.memref_slice %arg12[%dma_wait3A_127, %dma_wait3A_128] : memref<10240x128xf32, #tpu.memory_space<vmem_shared>> -> memref<10240x128xf32, #tpu.memory_space<vmem_shared>>
        tpu.wait_indirect_dma semaphore(%run_scoped3A : memref<!tpu.dma_semaphore, #tpu.memory_space<semaphore_mem>>) src(%arg10 : memref<128x128xf32, #tpu.memory_space<vmem>>) dst(%dma_wait3A_129 : memref<10240x128xf32, #tpu.memory_space<vmem_shared>>)
        tpu.yield
      }) : () -> ()
      %not3A = arith.constant true
      %not3A_113 = arith.xori %ge3A_90, %not3A : i1
      %convert_element_type3A = arith.extui %not3A_113 : i1 to i32
      %cond3A = arith.constant 0 : i32
      %cond3A_114 = arith.cmpi ne, %convert_element_type3A, %cond3A : i32
      scf.if %cond3A_114 {
        %add3A_124 = arith.constant 2 : i32
        %add3A_125 = arith.addi %add3A_89, %add3A_124 : i32
        %dma_start3A_126 = arith.constant 0 : i32
        %dma_start3A_127 = tpu.memref_slice %arg3[%add3A_125, %dma_start3A_126] : memref<5120x128xi32, #tpu.memory_space<hbm>> -> memref<1x128xi32, #tpu.memory_space<hbm>>
        %dma_start3A_128 = tpu.memref_squeeze %dma_start3A_127 : memref<1x128xi32, #tpu.memory_space<hbm>> -> memref<128xi32, #tpu.memory_space<hbm>>
        %dma_start3A_129 = arith.constant 0 : i32
        %dma_start3A_130 = tpu.memref_slice %arg3[%add3A_125, %dma_start3A_129] : memref<5120x128xi32, #tpu.memory_space<hbm>> -> memref<1x128xi32, #tpu.memory_space<hbm>>
        %dma_start3A_131 = tpu.memref_squeeze %dma_start3A_130 : memref<1x128xi32, #tpu.memory_space<hbm>> -> memref<128xi32, #tpu.memory_space<hbm>>
        tpu.enqueue_dma source(%dma_start3A_131 : memref<128xi32, #tpu.memory_space<hbm>>) target(%arg6 : memref<128xi32, #tpu.memory_space<vmem>>) target_semaphore(%arg13 : memref<!tpu.dma_semaphore, #tpu.memory_space<semaphore_mem>>)
        %add3A_132 = arith.constant 2 : i32
        %add3A_133 = arith.addi %add3A_89, %add3A_132 : i32
        %dma_start3A_134 = arith.constant 0 : i32
        %dma_start3A_135 = tpu.memref_slice %arg4[%add3A_133, %dma_start3A_134] : memref<5120x128xi32, #tpu.memory_space<hbm>> -> memref<1x128xi32, #tpu.memory_space<hbm>>
        %dma_start3A_136 = tpu.memref_squeeze %dma_start3A_135 : memref<1x128xi32, #tpu.memory_space<hbm>> -> memref<128xi32, #tpu.memory_space<hbm>>
        %dma_start3A_137 = arith.constant 0 : i32
        %dma_start3A_138 = tpu.memref_slice %arg4[%add3A_133, %dma_start3A_137] : memref<5120x128xi32, #tpu.memory_space<hbm>> -> memref<1x128xi32, #tpu.memory_space<hbm>>
        %dma_start3A_139 = tpu.memref_squeeze %dma_start3A_138 : memref<1x128xi32, #tpu.memory_space<hbm>> -> memref<128xi32, #tpu.memory_space<hbm>>
        tpu.enqueue_dma source(%dma_start3A_139 : memref<128xi32, #tpu.memory_space<hbm>>) target(%arg8 : memref<128xi32, #tpu.memory_space<vmem>>) target_semaphore(%arg15 : memref<!tpu.dma_semaphore, #tpu.memory_space<semaphore_mem>>)
        %add3A_140 = arith.constant 2 : i32
        %add3A_141 = arith.addi %add3A_89, %add3A_140 : i32
        %dma_wait3A_142 = arith.constant 0 : i32
        %dma_wait3A_143 = tpu.memref_slice %arg3[%add3A_141, %dma_wait3A_142] : memref<5120x128xi32, #tpu.memory_space<hbm>> -> memref<1x128xi32, #tpu.memory_space<hbm>>
        %dma_wait3A_144 = tpu.memref_squeeze %dma_wait3A_143 : memref<1x128xi32, #tpu.memory_space<hbm>> -> memref<128xi32, #tpu.memory_space<hbm>>
        %dma_wait3A_145 = arith.constant 0 : i32
        %dma_wait3A_146 = tpu.memref_slice %arg3[%add3A_141, %dma_wait3A_145] : memref<5120x128xi32, #tpu.memory_space<hbm>> -> memref<1x128xi32, #tpu.memory_space<hbm>>
        %dma_wait3A_147 = tpu.memref_squeeze %dma_wait3A_146 : memref<1x128xi32, #tpu.memory_space<hbm>> -> memref<128xi32, #tpu.memory_space<hbm>>
        tpu.wait_dma2 semaphore(%arg13 : memref<!tpu.dma_semaphore, #tpu.memory_space<semaphore_mem>>) src(%dma_wait3A_147 : memref<128xi32, #tpu.memory_space<hbm>>) dst(%arg6 : memref<128xi32, #tpu.memory_space<vmem>>)
        %add3A_148 = arith.constant 2 : i32
        %add3A_149 = arith.addi %add3A_89, %add3A_148 : i32
        %dma_wait3A_150 = arith.constant 0 : i32
        %dma_wait3A_151 = tpu.memref_slice %arg4[%add3A_149, %dma_wait3A_150] : memref<5120x128xi32, #tpu.memory_space<hbm>> -> memref<1x128xi32, #tpu.memory_space<hbm>>
        %dma_wait3A_152 = tpu.memref_squeeze %dma_wait3A_151 : memref<1x128xi32, #tpu.memory_space<hbm>> -> memref<128xi32, #tpu.memory_space<hbm>>
        %dma_wait3A_153 = arith.constant 0 : i32
        %dma_wait3A_154 = tpu.memref_slice %arg4[%add3A_149, %dma_wait3A_153] : memref<5120x128xi32, #tpu.memory_space<hbm>> -> memref<1x128xi32, #tpu.memory_space<hbm>>
        %dma_wait3A_155 = tpu.memref_squeeze %dma_wait3A_154 : memref<1x128xi32, #tpu.memory_space<hbm>> -> memref<128xi32, #tpu.memory_space<hbm>>
        tpu.wait_dma2 semaphore(%arg15 : memref<!tpu.dma_semaphore, #tpu.memory_space<semaphore_mem>>) src(%dma_wait3A_155 : memref<128xi32, #tpu.memory_space<hbm>>) dst(%arg8 : memref<128xi32, #tpu.memory_space<vmem>>)
        %dma_start3A_156 = arith.constant 0 : i32
        %dma_start3A_157 = arith.constant 0 : i32
        %dma_start3A_158 = tpu.memref_slice %arg2[%dma_start3A_156, %dma_start3A_157] : memref<20000x128xf32, #tpu.memory_space<hbm>> -> memref<20000x128xf32, #tpu.memory_space<hbm>>
        tpu.enqueue_indirect_dma source(%dma_start3A_158 : memref<20000x128xf32, #tpu.memory_space<hbm>>) target(%arg10 : memref<128x128xf32, #tpu.memory_space<vmem>>) offsets(%arg6 : memref<128xi32, #tpu.memory_space<vmem>>) semaphore(%arg17 : memref<!tpu.dma_semaphore, #tpu.memory_space<semaphore_mem>>)
      } else {
      }
      %dma_wait3A_115 = arith.constant 0 : i32
      %dma_wait3A_116 = arith.constant 0 : i32
      %dma_wait3A_117 = tpu.memref_slice %arg2[%dma_wait3A_115, %dma_wait3A_116] : memref<20000x128xf32, #tpu.memory_space<hbm>> -> memref<20000x128xf32, #tpu.memory_space<hbm>>
      tpu.wait_indirect_dma semaphore(%arg18 : memref<!tpu.dma_semaphore, #tpu.memory_space<semaphore_mem>>) src(%dma_wait3A_117 : memref<20000x128xf32, #tpu.memory_space<hbm>>) dst(%arg11 : memref<128x128xf32, #tpu.memory_space<vmem>>)
      "tpu.region"() ({
        %run_scoped3A = tpu.sem_alloc : memref<!tpu.dma_semaphore, #tpu.memory_space<semaphore_mem>>
        %dma_start3A_124 = arith.constant 0 : i32
        %dma_start3A_125 = arith.constant 0 : i32
        %dma_start3A_126 = tpu.memref_slice %arg12[%dma_start3A_124, %dma_start3A_125] : memref<10240x128xf32, #tpu.memory_space<vmem_shared>> -> memref<10240x128xf32, #tpu.memory_space<vmem_shared>>
        tpu.enqueue_indirect_dma source(%arg11 : memref<128x128xf32, #tpu.memory_space<vmem>>) target(%dma_start3A_126 : memref<10240x128xf32, #tpu.memory_space<vmem_shared>>) offsets(%arg9 : memref<128xi32, #tpu.memory_space<vmem>>) semaphore(%run_scoped3A : memref<!tpu.dma_semaphore, #tpu.memory_space<semaphore_mem>>) {add = true}
        %dma_wait3A_127 = arith.constant 0 : i32
        %dma_wait3A_128 = arith.constant 0 : i32
        %dma_wait3A_129 = tpu.memref_slice %arg12[%dma_wait3A_127, %dma_wait3A_128] : memref<10240x128xf32, #tpu.memory_space<vmem_shared>> -> memref<10240x128xf32, #tpu.memory_space<vmem_shared>>
        tpu.wait_indirect_dma semaphore(%run_scoped3A : memref<!tpu.dma_semaphore, #tpu.memory_space<semaphore_mem>>) src(%arg11 : memref<128x128xf32, #tpu.memory_space<vmem>>) dst(%dma_wait3A_129 : memref<10240x128xf32, #tpu.memory_space<vmem_shared>>)
        tpu.yield
      }) : () -> ()
      %not3A_118 = arith.constant true
      %not3A_119 = arith.xori %ge3A_90, %not3A_118 : i1
      %convert_element_type3A_120 = arith.extui %not3A_119 : i1 to i32
      %cond3A_121 = arith.constant 0 : i32
      %cond3A_122 = arith.cmpi ne, %convert_element_type3A_120, %cond3A_121 : i32
      scf.if %cond3A_122 {
        %add3A_124 = arith.constant 3 : i32
        %add3A_125 = arith.addi %add3A_89, %add3A_124 : i32
        %dma_start3A_126 = arith.constant 0 : i32
        %dma_start3A_127 = tpu.memref_slice %arg3[%add3A_125, %dma_start3A_126] : memref<5120x128xi32, #tpu.memory_space<hbm>> -> memref<1x128xi32, #tpu.memory_space<hbm>>
        %dma_start3A_128 = tpu.memref_squeeze %dma_start3A_127 : memref<1x128xi32, #tpu.memory_space<hbm>> -> memref<128xi32, #tpu.memory_space<hbm>>
        %dma_start3A_129 = arith.constant 0 : i32
        %dma_start3A_130 = tpu.memref_slice %arg3[%add3A_125, %dma_start3A_129] : memref<5120x128xi32, #tpu.memory_space<hbm>> -> memref<1x128xi32, #tpu.memory_space<hbm>>
        %dma_start3A_131 = tpu.memref_squeeze %dma_start3A_130 : memref<1x128xi32, #tpu.memory_space<hbm>> -> memref<128xi32, #tpu.memory_space<hbm>>
        tpu.enqueue_dma source(%dma_start3A_131 : memref<128xi32, #tpu.memory_space<hbm>>) target(%arg7 : memref<128xi32, #tpu.memory_space<vmem>>) target_semaphore(%arg14 : memref<!tpu.dma_semaphore, #tpu.memory_space<semaphore_mem>>)
        %add3A_132 = arith.constant 3 : i32
        %add3A_133 = arith.addi %add3A_89, %add3A_132 : i32
        %dma_start3A_134 = arith.constant 0 : i32
        %dma_start3A_135 = tpu.memref_slice %arg4[%add3A_133, %dma_start3A_134] : memref<5120x128xi32, #tpu.memory_space<hbm>> -> memref<1x128xi32, #tpu.memory_space<hbm>>
        %dma_start3A_136 = tpu.memref_squeeze %dma_start3A_135 : memref<1x128xi32, #tpu.memory_space<hbm>> -> memref<128xi32, #tpu.memory_space<hbm>>
        %dma_start3A_137 = arith.constant 0 : i32
        %dma_start3A_138 = tpu.memref_slice %arg4[%add3A_133, %dma_start3A_137] : memref<5120x128xi32, #tpu.memory_space<hbm>> -> memref<1x128xi32, #tpu.memory_space<hbm>>
        %dma_start3A_139 = tpu.memref_squeeze %dma_start3A_138 : memref<1x128xi32, #tpu.memory_space<hbm>> -> memref<128xi32, #tpu.memory_space<hbm>>
        tpu.enqueue_dma source(%dma_start3A_139 : memref<128xi32, #tpu.memory_space<hbm>>) target(%arg9 : memref<128xi32, #tpu.memory_space<vmem>>) target_semaphore(%arg16 : memref<!tpu.dma_semaphore, #tpu.memory_space<semaphore_mem>>)
      } else {
      }
      %scan3A_123 = arith.constant 0 : i32
      scf.yield %scan3A_123 : i32
    }
    %scan3A_76 = arith.constant 80 : i32
    %barrier3A_77 = arith.constant 0 : index
    tpu.barrier barrier_id(%barrier3A_77)
    %mul3A_78 = arith.constant 640 : i32
    %mul3A_79 = arith.muli %arg1, %mul3A_78 : i32
    %mul3A_80 = arith.constant 10240 : i32
    %mul3A_81 = arith.muli %arg0, %mul3A_80 : i32
    %mul3A_82 = arith.constant 640 : i32
    %mul3A_83 = arith.muli %arg1, %mul3A_82 : i32
    %add3A_84 = arith.addi %mul3A_81, %mul3A_83 : i32
    "tpu.region"() ({
      %run_scoped3A = tpu.sem_alloc : memref<!tpu.dma_semaphore, #tpu.memory_space<semaphore_mem>>
      %dma_start3A_85 = arith.constant 0 : i32
      %dma_start3A_86 = tpu.memref_slice %arg5[%add3A_84, %dma_start3A_85] : memref<20480x128xf32, #tpu.memory_space<hbm>> -> memref<640x128xf32, #tpu.memory_space<hbm>>
      %dma_start3A_87 = arith.constant 0 : i32
      %dma_start3A_88 = tpu.memref_slice %arg12[%mul3A_79, %dma_start3A_87] : memref<10240x128xf32, #tpu.memory_space<vmem_shared>> -> memref<640x128xf32, #tpu.memory_space<vmem_shared>>
      tpu.enqueue_dma source(%dma_start3A_88 : memref<640x128xf32, #tpu.memory_space<vmem_shared>>) target(%dma_start3A_86 : memref<640x128xf32, #tpu.memory_space<hbm>>) target_semaphore(%run_scoped3A : memref<!tpu.dma_semaphore, #tpu.memory_space<semaphore_mem>>)
      %dma_wait3A_89 = arith.constant 0 : i32
      %dma_wait3A_90 = tpu.memref_slice %arg5[%add3A_84, %dma_wait3A_89] : memref<20480x128xf32, #tpu.memory_space<hbm>> -> memref<640x128xf32, #tpu.memory_space<hbm>>
      %dma_wait3A_91 = arith.constant 0 : i32
      %dma_wait3A_92 = tpu.memref_slice %arg12[%mul3A_79, %dma_wait3A_91] : memref<10240x128xf32, #tpu.memory_space<vmem_shared>> -> memref<640x128xf32, #tpu.memory_space<vmem_shared>>
      tpu.wait_dma2 semaphore(%run_scoped3A : memref<!tpu.dma_semaphore, #tpu.memory_space<semaphore_mem>>) src(%dma_wait3A_92 : memref<640x128xf32, #tpu.memory_space<vmem_shared>>) dst(%dma_wait3A_90 : memref<640x128xf32, #tpu.memory_space<hbm>>)
      tpu.yield
    }) : () -> ()
    return
  }
}

#map = affine_map<(d0, d1) -> (0, 0)>
module attributes {stable_mosaic.version = 14 : i64} {
  func.func @_aggregate(%arg0: i32, %arg1: i32, %arg2: memref<20000x128xf32, #tpu.memory_space<hbm>>, %arg3: memref<5120x128xi32, #tpu.memory_space<hbm>>, %arg4: memref<5120x128xi32, #tpu.memory_space<hbm>>, %arg5: memref<20480x128xf32, #tpu.memory_space<hbm>>, %arg6: memref<128xi32, #tpu.memory_space<vmem>>, %arg7: memref<128xi32, #tpu.memory_space<vmem>>, %arg8: memref<128xi32, #tpu.memory_space<vmem>>, %arg9: memref<128xi32, #tpu.memory_space<vmem>>, %arg10: memref<128x128xf32, #tpu.memory_space<vmem>>, %arg11: memref<128x128xf32, #tpu.memory_space<vmem>>, %arg12: memref<10240x128xf32, #tpu.memory_space<vmem_shared>>, %arg13: memref<!tpu.dma_semaphore, #tpu.memory_space<semaphore_mem>>, %arg14: memref<!tpu.dma_semaphore, #tpu.memory_space<semaphore_mem>>, %arg15: memref<!tpu.dma_semaphore, #tpu.memory_space<semaphore_mem>>, %arg16: memref<!tpu.dma_semaphore, #tpu.memory_space<semaphore_mem>>, %arg17: memref<!tpu.dma_semaphore, #tpu.memory_space<semaphore_mem>>, %arg18: memref<!tpu.dma_semaphore, #tpu.memory_space<semaphore_mem>>) attributes {dimension_semantics = [#tpu.dimension_semantics<core_parallel>, #tpu.dimension_semantics<subcore_parallel>], iteration_bounds = array<i64: 2, 16>, scalar_prefetch = 0 : i64, scratch_operands = 13 : i64, tpu.core_type = #tpu.core_type<sc_vector_subcore>, window_params = [{transform_indices = #map}, {transform_indices = #map}, {transform_indices = #map}, {transform_indices = #map}]} {
    %mul3A = arith.constant 16 : i32
    %mul3A_0 = arith.muli %arg0, %mul3A : i32
    %add3A = arith.addi %mul3A_0, %arg1 : i32
    %mul3A_1 = arith.constant 160 : i32
    %mul3A_2 = arith.muli %add3A, %mul3A_1 : i32
    %scan3A = arith.constant 0 : i32
    %scan3A_3 = arith.constant 0 : i32
    %scan3A_4 = arith.constant 128 : i32
    %scan3A_5 = arith.addi %scan3A_3, %scan3A_4 : i32
    %scan3A_6 = arith.constant 1 : i32
    %scan3A_7 = scf.for %scan3A_85 = %scan3A_3 to %scan3A_5 step %scan3A_6 iter_args(%scan3A_86 = %scan3A) -> (i32)  : i32 {
      %broadcast_in_dim3A = arith.constant 0.000000e+00 : f32
      %broadcast_in_dim3A_87 = vector.broadcast %broadcast_in_dim3A : f32 to vector<16xf32>
      %swap3A = arith.index_cast %scan3A_85 : i32 to index
      %swap3A_88 = arith.constant 0 : index
      %swap3A_89 = tpu.vector_load %arg10[%swap3A, %swap3A_88] {strides = array<i32>} : memref<128x128xf32, #tpu.memory_space<vmem>>, vector<1x16xf32>,
      %swap3A_90 = vector.shape_cast %swap3A_89 : vector<1x16xf32> to vector<16xf32>
      %swap3A_91 = vector.shape_cast %broadcast_in_dim3A_87 : vector<16xf32> to vector<1x16xf32>
      tpu.vector_store %arg10[%swap3A, %swap3A_88], %swap3A_91 {strides = array<i32>} : memref<128x128xf32, #tpu.memory_space<vmem>>, vector<1x16xf32>,
      %broadcast_in_dim3A_92 = arith.constant 0.000000e+00 : f32
      %broadcast_in_dim3A_93 = vector.broadcast %broadcast_in_dim3A_92 : f32 to vector<16xf32>
      %swap3A_94 = arith.index_cast %scan3A_85 : i32 to index
      %swap3A_95 = arith.constant 16 : index
      %swap3A_96 = tpu.vector_load %arg10[%swap3A_94, %swap3A_95] {strides = array<i32>} : memref<128x128xf32, #tpu.memory_space<vmem>>, vector<1x16xf32>,
      %swap3A_97 = vector.shape_cast %swap3A_96 : vector<1x16xf32> to vector<16xf32>
      %swap3A_98 = vector.shape_cast %broadcast_in_dim3A_93 : vector<16xf32> to vector<1x16xf32>
      tpu.vector_store %arg10[%swap3A_94, %swap3A_95], %swap3A_98 {strides = array<i32>} : memref<128x128xf32, #tpu.memory_space<vmem>>, vector<1x16xf32>,
      %broadcast_in_dim3A_99 = arith.constant 0.000000e+00 : f32
      %broadcast_in_dim3A_100 = vector.broadcast %broadcast_in_dim3A_99 : f32 to vector<16xf32>
      %swap3A_101 = arith.index_cast %scan3A_85 : i32 to index
      %swap3A_102 = arith.constant 32 : index
      %swap3A_103 = tpu.vector_load %arg10[%swap3A_101, %swap3A_102] {strides = array<i32>} : memref<128x128xf32, #tpu.memory_space<vmem>>, vector<1x16xf32>,
      %swap3A_104 = vector.shape_cast %swap3A_103 : vector<1x16xf32> to vector<16xf32>
      %swap3A_105 = vector.shape_cast %broadcast_in_dim3A_100 : vector<16xf32> to vector<1x16xf32>
      tpu.vector_store %arg10[%swap3A_101, %swap3A_102], %swap3A_105 {strides = array<i32>} : memref<128x128xf32, #tpu.memory_space<vmem>>, vector<1x16xf32>,
      %broadcast_in_dim3A_106 = arith.constant 0.000000e+00 : f32
      %broadcast_in_dim3A_107 = vector.broadcast %broadcast_in_dim3A_106 : f32 to vector<16xf32>
      %swap3A_108 = arith.index_cast %scan3A_85 : i32 to index
      %swap3A_109 = arith.constant 48 : index
      %swap3A_110 = tpu.vector_load %arg10[%swap3A_108, %swap3A_109] {strides = array<i32>} : memref<128x128xf32, #tpu.memory_space<vmem>>, vector<1x16xf32>,
      %swap3A_111 = vector.shape_cast %swap3A_110 : vector<1x16xf32> to vector<16xf32>
      %swap3A_112 = vector.shape_cast %broadcast_in_dim3A_107 : vector<16xf32> to vector<1x16xf32>
      tpu.vector_store %arg10[%swap3A_108, %swap3A_109], %swap3A_112 {strides = array<i32>} : memref<128x128xf32, #tpu.memory_space<vmem>>, vector<1x16xf32>,
      %broadcast_in_dim3A_113 = arith.constant 0.000000e+00 : f32
      %broadcast_in_dim3A_114 = vector.broadcast %broadcast_in_dim3A_113 : f32 to vector<16xf32>
      %swap3A_115 = arith.index_cast %scan3A_85 : i32 to index
      %swap3A_116 = arith.constant 64 : index
      %swap3A_117 = tpu.vector_load %arg10[%swap3A_115, %swap3A_116] {strides = array<i32>} : memref<128x128xf32, #tpu.memory_space<vmem>>, vector<1x16xf32>,
      %swap3A_118 = vector.shape_cast %swap3A_117 : vector<1x16xf32> to vector<16xf32>
      %swap3A_119 = vector.shape_cast %broadcast_in_dim3A_114 : vector<16xf32> to vector<1x16xf32>
      tpu.vector_store %arg10[%swap3A_115, %swap3A_116], %swap3A_119 {strides = array<i32>} : memref<128x128xf32, #tpu.memory_space<vmem>>, vector<1x16xf32>,
      %broadcast_in_dim3A_120 = arith.constant 0.000000e+00 : f32
      %broadcast_in_dim3A_121 = vector.broadcast %broadcast_in_dim3A_120 : f32 to vector<16xf32>
      %swap3A_122 = arith.index_cast %scan3A_85 : i32 to index
      %swap3A_123 = arith.constant 80 : index
      %swap3A_124 = tpu.vector_load %arg10[%swap3A_122, %swap3A_123] {strides = array<i32>} : memref<128x128xf32, #tpu.memory_space<vmem>>, vector<1x16xf32>,
      %swap3A_125 = vector.shape_cast %swap3A_124 : vector<1x16xf32> to vector<16xf32>
      %swap3A_126 = vector.shape_cast %broadcast_in_dim3A_121 : vector<16xf32> to vector<1x16xf32>
      tpu.vector_store %arg10[%swap3A_122, %swap3A_123], %swap3A_126 {strides = array<i32>} : memref<128x128xf32, #tpu.memory_space<vmem>>, vector<1x16xf32>,
      %broadcast_in_dim3A_127 = arith.constant 0.000000e+00 : f32
      %broadcast_in_dim3A_128 = vector.broadcast %broadcast_in_dim3A_127 : f32 to vector<16xf32>
      %swap3A_129 = arith.index_cast %scan3A_85 : i32 to index
      %swap3A_130 = arith.constant 96 : index
      %swap3A_131 = tpu.vector_load %arg10[%swap3A_129, %swap3A_130] {strides = array<i32>} : memref<128x128xf32, #tpu.memory_space<vmem>>, vector<1x16xf32>,
      %swap3A_132 = vector.shape_cast %swap3A_131 : vector<1x16xf32> to vector<16xf32>
      %swap3A_133 = vector.shape_cast %broadcast_in_dim3A_128 : vector<16xf32> to vector<1x16xf32>
      tpu.vector_store %arg10[%swap3A_129, %swap3A_130], %swap3A_133 {strides = array<i32>} : memref<128x128xf32, #tpu.memory_space<vmem>>, vector<1x16xf32>,
      %broadcast_in_dim3A_134 = arith.constant 0.000000e+00 : f32
      %broadcast_in_dim3A_135 = vector.broadcast %broadcast_in_dim3A_134 : f32 to vector<16xf32>
      %swap3A_136 = arith.index_cast %scan3A_85 : i32 to index
      %swap3A_137 = arith.constant 112 : index
      %swap3A_138 = tpu.vector_load %arg10[%swap3A_136, %swap3A_137] {strides = array<i32>} : memref<128x128xf32, #tpu.memory_space<vmem>>, vector<1x16xf32>,
      %swap3A_139 = vector.shape_cast %swap3A_138 : vector<1x16xf32> to vector<16xf32>
      %swap3A_140 = vector.shape_cast %broadcast_in_dim3A_135 : vector<16xf32> to vector<1x16xf32>
      tpu.vector_store %arg10[%swap3A_136, %swap3A_137], %swap3A_140 {strides = array<i32>} : memref<128x128xf32, #tpu.memory_space<vmem>>, vector<1x16xf32>,
      %scan3A_141 = arith.constant 0 : i32
      scf.yield %scan3A_141 : i32
    }
    %scan3A_8 = arith.constant 128 : i32
    %mul3A_9 = arith.constant 640 : i32
    %mul3A_10 = arith.muli %arg1, %mul3A_9 : i32
    %add3A_11 = arith.constant 0 : i32
    %add3A_12 = arith.addi %mul3A_10, %add3A_11 : i32
    "tpu.region"() ({
      %run_scoped3A = tpu.sem_alloc : memref<!tpu.dma_semaphore, #tpu.memory_space<semaphore_mem>>
      %dma_start3A_85 = arith.constant 0 : i32
      %dma_start3A_86 = tpu.memref_slice %arg12[%add3A_12, %dma_start3A_85] : memref<10240x128xf32, #tpu.memory_space<vmem_shared>> -> memref<128x128xf32, #tpu.memory_space<vmem_shared>>
      %dma_start3A_87 = arith.constant 0 : i32
      %dma_start3A_88 = tpu.memref_slice %arg12[%add3A_12, %dma_start3A_87] : memref<10240x128xf32, #tpu.memory_space<vmem_shared>> -> memref<128x128xf32, #tpu.memory_space<vmem_shared>>
      tpu.enqueue_dma source(%arg10 : memref<128x128xf32, #tpu.memory_space<vmem>>) target(%dma_start3A_88 : memref<128x128xf32, #tpu.memory_space<vmem_shared>>) target_semaphore(%run_scoped3A : memref<!tpu.dma_semaphore, #tpu.memory_space<semaphore_mem>>)
      %dma_wait3A_89 = arith.constant 0 : i32
      %dma_wait3A_90 = tpu.memref_slice %arg12[%add3A_12, %dma_wait3A_89] : memref<10240x128xf32, #tpu.memory_space<vmem_shared>> -> memref<128x128xf32, #tpu.memory_space<vmem_shared>>
      %dma_wait3A_91 = arith.constant 0 : i32
      %dma_wait3A_92 = tpu.memref_slice %arg12[%add3A_12, %dma_wait3A_91] : memref<10240x128xf32, #tpu.memory_space<vmem_shared>> -> memref<128x128xf32, #tpu.memory_space<vmem_shared>>
      tpu.wait_dma2 semaphore(%run_scoped3A : memref<!tpu.dma_semaphore, #tpu.memory_space<semaphore_mem>>) src(%arg10 : memref<128x128xf32, #tpu.memory_space<vmem>>) dst(%dma_wait3A_92 : memref<128x128xf32, #tpu.memory_space<vmem_shared>>)
      tpu.yield
    }) : () -> ()
    %mul3A_13 = arith.constant 640 : i32
    %mul3A_14 = arith.muli %arg1, %mul3A_13 : i32
    %add3A_15 = arith.constant 128 : i32
    %add3A_16 = arith.addi %mul3A_14, %add3A_15 : i32
    "tpu.region"() ({
      %run_scoped3A = tpu.sem_alloc : memref<!tpu.dma_semaphore, #tpu.memory_space<semaphore_mem>>
      %dma_start3A_85 = arith.constant 0 : i32
      %dma_start3A_86 = tpu.memref_slice %arg12[%add3A_16, %dma_start3A_85] : memref<10240x128xf32, #tpu.memory_space<vmem_shared>> -> memref<128x128xf32, #tpu.memory_space<vmem_shared>>
      %dma_start3A_87 = arith.constant 0 : i32
      %dma_start3A_88 = tpu.memref_slice %arg12[%add3A_16, %dma_start3A_87] : memref<10240x128xf32, #tpu.memory_space<vmem_shared>> -> memref<128x128xf32, #tpu.memory_space<vmem_shared>>
      tpu.enqueue_dma source(%arg10 : memref<128x128xf32, #tpu.memory_space<vmem>>) target(%dma_start3A_88 : memref<128x128xf32, #tpu.memory_space<vmem_shared>>) target_semaphore(%run_scoped3A : memref<!tpu.dma_semaphore, #tpu.memory_space<semaphore_mem>>)
      %dma_wait3A_89 = arith.constant 0 : i32
      %dma_wait3A_90 = tpu.memref_slice %arg12[%add3A_16, %dma_wait3A_89] : memref<10240x128xf32, #tpu.memory_space<vmem_shared>> -> memref<128x128xf32, #tpu.memory_space<vmem_shared>>
      %dma_wait3A_91 = arith.constant 0 : i32
      %dma_wait3A_92 = tpu.memref_slice %arg12[%add3A_16, %dma_wait3A_91] : memref<10240x128xf32, #tpu.memory_space<vmem_shared>> -> memref<128x128xf32, #tpu.memory_space<vmem_shared>>
      tpu.wait_dma2 semaphore(%run_scoped3A : memref<!tpu.dma_semaphore, #tpu.memory_space<semaphore_mem>>) src(%arg10 : memref<128x128xf32, #tpu.memory_space<vmem>>) dst(%dma_wait3A_92 : memref<128x128xf32, #tpu.memory_space<vmem_shared>>)
      tpu.yield
    }) : () -> ()
    %mul3A_17 = arith.constant 640 : i32
    %mul3A_18 = arith.muli %arg1, %mul3A_17 : i32
    %add3A_19 = arith.constant 256 : i32
    %add3A_20 = arith.addi %mul3A_18, %add3A_19 : i32
    "tpu.region"() ({
      %run_scoped3A = tpu.sem_alloc : memref<!tpu.dma_semaphore, #tpu.memory_space<semaphore_mem>>
      %dma_start3A_85 = arith.constant 0 : i32
      %dma_start3A_86 = tpu.memref_slice %arg12[%add3A_20, %dma_start3A_85] : memref<10240x128xf32, #tpu.memory_space<vmem_shared>> -> memref<128x128xf32, #tpu.memory_space<vmem_shared>>
      %dma_start3A_87 = arith.constant 0 : i32
      %dma_start3A_88 = tpu.memref_slice %arg12[%add3A_20, %dma_start3A_87] : memref<10240x128xf32, #tpu.memory_space<vmem_shared>> -> memref<128x128xf32, #tpu.memory_space<vmem_shared>>
      tpu.enqueue_dma source(%arg10 : memref<128x128xf32, #tpu.memory_space<vmem>>) target(%dma_start3A_88 : memref<128x128xf32, #tpu.memory_space<vmem_shared>>) target_semaphore(%run_scoped3A : memref<!tpu.dma_semaphore, #tpu.memory_space<semaphore_mem>>)
      %dma_wait3A_89 = arith.constant 0 : i32
      %dma_wait3A_90 = tpu.memref_slice %arg12[%add3A_20, %dma_wait3A_89] : memref<10240x128xf32, #tpu.memory_space<vmem_shared>> -> memref<128x128xf32, #tpu.memory_space<vmem_shared>>
      %dma_wait3A_91 = arith.constant 0 : i32
      %dma_wait3A_92 = tpu.memref_slice %arg12[%add3A_20, %dma_wait3A_91] : memref<10240x128xf32, #tpu.memory_space<vmem_shared>> -> memref<128x128xf32, #tpu.memory_space<vmem_shared>>
      tpu.wait_dma2 semaphore(%run_scoped3A : memref<!tpu.dma_semaphore, #tpu.memory_space<semaphore_mem>>) src(%arg10 : memref<128x128xf32, #tpu.memory_space<vmem>>) dst(%dma_wait3A_92 : memref<128x128xf32, #tpu.memory_space<vmem_shared>>)
      tpu.yield
    }) : () -> ()
    %mul3A_21 = arith.constant 640 : i32
    %mul3A_22 = arith.muli %arg1, %mul3A_21 : i32
    %add3A_23 = arith.constant 384 : i32
    %add3A_24 = arith.addi %mul3A_22, %add3A_23 : i32
    "tpu.region"() ({
      %run_scoped3A = tpu.sem_alloc : memref<!tpu.dma_semaphore, #tpu.memory_space<semaphore_mem>>
      %dma_start3A_85 = arith.constant 0 : i32
      %dma_start3A_86 = tpu.memref_slice %arg12[%add3A_24, %dma_start3A_85] : memref<10240x128xf32, #tpu.memory_space<vmem_shared>> -> memref<128x128xf32, #tpu.memory_space<vmem_shared>>
      %dma_start3A_87 = arith.constant 0 : i32
      %dma_start3A_88 = tpu.memref_slice %arg12[%add3A_24, %dma_start3A_87] : memref<10240x128xf32, #tpu.memory_space<vmem_shared>> -> memref<128x128xf32, #tpu.memory_space<vmem_shared>>
      tpu.enqueue_dma source(%arg10 : memref<128x128xf32, #tpu.memory_space<vmem>>) target(%dma_start3A_88 : memref<128x128xf32, #tpu.memory_space<vmem_shared>>) target_semaphore(%run_scoped3A : memref<!tpu.dma_semaphore, #tpu.memory_space<semaphore_mem>>)
      %dma_wait3A_89 = arith.constant 0 : i32
      %dma_wait3A_90 = tpu.memref_slice %arg12[%add3A_24, %dma_wait3A_89] : memref<10240x128xf32, #tpu.memory_space<vmem_shared>> -> memref<128x128xf32, #tpu.memory_space<vmem_shared>>
      %dma_wait3A_91 = arith.constant 0 : i32
      %dma_wait3A_92 = tpu.memref_slice %arg12[%add3A_24, %dma_wait3A_91] : memref<10240x128xf32, #tpu.memory_space<vmem_shared>> -> memref<128x128xf32, #tpu.memory_space<vmem_shared>>
      tpu.wait_dma2 semaphore(%run_scoped3A : memref<!tpu.dma_semaphore, #tpu.memory_space<semaphore_mem>>) src(%arg10 : memref<128x128xf32, #tpu.memory_space<vmem>>) dst(%dma_wait3A_92 : memref<128x128xf32, #tpu.memory_space<vmem_shared>>)
      tpu.yield
    }) : () -> ()
    %mul3A_25 = arith.constant 640 : i32
    %mul3A_26 = arith.muli %arg1, %mul3A_25 : i32
    %add3A_27 = arith.constant 512 : i32
    %add3A_28 = arith.addi %mul3A_26, %add3A_27 : i32
    "tpu.region"() ({
      %run_scoped3A = tpu.sem_alloc : memref<!tpu.dma_semaphore, #tpu.memory_space<semaphore_mem>>
      %dma_start3A_85 = arith.constant 0 : i32
      %dma_start3A_86 = tpu.memref_slice %arg12[%add3A_28, %dma_start3A_85] : memref<10240x128xf32, #tpu.memory_space<vmem_shared>> -> memref<128x128xf32, #tpu.memory_space<vmem_shared>>
      %dma_start3A_87 = arith.constant 0 : i32
      %dma_start3A_88 = tpu.memref_slice %arg12[%add3A_28, %dma_start3A_87] : memref<10240x128xf32, #tpu.memory_space<vmem_shared>> -> memref<128x128xf32, #tpu.memory_space<vmem_shared>>
      tpu.enqueue_dma source(%arg10 : memref<128x128xf32, #tpu.memory_space<vmem>>) target(%dma_start3A_88 : memref<128x128xf32, #tpu.memory_space<vmem_shared>>) target_semaphore(%run_scoped3A : memref<!tpu.dma_semaphore, #tpu.memory_space<semaphore_mem>>)
      %dma_wait3A_89 = arith.constant 0 : i32
      %dma_wait3A_90 = tpu.memref_slice %arg12[%add3A_28, %dma_wait3A_89] : memref<10240x128xf32, #tpu.memory_space<vmem_shared>> -> memref<128x128xf32, #tpu.memory_space<vmem_shared>>
      %dma_wait3A_91 = arith.constant 0 : i32
      %dma_wait3A_92 = tpu.memref_slice %arg12[%add3A_28, %dma_wait3A_91] : memref<10240x128xf32, #tpu.memory_space<vmem_shared>> -> memref<128x128xf32, #tpu.memory_space<vmem_shared>>
      tpu.wait_dma2 semaphore(%run_scoped3A : memref<!tpu.dma_semaphore, #tpu.memory_space<semaphore_mem>>) src(%arg10 : memref<128x128xf32, #tpu.memory_space<vmem>>) dst(%dma_wait3A_92 : memref<128x128xf32, #tpu.memory_space<vmem_shared>>)
      tpu.yield
    }) : () -> ()
    %barrier3A = arith.constant 0 : index
    tpu.barrier barrier_id(%barrier3A)
    %dma_start3A = arith.constant 0 : i32
    %dma_start3A_29 = tpu.memref_slice %arg3[%mul3A_2, %dma_start3A] : memref<5120x128xi32, #tpu.memory_space<hbm>> -> memref<1x128xi32, #tpu.memory_space<hbm>>
    %dma_start3A_30 = tpu.memref_squeeze %dma_start3A_29 : memref<1x128xi32, #tpu.memory_space<hbm>> -> memref<128xi32, #tpu.memory_space<hbm>>
    %dma_start3A_31 = arith.constant 0 : i32
    %dma_start3A_32 = tpu.memref_slice %arg3[%mul3A_2, %dma_start3A_31] : memref<5120x128xi32, #tpu.memory_space<hbm>> -> memref<1x128xi32, #tpu.memory_space<hbm>>
    %dma_start3A_33 = tpu.memref_squeeze %dma_start3A_32 : memref<1x128xi32, #tpu.memory_space<hbm>> -> memref<128xi32, #tpu.memory_space<hbm>>
    tpu.enqueue_dma source(%dma_start3A_33 : memref<128xi32, #tpu.memory_space<hbm>>) target(%arg6 : memref<128xi32, #tpu.memory_space<vmem>>) target_semaphore(%arg13 : memref<!tpu.dma_semaphore, #tpu.memory_space<semaphore_mem>>)
    %dma_start3A_34 = arith.constant 0 : i32
    %dma_start3A_35 = tpu.memref_slice %arg4[%mul3A_2, %dma_start3A_34] : memref<5120x128xi32, #tpu.memory_space<hbm>> -> memref<1x128xi32, #tpu.memory_space<hbm>>
    %dma_start3A_36 = tpu.memref_squeeze %dma_start3A_35 : memref<1x128xi32, #tpu.memory_space<hbm>> -> memref<128xi32, #tpu.memory_space<hbm>>
    %dma_start3A_37 = arith.constant 0 : i32
    %dma_start3A_38 = tpu.memref_slice %arg4[%mul3A_2, %dma_start3A_37] : memref<5120x128xi32, #tpu.memory_space<hbm>> -> memref<1x128xi32, #tpu.memory_space<hbm>>
    %dma_start3A_39 = tpu.memref_squeeze %dma_start3A_38 : memref<1x128xi32, #tpu.memory_space<hbm>> -> memref<128xi32, #tpu.memory_space<hbm>>
    tpu.enqueue_dma source(%dma_start3A_39 : memref<128xi32, #tpu.memory_space<hbm>>) target(%arg8 : memref<128xi32, #tpu.memory_space<vmem>>) target_semaphore(%arg15 : memref<!tpu.dma_semaphore, #tpu.memory_space<semaphore_mem>>)
    %add3A_40 = arith.constant 1 : i32
    %add3A_41 = arith.addi %mul3A_2, %add3A_40 : i32
    %dma_start3A_42 = arith.constant 0 : i32
    %dma_start3A_43 = tpu.memref_slice %arg3[%add3A_41, %dma_start3A_42] : memref<5120x128xi32, #tpu.memory_space<hbm>> -> memref<1x128xi32, #tpu.memory_space<hbm>>
    %dma_start3A_44 = tpu.memref_squeeze %dma_start3A_43 : memref<1x128xi32, #tpu.memory_space<hbm>> -> memref<128xi32, #tpu.memory_space<hbm>>
    %dma_start3A_45 = arith.constant 0 : i32
    %dma_start3A_46 = tpu.memref_slice %arg3[%add3A_41, %dma_start3A_45] : memref<5120x128xi32, #tpu.memory_space<hbm>> -> memref<1x128xi32, #tpu.memory_space<hbm>>
    %dma_start3A_47 = tpu.memref_squeeze %dma_start3A_46 : memref<1x128xi32, #tpu.memory_space<hbm>> -> memref<128xi32, #tpu.memory_space<hbm>>
    tpu.enqueue_dma source(%dma_start3A_47 : memref<128xi32, #tpu.memory_space<hbm>>) target(%arg7 : memref<128xi32, #tpu.memory_space<vmem>>) target_semaphore(%arg14 : memref<!tpu.dma_semaphore, #tpu.memory_space<semaphore_mem>>)
    %add3A_48 = arith.constant 1 : i32
    %add3A_49 = arith.addi %mul3A_2, %add3A_48 : i32
    %dma_start3A_50 = arith.constant 0 : i32
    %dma_start3A_51 = tpu.memref_slice %arg4[%add3A_49, %dma_start3A_50] : memref<5120x128xi32, #tpu.memory_space<hbm>> -> memref<1x128xi32, #tpu.memory_space<hbm>>
    %dma_start3A_52 = tpu.memref_squeeze %dma_start3A_51 : memref<1x128xi32, #tpu.memory_space<hbm>> -> memref<128xi32, #tpu.memory_space<hbm>>
    %dma_start3A_53 = arith.constant 0 : i32
    %dma_start3A_54 = tpu.memref_slice %arg4[%add3A_49, %dma_start3A_53] : memref<5120x128xi32, #tpu.memory_space<hbm>> -> memref<1x128xi32, #tpu.memory_space<hbm>>
    %dma_start3A_55 = tpu.memref_squeeze %dma_start3A_54 : memref<1x128xi32, #tpu.memory_space<hbm>> -> memref<128xi32, #tpu.memory_space<hbm>>
    tpu.enqueue_dma source(%dma_start3A_55 : memref<128xi32, #tpu.memory_space<hbm>>) target(%arg9 : memref<128xi32, #tpu.memory_space<vmem>>) target_semaphore(%arg16 : memref<!tpu.dma_semaphore, #tpu.memory_space<semaphore_mem>>)
    %dma_wait3A = arith.constant 0 : i32
    %dma_wait3A_56 = tpu.memref_slice %arg3[%mul3A_2, %dma_wait3A] : memref<5120x128xi32, #tpu.memory_space<hbm>> -> memref<1x128xi32, #tpu.memory_space<hbm>>
    %dma_wait3A_57 = tpu.memref_squeeze %dma_wait3A_56 : memref<1x128xi32, #tpu.memory_space<hbm>> -> memref<128xi32, #tpu.memory_space<hbm>>
    %dma_wait3A_58 = arith.constant 0 : i32
    %dma_wait3A_59 = tpu.memref_slice %arg3[%mul3A_2, %dma_wait3A_58] : memref<5120x128xi32, #tpu.memory_space<hbm>> -> memref<1x128xi32, #tpu.memory_space<hbm>>
    %dma_wait3A_60 = tpu.memref_squeeze %dma_wait3A_59 : memref<1x128xi32, #tpu.memory_space<hbm>> -> memref<128xi32, #tpu.memory_space<hbm>>
    tpu.wait_dma2 semaphore(%arg13 : memref<!tpu.dma_semaphore, #tpu.memory_space<semaphore_mem>>) src(%dma_wait3A_60 : memref<128xi32, #tpu.memory_space<hbm>>) dst(%arg6 : memref<128xi32, #tpu.memory_space<vmem>>)
    %dma_wait3A_61 = arith.constant 0 : i32
    %dma_wait3A_62 = tpu.memref_slice %arg4[%mul3A_2, %dma_wait3A_61] : memref<5120x128xi32, #tpu.memory_space<hbm>> -> memref<1x128xi32, #tpu.memory_space<hbm>>
    %dma_wait3A_63 = tpu.memref_squeeze %dma_wait3A_62 : memref<1x128xi32, #tpu.memory_space<hbm>> -> memref<128xi32, #tpu.memory_space<hbm>>
    %dma_wait3A_64 = arith.constant 0 : i32
    %dma_wait3A_65 = tpu.memref_slice %arg4[%mul3A_2, %dma_wait3A_64] : memref<5120x128xi32, #tpu.memory_space<hbm>> -> memref<1x128xi32, #tpu.memory_space<hbm>>
    %dma_wait3A_66 = tpu.memref_squeeze %dma_wait3A_65 : memref<1x128xi32, #tpu.memory_space<hbm>> -> memref<128xi32, #tpu.memory_space<hbm>>
    tpu.wait_dma2 semaphore(%arg15 : memref<!tpu.dma_semaphore, #tpu.memory_space<semaphore_mem>>) src(%dma_wait3A_66 : memref<128xi32, #tpu.memory_space<hbm>>) dst(%arg8 : memref<128xi32, #tpu.memory_space<vmem>>)
    %dma_start3A_67 = arith.constant 0 : i32
    %dma_start3A_68 = arith.constant 0 : i32
    %dma_start3A_69 = tpu.memref_slice %arg2[%dma_start3A_67, %dma_start3A_68] : memref<20000x128xf32, #tpu.memory_space<hbm>> -> memref<20000x128xf32, #tpu.memory_space<hbm>>
    tpu.enqueue_indirect_dma source(%dma_start3A_69 : memref<20000x128xf32, #tpu.memory_space<hbm>>) target(%arg10 : memref<128x128xf32, #tpu.memory_space<vmem>>) offsets(%arg6 : memref<128xi32, #tpu.memory_space<vmem>>) semaphore(%arg17 : memref<!tpu.dma_semaphore, #tpu.memory_space<semaphore_mem>>)
    %scan3A_70 = arith.constant 0 : i32
    %scan3A_71 = arith.constant 0 : i32
    %scan3A_72 = arith.constant 80 : i32
    %scan3A_73 = arith.addi %scan3A_71, %scan3A_72 : i32
    %scan3A_74 = arith.constant 1 : i32
    %scan3A_75 = scf.for %scan3A_85 = %scan3A_71 to %scan3A_73 step %scan3A_74 iter_args(%scan3A_86 = %scan3A_70) -> (i32)  : i32 {
      %mul3A_87 = arith.constant 2 : i32
      %mul3A_88 = arith.muli %mul3A_87, %scan3A_85 : i32
      %add3A_89 = arith.addi %mul3A_2, %mul3A_88 : i32
      %ge3A = arith.constant 79 : i32
      %ge3A_90 = arith.cmpi sge, %scan3A_85, %ge3A : i32
      %add3A_91 = arith.constant 1 : i32
      %add3A_92 = arith.addi %add3A_89, %add3A_91 : i32
      %dma_wait3A_93 = arith.constant 0 : i32
      %dma_wait3A_94 = tpu.memref_slice %arg3[%add3A_92, %dma_wait3A_93] : memref<5120x128xi32, #tpu.memory_space<hbm>> -> memref<1x128xi32, #tpu.memory_space<hbm>>
      %dma_wait3A_95 = tpu.memref_squeeze %dma_wait3A_94 : memref<1x128xi32, #tpu.memory_space<hbm>> -> memref<128xi32, #tpu.memory_space<hbm>>
      %dma_wait3A_96 = arith.constant 0 : i32
      %dma_wait3A_97 = tpu.memref_slice %arg3[%add3A_92, %dma_wait3A_96] : memref<5120x128xi32, #tpu.memory_space<hbm>> -> memref<1x128xi32, #tpu.memory_space<hbm>>
      %dma_wait3A_98 = tpu.memref_squeeze %dma_wait3A_97 : memref<1x128xi32, #tpu.memory_space<hbm>> -> memref<128xi32, #tpu.memory_space<hbm>>
      tpu.wait_dma2 semaphore(%arg14 : memref<!tpu.dma_semaphore, #tpu.memory_space<semaphore_mem>>) src(%dma_wait3A_98 : memref<128xi32, #tpu.memory_space<hbm>>) dst(%arg7 : memref<128xi32, #tpu.memory_space<vmem>>)
      %add3A_99 = arith.constant 1 : i32
      %add3A_100 = arith.addi %add3A_89, %add3A_99 : i32
      %dma_wait3A_101 = arith.constant 0 : i32
      %dma_wait3A_102 = tpu.memref_slice %arg4[%add3A_100, %dma_wait3A_101] : memref<5120x128xi32, #tpu.memory_space<hbm>> -> memref<1x128xi32, #tpu.memory_space<hbm>>
      %dma_wait3A_103 = tpu.memref_squeeze %dma_wait3A_102 : memref<1x128xi32, #tpu.memory_space<hbm>> -> memref<128xi32, #tpu.memory_space<hbm>>
      %dma_wait3A_104 = arith.constant 0 : i32
      %dma_wait3A_105 = tpu.memref_slice %arg4[%add3A_100, %dma_wait3A_104] : memref<5120x128xi32, #tpu.memory_space<hbm>> -> memref<1x128xi32, #tpu.memory_space<hbm>>
      %dma_wait3A_106 = tpu.memref_squeeze %dma_wait3A_105 : memref<1x128xi32, #tpu.memory_space<hbm>> -> memref<128xi32, #tpu.memory_space<hbm>>
      tpu.wait_dma2 semaphore(%arg16 : memref<!tpu.dma_semaphore, #tpu.memory_space<semaphore_mem>>) src(%dma_wait3A_106 : memref<128xi32, #tpu.memory_space<hbm>>) dst(%arg9 : memref<128xi32, #tpu.memory_space<vmem>>)
      %dma_start3A_107 = arith.constant 0 : i32
      %dma_start3A_108 = arith.constant 0 : i32
      %dma_start3A_109 = tpu.memref_slice %arg2[%dma_start3A_107, %dma_start3A_108] : memref<20000x128xf32, #tpu.memory_space<hbm>> -> memref<20000x128xf32, #tpu.memory_space<hbm>>
      tpu.enqueue_indirect_dma source(%dma_start3A_109 : memref<20000x128xf32, #tpu.memory_space<hbm>>) target(%arg11 : memref<128x128xf32, #tpu.memory_space<vmem>>) offsets(%arg7 : memref<128xi32, #tpu.memory_space<vmem>>) semaphore(%arg18 : memref<!tpu.dma_semaphore, #tpu.memory_space<semaphore_mem>>)
      %dma_wait3A_110 = arith.constant 0 : i32
      %dma_wait3A_111 = arith.constant 0 : i32
      %dma_wait3A_112 = tpu.memref_slice %arg2[%dma_wait3A_110, %dma_wait3A_111] : memref<20000x128xf32, #tpu.memory_space<hbm>> -> memref<20000x128xf32, #tpu.memory_space<hbm>>
      tpu.wait_indirect_dma semaphore(%arg17 : memref<!tpu.dma_semaphore, #tpu.memory_space<semaphore_mem>>) src(%dma_wait3A_112 : memref<20000x128xf32, #tpu.memory_space<hbm>>) dst(%arg10 : memref<128x128xf32, #tpu.memory_space<vmem>>)
      "tpu.region"() ({
        %run_scoped3A = tpu.sem_alloc : memref<!tpu.dma_semaphore, #tpu.memory_space<semaphore_mem>>
        %dma_start3A_124 = arith.constant 0 : i32
        %dma_start3A_125 = arith.constant 0 : i32
        %dma_start3A_126 = tpu.memref_slice %arg12[%dma_start3A_124, %dma_start3A_125] : memref<10240x128xf32, #tpu.memory_space<vmem_shared>> -> memref<10240x128xf32, #tpu.memory_space<vmem_shared>>
        tpu.enqueue_indirect_dma source(%arg10 : memref<128x128xf32, #tpu.memory_space<vmem>>) target(%dma_start3A_126 : memref<10240x128xf32, #tpu.memory_space<vmem_shared>>) offsets(%arg8 : memref<128xi32, #tpu.memory_space<vmem>>) semaphore(%run_scoped3A : memref<!tpu.dma_semaphore, #tpu.memory_space<semaphore_mem>>) {add = true}
        %dma_wait3A_127 = arith.constant 0 : i32
        %dma_wait3A_128 = arith.constant 0 : i32
        %dma_wait3A_129 = tpu.memref_slice %arg12[%dma_wait3A_127, %dma_wait3A_128] : memref<10240x128xf32, #tpu.memory_space<vmem_shared>> -> memref<10240x128xf32, #tpu.memory_space<vmem_shared>>
        tpu.wait_indirect_dma semaphore(%run_scoped3A : memref<!tpu.dma_semaphore, #tpu.memory_space<semaphore_mem>>) src(%arg10 : memref<128x128xf32, #tpu.memory_space<vmem>>) dst(%dma_wait3A_129 : memref<10240x128xf32, #tpu.memory_space<vmem_shared>>)
        tpu.yield
      }) : () -> ()
      %not3A = arith.constant true
      %not3A_113 = arith.xori %ge3A_90, %not3A : i1
      %convert_element_type3A = arith.extui %not3A_113 : i1 to i32
      %cond3A = arith.constant 0 : i32
      %cond3A_114 = arith.cmpi ne, %convert_element_type3A, %cond3A : i32
      scf.if %cond3A_114 {
        %add3A_124 = arith.constant 2 : i32
        %add3A_125 = arith.addi %add3A_89, %add3A_124 : i32
        %dma_start3A_126 = arith.constant 0 : i32
        %dma_start3A_127 = tpu.memref_slice %arg3[%add3A_125, %dma_start3A_126] : memref<5120x128xi32, #tpu.memory_space<hbm>> -> memref<1x128xi32, #tpu.memory_space<hbm>>
        %dma_start3A_128 = tpu.memref_squeeze %dma_start3A_127 : memref<1x128xi32, #tpu.memory_space<hbm>> -> memref<128xi32, #tpu.memory_space<hbm>>
        %dma_start3A_129 = arith.constant 0 : i32
        %dma_start3A_130 = tpu.memref_slice %arg3[%add3A_125, %dma_start3A_129] : memref<5120x128xi32, #tpu.memory_space<hbm>> -> memref<1x128xi32, #tpu.memory_space<hbm>>
        %dma_start3A_131 = tpu.memref_squeeze %dma_start3A_130 : memref<1x128xi32, #tpu.memory_space<hbm>> -> memref<128xi32, #tpu.memory_space<hbm>>
        tpu.enqueue_dma source(%dma_start3A_131 : memref<128xi32, #tpu.memory_space<hbm>>) target(%arg6 : memref<128xi32, #tpu.memory_space<vmem>>) target_semaphore(%arg13 : memref<!tpu.dma_semaphore, #tpu.memory_space<semaphore_mem>>)
        %add3A_132 = arith.constant 2 : i32
        %add3A_133 = arith.addi %add3A_89, %add3A_132 : i32
        %dma_start3A_134 = arith.constant 0 : i32
        %dma_start3A_135 = tpu.memref_slice %arg4[%add3A_133, %dma_start3A_134] : memref<5120x128xi32, #tpu.memory_space<hbm>> -> memref<1x128xi32, #tpu.memory_space<hbm>>
        %dma_start3A_136 = tpu.memref_squeeze %dma_start3A_135 : memref<1x128xi32, #tpu.memory_space<hbm>> -> memref<128xi32, #tpu.memory_space<hbm>>
        %dma_start3A_137 = arith.constant 0 : i32
        %dma_start3A_138 = tpu.memref_slice %arg4[%add3A_133, %dma_start3A_137] : memref<5120x128xi32, #tpu.memory_space<hbm>> -> memref<1x128xi32, #tpu.memory_space<hbm>>
        %dma_start3A_139 = tpu.memref_squeeze %dma_start3A_138 : memref<1x128xi32, #tpu.memory_space<hbm>> -> memref<128xi32, #tpu.memory_space<hbm>>
        tpu.enqueue_dma source(%dma_start3A_139 : memref<128xi32, #tpu.memory_space<hbm>>) target(%arg8 : memref<128xi32, #tpu.memory_space<vmem>>) target_semaphore(%arg15 : memref<!tpu.dma_semaphore, #tpu.memory_space<semaphore_mem>>)
        %add3A_140 = arith.constant 2 : i32
        %add3A_141 = arith.addi %add3A_89, %add3A_140 : i32
        %dma_wait3A_142 = arith.constant 0 : i32
        %dma_wait3A_143 = tpu.memref_slice %arg3[%add3A_141, %dma_wait3A_142] : memref<5120x128xi32, #tpu.memory_space<hbm>> -> memref<1x128xi32, #tpu.memory_space<hbm>>
        %dma_wait3A_144 = tpu.memref_squeeze %dma_wait3A_143 : memref<1x128xi32, #tpu.memory_space<hbm>> -> memref<128xi32, #tpu.memory_space<hbm>>
        %dma_wait3A_145 = arith.constant 0 : i32
        %dma_wait3A_146 = tpu.memref_slice %arg3[%add3A_141, %dma_wait3A_145] : memref<5120x128xi32, #tpu.memory_space<hbm>> -> memref<1x128xi32, #tpu.memory_space<hbm>>
        %dma_wait3A_147 = tpu.memref_squeeze %dma_wait3A_146 : memref<1x128xi32, #tpu.memory_space<hbm>> -> memref<128xi32, #tpu.memory_space<hbm>>
        tpu.wait_dma2 semaphore(%arg13 : memref<!tpu.dma_semaphore, #tpu.memory_space<semaphore_mem>>) src(%dma_wait3A_147 : memref<128xi32, #tpu.memory_space<hbm>>) dst(%arg6 : memref<128xi32, #tpu.memory_space<vmem>>)
        %add3A_148 = arith.constant 2 : i32
        %add3A_149 = arith.addi %add3A_89, %add3A_148 : i32
        %dma_wait3A_150 = arith.constant 0 : i32
        %dma_wait3A_151 = tpu.memref_slice %arg4[%add3A_149, %dma_wait3A_150] : memref<5120x128xi32, #tpu.memory_space<hbm>> -> memref<1x128xi32, #tpu.memory_space<hbm>>
        %dma_wait3A_152 = tpu.memref_squeeze %dma_wait3A_151 : memref<1x128xi32, #tpu.memory_space<hbm>> -> memref<128xi32, #tpu.memory_space<hbm>>
        %dma_wait3A_153 = arith.constant 0 : i32
        %dma_wait3A_154 = tpu.memref_slice %arg4[%add3A_149, %dma_wait3A_153] : memref<5120x128xi32, #tpu.memory_space<hbm>> -> memref<1x128xi32, #tpu.memory_space<hbm>>
        %dma_wait3A_155 = tpu.memref_squeeze %dma_wait3A_154 : memref<1x128xi32, #tpu.memory_space<hbm>> -> memref<128xi32, #tpu.memory_space<hbm>>
        tpu.wait_dma2 semaphore(%arg15 : memref<!tpu.dma_semaphore, #tpu.memory_space<semaphore_mem>>) src(%dma_wait3A_155 : memref<128xi32, #tpu.memory_space<hbm>>) dst(%arg8 : memref<128xi32, #tpu.memory_space<vmem>>)
        %dma_start3A_156 = arith.constant 0 : i32
        %dma_start3A_157 = arith.constant 0 : i32
        %dma_start3A_158 = tpu.memref_slice %arg2[%dma_start3A_156, %dma_start3A_157] : memref<20000x128xf32, #tpu.memory_space<hbm>> -> memref<20000x128xf32, #tpu.memory_space<hbm>>
        tpu.enqueue_indirect_dma source(%dma_start3A_158 : memref<20000x128xf32, #tpu.memory_space<hbm>>) target(%arg10 : memref<128x128xf32, #tpu.memory_space<vmem>>) offsets(%arg6 : memref<128xi32, #tpu.memory_space<vmem>>) semaphore(%arg17 : memref<!tpu.dma_semaphore, #tpu.memory_space<semaphore_mem>>)
      } else {
      }
      %dma_wait3A_115 = arith.constant 0 : i32
      %dma_wait3A_116 = arith.constant 0 : i32
      %dma_wait3A_117 = tpu.memref_slice %arg2[%dma_wait3A_115, %dma_wait3A_116] : memref<20000x128xf32, #tpu.memory_space<hbm>> -> memref<20000x128xf32, #tpu.memory_space<hbm>>
      tpu.wait_indirect_dma semaphore(%arg18 : memref<!tpu.dma_semaphore, #tpu.memory_space<semaphore_mem>>) src(%dma_wait3A_117 : memref<20000x128xf32, #tpu.memory_space<hbm>>) dst(%arg11 : memref<128x128xf32, #tpu.memory_space<vmem>>)
      "tpu.region"() ({
        %run_scoped3A = tpu.sem_alloc : memref<!tpu.dma_semaphore, #tpu.memory_space<semaphore_mem>>
        %dma_start3A_124 = arith.constant 0 : i32
        %dma_start3A_125 = arith.constant 0 : i32
        %dma_start3A_126 = tpu.memref_slice %arg12[%dma_start3A_124, %dma_start3A_125] : memref<10240x128xf32, #tpu.memory_space<vmem_shared>> -> memref<10240x128xf32, #tpu.memory_space<vmem_shared>>
        tpu.enqueue_indirect_dma source(%arg11 : memref<128x128xf32, #tpu.memory_space<vmem>>) target(%dma_start3A_126 : memref<10240x128xf32, #tpu.memory_space<vmem_shared>>) offsets(%arg9 : memref<128xi32, #tpu.memory_space<vmem>>) semaphore(%run_scoped3A : memref<!tpu.dma_semaphore, #tpu.memory_space<semaphore_mem>>) {add = true}
        %dma_wait3A_127 = arith.constant 0 : i32
        %dma_wait3A_128 = arith.constant 0 : i32
        %dma_wait3A_129 = tpu.memref_slice %arg12[%dma_wait3A_127, %dma_wait3A_128] : memref<10240x128xf32, #tpu.memory_space<vmem_shared>> -> memref<10240x128xf32, #tpu.memory_space<vmem_shared>>
        tpu.wait_indirect_dma semaphore(%run_scoped3A : memref<!tpu.dma_semaphore, #tpu.memory_space<semaphore_mem>>) src(%arg11 : memref<128x128xf32, #tpu.memory_space<vmem>>) dst(%dma_wait3A_129 : memref<10240x128xf32, #tpu.memory_space<vmem_shared>>)
        tpu.yield
      }) : () -> ()
      %not3A_118 = arith.constant true
      %not3A_119 = arith.xori %ge3A_90, %not3A_118 : i1
      %convert_element_type3A_120 = arith.extui %not3A_119 : i1 to i32
      %cond3A_121 = arith.constant 0 : i32
      %cond3A_122 = arith.cmpi ne, %convert_element_type3A_120, %cond3A_121 : i32
      scf.if %cond3A_122 {
        %add3A_124 = arith.constant 3 : i32
        %add3A_125 = arith.addi %add3A_89, %add3A_124 : i32
        %dma_start3A_126 = arith.constant 0 : i32
        %dma_start3A_127 = tpu.memref_slice %arg3[%add3A_125, %dma_start3A_126] : memref<5120x128xi32, #tpu.memory_space<hbm>> -> memref<1x128xi32, #tpu.memory_space<hbm>>
        %dma_start3A_128 = tpu.memref_squeeze %dma_start3A_127 : memref<1x128xi32, #tpu.memory_space<hbm>> -> memref<128xi32, #tpu.memory_space<hbm>>
        %dma_start3A_129 = arith.constant 0 : i32
        %dma_start3A_130 = tpu.memref_slice %arg3[%add3A_125, %dma_start3A_129] : memref<5120x128xi32, #tpu.memory_space<hbm>> -> memref<1x128xi32, #tpu.memory_space<hbm>>
        %dma_start3A_131 = tpu.memref_squeeze %dma_start3A_130 : memref<1x128xi32, #tpu.memory_space<hbm>> -> memref<128xi32, #tpu.memory_space<hbm>>
        tpu.enqueue_dma source(%dma_start3A_131 : memref<128xi32, #tpu.memory_space<hbm>>) target(%arg7 : memref<128xi32, #tpu.memory_space<vmem>>) target_semaphore(%arg14 : memref<!tpu.dma_semaphore, #tpu.memory_space<semaphore_mem>>)
        %add3A_132 = arith.constant 3 : i32
        %add3A_133 = arith.addi %add3A_89, %add3A_132 : i32
        %dma_start3A_134 = arith.constant 0 : i32
        %dma_start3A_135 = tpu.memref_slice %arg4[%add3A_133, %dma_start3A_134] : memref<5120x128xi32, #tpu.memory_space<hbm>> -> memref<1x128xi32, #tpu.memory_space<hbm>>
        %dma_start3A_136 = tpu.memref_squeeze %dma_start3A_135 : memref<1x128xi32, #tpu.memory_space<hbm>> -> memref<128xi32, #tpu.memory_space<hbm>>
        %dma_start3A_137 = arith.constant 0 : i32
        %dma_start3A_138 = tpu.memref_slice %arg4[%add3A_133, %dma_start3A_137] : memref<5120x128xi32, #tpu.memory_space<hbm>> -> memref<1x128xi32, #tpu.memory_space<hbm>>
        %dma_start3A_139 = tpu.memref_squeeze %dma_start3A_138 : memref<1x128xi32, #tpu.memory_space<hbm>> -> memref<128xi32, #tpu.memory_space<hbm>>
        tpu.enqueue_dma source(%dma_start3A_139 : memref<128xi32, #tpu.memory_space<hbm>>) target(%arg9 : memref<128xi32, #tpu.memory_space<vmem>>) target_semaphore(%arg16 : memref<!tpu.dma_semaphore, #tpu.memory_space<semaphore_mem>>)
      } else {
      }
      %scan3A_123 = arith.constant 0 : i32
      scf.yield %scan3A_123 : i32
    }
    %scan3A_76 = arith.constant 80 : i32
    %barrier3A_77 = arith.constant 0 : index
    tpu.barrier barrier_id(%barrier3A_77)
    %mul3A_78 = arith.constant 640 : i32
    %mul3A_79 = arith.muli %arg1, %mul3A_78 : i32
    %mul3A_80 = arith.constant 10240 : i32
    %mul3A_81 = arith.muli %arg0, %mul3A_80 : i32
    %mul3A_82 = arith.constant 640 : i32
    %mul3A_83 = arith.muli %arg1, %mul3A_82 : i32
    %add3A_84 = arith.addi %mul3A_81, %mul3A_83 : i32
    "tpu.region"() ({
      %run_scoped3A = tpu.sem_alloc : memref<!tpu.dma_semaphore, #tpu.memory_space<semaphore_mem>>
      %dma_start3A_85 = arith.constant 0 : i32
      %dma_start3A_86 = tpu.memref_slice %arg5[%add3A_84, %dma_start3A_85] : memref<20480x128xf32, #tpu.memory_space<hbm>> -> memref<640x128xf32, #tpu.memory_space<hbm>>
      %dma_start3A_87 = arith.constant 0 : i32
      %dma_start3A_88 = tpu.memref_slice %arg12[%mul3A_79, %dma_start3A_87] : memref<10240x128xf32, #tpu.memory_space<vmem_shared>> -> memref<640x128xf32, #tpu.memory_space<vmem_shared>>
      tpu.enqueue_dma source(%dma_start3A_88 : memref<640x128xf32, #tpu.memory_space<vmem_shared>>) target(%dma_start3A_86 : memref<640x128xf32, #tpu.memory_space<hbm>>) target_semaphore(%run_scoped3A : memref<!tpu.dma_semaphore, #tpu.memory_space<semaphore_mem>>)
      %dma_wait3A_89 = arith.constant 0 : i32
      %dma_wait3A_90 = tpu.memref_slice %arg5[%add3A_84, %dma_wait3A_89] : memref<20480x128xf32, #tpu.memory_space<hbm>> -> memref<640x128xf32, #tpu.memory_space<hbm>>
      %dma_wait3A_91 = arith.constant 0 : i32
      %dma_wait3A_92 = tpu.memref_slice %arg12[%mul3A_79, %dma_wait3A_91] : memref<10240x128xf32, #tpu.memory_space<vmem_shared>> -> memref<640x128xf32, #tpu.memory_space<vmem_shared>>
      tpu.wait_dma2 semaphore(%run_scoped3A : memref<!tpu.dma_semaphore, #tpu.memory_space<semaphore_mem>>) src(%dma_wait3A_92 : memref<640x128xf32, #tpu.memory_space<vmem_shared>>) dst(%dma_wait3A_90 : memref<640x128xf32, #tpu.memory_space<hbm>>)
      tpu.yield
    }) : () -> ()
    return
  }
}

module attributes {stable_mosaic.version = 14 : i64} {
  func.func @_prescale_body(%arg0: i32, %arg1: memref<400x128xf32, #tpu.memory_space<vmem>>, %arg2: memref<400x1xf32, #tpu.memory_space<vmem>>, %arg3: memref<400x128xf32, #tpu.memory_space<vmem>>, %arg4: memref<400x1xf32, #tpu.memory_space<vmem>>) attributes {dimension_semantics = [#tpu.dimension_semantics<arbitrary>], iteration_bounds = array<i64: 25>, scalar_prefetch = 0 : i64, scratch_operands = 0 : i64, tpu.core_type = #tpu.core_type<tc>, window_params = [{transform_indices = @transform_0, window_bounds = array<i64: 400, 128>}, {transform_indices = @transform_1, window_bounds = array<i64: 400, 1>}, {transform_indices = @transform_2, window_bounds = array<i64: 400, 128>}, {transform_indices = @transform_3, window_bounds = array<i64: 400, 1>}]} {
    %get3A = arith.constant 0 : index
    %get3A_0 = arith.constant 0 : index
    %get3A_1 = vector.load %arg2[%get3A, %get3A_0] : memref<400x1xf32, #tpu.memory_space<vmem>>, vector<400x1xf32>
    %gt3A = arith.constant 5.000000e-01 : f32
    %gt3A_2 = vector.broadcast %gt3A : f32 to vector<400x1xf32>
    %gt3A_3 = arith.cmpf ogt, %get3A_1, %gt3A_2 : vector<400x1xf32>
    %rsqrt3A = math.rsqrt %get3A_1 : vector<400x1xf32>
    %jit3A = arith.constant 0.000000e+00 : f32
    %broadcast_in_dim3A = vector.broadcast %jit3A : f32 to vector<400x1xf32>
    %select_n3A = arith.select %gt3A_3, %rsqrt3A, %broadcast_in_dim3A : vector<400x1xi1>, vector<400x1xf32>
    %swap3A = arith.constant 0 : index
    %swap3A_4 = arith.constant 0 : index
    %swap3A_5 = vector.load %arg4[%swap3A, %swap3A_4] : memref<400x1xf32, #tpu.memory_space<vmem>>, vector<400x1xf32>
    tpu.vector_store %arg4[%swap3A, %swap3A_4], %select_n3A {strides = array<i32>} : memref<400x1xf32, #tpu.memory_space<vmem>>, vector<400x1xf32>,
    %get3A_6 = arith.constant 0 : index
    %get3A_7 = arith.constant 0 : index
    %get3A_8 = vector.load %arg1[%get3A_6, %get3A_7] : memref<400x128xf32, #tpu.memory_space<vmem>>, vector<400x128xf32>
    %mul3A = vector.broadcast %select_n3A : vector<400x1xf32> to vector<400x128xf32>
    %mul3A_9 = arith.mulf %get3A_8, %mul3A : vector<400x128xf32>
    %swap3A_10 = arith.constant 0 : index
    %swap3A_11 = arith.constant 0 : index
    %swap3A_12 = vector.load %arg3[%swap3A_10, %swap3A_11] : memref<400x128xf32, #tpu.memory_space<vmem>>, vector<400x128xf32>
    tpu.vector_store %arg3[%swap3A_10, %swap3A_11], %mul3A_9 {strides = array<i32>} : memref<400x128xf32, #tpu.memory_space<vmem>>, vector<400x128xf32>,
    return
  }
  func.func @transform_0(%arg0: i32) -> (i32, i32) {
    %c0_i32 = arith.constant 0 : i32
    %c0_i32_0 = arith.constant 0 : i32
    return %arg0, %c0_i32 : i32, i32
  }
  func.func @transform_1(%arg0: i32) -> (i32, i32) {
    %c0_i32 = arith.constant 0 : i32
    %c0_i32_0 = arith.constant 0 : i32
    return %arg0, %c0_i32 : i32, i32
  }
  func.func @transform_2(%arg0: i32) -> (i32, i32) {
    %c0_i32 = arith.constant 0 : i32
    %c0_i32_0 = arith.constant 0 : i32
    return %arg0, %c0_i32 : i32, i32
  }
  func.func @transform_3(%arg0: i32) -> (i32, i32) {
    %c0_i32 = arith.constant 0 : i32
    %c0_i32_0 = arith.constant 0 : i32
    return %arg0, %c0_i32 : i32, i32
  }
}

module attributes {stable_mosaic.version = 14 : i64} {
  func.func @_mm_post_body(%arg0: i32, %arg1: memref<400x128xf32, #tpu.memory_space<vmem>>, %arg2: memref<1x400x128xf32, #tpu.memory_space<vmem>>, %arg3: memref<1x400x128xf32, #tpu.memory_space<vmem>>, %arg4: memref<400x1xf32, #tpu.memory_space<vmem>>, %arg5: memref<128x256xf32, #tpu.memory_space<vmem>>, %arg6: memref<1x256xf32, #tpu.memory_space<vmem>>, %arg7: memref<128x256xf32, #tpu.memory_space<vmem>>, %arg8: memref<128x256xf32, #tpu.memory_space<vmem>>, %arg9: memref<400x256xf32, #tpu.memory_space<vmem>>, %arg10: memref<2x400x128xf32, #tpu.memory_space<vmem>>) attributes {dimension_semantics = [#tpu.dimension_semantics<arbitrary>], iteration_bounds = array<i64: 25>, scalar_prefetch = 0 : i64, scratch_operands = 0 : i64, tpu.core_type = #tpu.core_type<tc>, window_params = [{transform_indices = @transform_0, window_bounds = array<i64: 400, 128>}, {transform_indices = @transform_1, window_bounds = array<i64: 1, 400, 128>}, {transform_indices = @transform_2, window_bounds = array<i64: 1, 400, 128>}, {transform_indices = @transform_3, window_bounds = array<i64: 400, 1>}, {pipeline_mode = #tpu.pipeline_mode<synchronous>, transform_indices = @transform_4, window_bounds = array<i64: 128, 256>}, {pipeline_mode = #tpu.pipeline_mode<synchronous>, transform_indices = @transform_5, window_bounds = array<i64: 1, 256>}, {pipeline_mode = #tpu.pipeline_mode<synchronous>, transform_indices = @transform_6, window_bounds = array<i64: 128, 256>}, {pipeline_mode = #tpu.pipeline_mode<synchronous>, transform_indices = @transform_7, window_bounds = array<i64: 128, 256>}, {transform_indices = @transform_8, window_bounds = array<i64: 400, 256>}, {transform_indices = @transform_9, window_bounds = array<i64: 2, 400, 128>}]} {
    %get3A = arith.constant 0 : index
    %get3A_0 = arith.constant 0 : index
    %get3A_1 = arith.constant 0 : index
    %get3A_2 = vector.load %arg2[%get3A, %get3A_0, %get3A_1] : memref<1x400x128xf32, #tpu.memory_space<vmem>>, vector<1x400x128xf32>
    %get3A_3 = vector.shape_cast %get3A_2 : vector<1x400x128xf32> to vector<400x128xf32>
    %get3A_4 = arith.constant 0 : index
    %get3A_5 = arith.constant 0 : index
    %get3A_6 = arith.constant 0 : index
    %get3A_7 = vector.load %arg3[%get3A_4, %get3A_5, %get3A_6] : memref<1x400x128xf32, #tpu.memory_space<vmem>>, vector<1x400x128xf32>
    %get3A_8 = vector.shape_cast %get3A_7 : vector<1x400x128xf32> to vector<400x128xf32>
    %add3A = arith.addf %get3A_3, %get3A_8 : vector<400x128xf32>
    %get3A_9 = arith.constant 0 : index
    %get3A_10 = arith.constant 0 : index
    %get3A_11 = vector.load %arg7[%get3A_9, %get3A_10] : memref<128x256xf32, #tpu.memory_space<vmem>>, vector<128x256xf32>
    %dot_general3A = arith.constant dense<0.000000e+00> : vector<400x256xf32>
    %dot_general3A_12 = tpu.matmul %add3A, %get3A_11, %dot_general3A {dimension_numbers = #tpu.dot_dimension_numbers<[1], [0], [0], [1], [0, 0, 1, 1], [], []>, transpose_lhs_hint = false} : vector<400x128xf32>, vector<128x256xf32>, vector<400x256xf32> -> vector<400x256xf32>
    %get3A_13 = arith.constant 0 : index
    %get3A_14 = arith.constant 0 : index
    %get3A_15 = vector.load %arg4[%get3A_13, %get3A_14] : memref<400x1xf32, #tpu.memory_space<vmem>>, vector<400x1xf32>
    %get3A_16 = arith.constant 0 : index
    %get3A_17 = arith.constant 0 : index
    %get3A_18 = vector.load %arg1[%get3A_16, %get3A_17] : memref<400x128xf32, #tpu.memory_space<vmem>>, vector<400x128xf32>
    %get3A_19 = arith.constant 0 : index
    %get3A_20 = arith.constant 0 : index
    %get3A_21 = vector.load %arg5[%get3A_19, %get3A_20] : memref<128x256xf32, #tpu.memory_space<vmem>>, vector<128x256xf32>
    %dot_general3A_22 = arith.constant dense<0.000000e+00> : vector<400x256xf32>
    %dot_general3A_23 = tpu.matmul %get3A_18, %get3A_21, %dot_general3A_22 {dimension_numbers = #tpu.dot_dimension_numbers<[1], [0], [0], [1], [0, 0, 1, 1], [], []>, transpose_lhs_hint = false} : vector<400x128xf32>, vector<128x256xf32>, vector<400x256xf32> -> vector<400x256xf32>
    %mul3A = vector.broadcast %get3A_15 : vector<400x1xf32> to vector<400x256xf32>
    %mul3A_24 = arith.mulf %mul3A, %dot_general3A_12 : vector<400x256xf32>
    %sub3A = arith.subf %dot_general3A_23, %mul3A_24 : vector<400x256xf32>
    %get3A_25 = arith.constant 0 : index
    %get3A_26 = arith.constant 0 : index
    %get3A_27 = vector.load %arg6[%get3A_25, %get3A_26] : memref<1x256xf32, #tpu.memory_space<vmem>>, vector<1x256xf32>
    %add3A_28 = vector.broadcast %get3A_27 : vector<1x256xf32> to vector<400x256xf32>
    %add3A_29 = arith.addf %sub3A, %add3A_28 : vector<400x256xf32>
    %max3A = arith.constant 0.000000e+00 : f32
    %max3A_30 = vector.broadcast %max3A : f32 to vector<400x256xf32>
    %max3A_31 = arith.maximumf %add3A_29, %max3A_30 : vector<400x256xf32>
    %swap3A = arith.constant 0 : index
    %swap3A_32 = arith.constant 0 : index
    %swap3A_33 = vector.load %arg9[%swap3A, %swap3A_32] : memref<400x256xf32, #tpu.memory_space<vmem>>, vector<400x256xf32>
    tpu.vector_store %arg9[%swap3A, %swap3A_32], %max3A_31 {strides = array<i32>} : memref<400x256xf32, #tpu.memory_space<vmem>>, vector<400x256xf32>,
    %mul3A_34 = vector.broadcast %get3A_15 : vector<400x1xf32> to vector<400x256xf32>
    %mul3A_35 = arith.mulf %max3A_31, %mul3A_34 : vector<400x256xf32>
    %slice3A = vector.extract_strided_slice %mul3A_35 {offsets = [0, 0], sizes = [400, 128], strides = [1, 1]} : vector<400x256xf32> to vector<400x128xf32>
    %swap3A_36 = arith.constant 0 : index
    %swap3A_37 = arith.constant 0 : index
    %swap3A_38 = arith.constant 0 : index
    %swap3A_39 = vector.load %arg10[%swap3A_36, %swap3A_37, %swap3A_38] : memref<2x400x128xf32, #tpu.memory_space<vmem>>, vector<1x400x128xf32>
    %swap3A_40 = vector.shape_cast %swap3A_39 : vector<1x400x128xf32> to vector<400x128xf32>
    %swap3A_41 = vector.shape_cast %slice3A : vector<400x128xf32> to vector<1x400x128xf32>
    tpu.vector_store %arg10[%swap3A_36, %swap3A_37, %swap3A_38], %swap3A_41 {strides = array<i32>} : memref<2x400x128xf32, #tpu.memory_space<vmem>>, vector<1x400x128xf32>,
    %slice3A_42 = vector.extract_strided_slice %mul3A_35 {offsets = [0, 128], sizes = [400, 128], strides = [1, 1]} : vector<400x256xf32> to vector<400x128xf32>
    %swap3A_43 = arith.constant 1 : index
    %swap3A_44 = arith.constant 0 : index
    %swap3A_45 = arith.constant 0 : index
    %swap3A_46 = vector.load %arg10[%swap3A_43, %swap3A_44, %swap3A_45] : memref<2x400x128xf32, #tpu.memory_space<vmem>>, vector<1x400x128xf32>
    %swap3A_47 = vector.shape_cast %swap3A_46 : vector<1x400x128xf32> to vector<400x128xf32>
    %swap3A_48 = vector.shape_cast %slice3A_42 : vector<400x128xf32> to vector<1x400x128xf32>
    tpu.vector_store %arg10[%swap3A_43, %swap3A_44, %swap3A_45], %swap3A_48 {strides = array<i32>} : memref<2x400x128xf32, #tpu.memory_space<vmem>>, vector<1x400x128xf32>,
    return
  }
  func.func @transform_0(%arg0: i32) -> (i32, i32) {
    %c0_i32 = arith.constant 0 : i32
    %c0_i32_0 = arith.constant 0 : i32
    return %arg0, %c0_i32 : i32, i32
  }
  func.func @transform_1(%arg0: i32) -> (i32, i32, i32) {
    %c0_i32 = arith.constant 0 : i32
    %c0_i32_0 = arith.constant 0 : i32
    %c0_i32_1 = arith.constant 0 : i32
    return %c0_i32, %arg0, %c0_i32_0 : i32, i32, i32
  }
  func.func @transform_2(%arg0: i32) -> (i32, i32, i32) {
    %c1_i32 = arith.constant 1 : i32
    %c0_i32 = arith.constant 0 : i32
    %c0_i32_0 = arith.constant 0 : i32
    return %c1_i32, %arg0, %c0_i32 : i32, i32, i32
  }
  func.func @transform_3(%arg0: i32) -> (i32, i32) {
    %c0_i32 = arith.constant 0 : i32
    %c0_i32_0 = arith.constant 0 : i32
    return %arg0, %c0_i32 : i32, i32
  }
  func.func @transform_4(%arg0: i32) -> (i32, i32) {
    %c0_i32 = arith.constant 0 : i32
    %c0_i32_0 = arith.constant 0 : i32
    %c0_i32_1 = arith.constant 0 : i32
    return %c0_i32, %c0_i32_0 : i32, i32
  }
  func.func @transform_5(%arg0: i32) -> (i32, i32) {
    %c0_i32 = arith.constant 0 : i32
    %c0_i32_0 = arith.constant 0 : i32
    %c0_i32_1 = arith.constant 0 : i32
    return %c0_i32, %c0_i32_0 : i32, i32
  }
  func.func @transform_6(%arg0: i32) -> (i32, i32) {
    %c0_i32 = arith.constant 0 : i32
    %c0_i32_0 = arith.constant 0 : i32
    %c0_i32_1 = arith.constant 0 : i32
    return %c0_i32, %c0_i32_0 : i32, i32
  }
  func.func @transform_7(%arg0: i32) -> (i32, i32) {
    %c0_i32 = arith.constant 0 : i32
    %c0_i32_0 = arith.constant 0 : i32
    %c0_i32_1 = arith.constant 0 : i32
    return %c0_i32, %c0_i32_0 : i32, i32
  }
  func.func @transform_8(%arg0: i32) -> (i32, i32) {
    %c0_i32 = arith.constant 0 : i32
    %c0_i32_0 = arith.constant 0 : i32
    return %arg0, %c0_i32 : i32, i32
  }
  func.func @transform_9(%arg0: i32) -> (i32, i32, i32) {
    %c0_i32 = arith.constant 0 : i32
    %c0_i32_0 = arith.constant 0 : i32
    %c0_i32_1 = arith.constant 0 : i32
    return %c0_i32, %arg0, %c0_i32_0 : i32, i32, i32
  }
}

module attributes {stable_mosaic.version = 14 : i64} {
  func.func @_mm_post_body(%arg0: i32, %arg1: memref<400x256xf32, #tpu.memory_space<vmem>>, %arg2: memref<1x400x128xf32, #tpu.memory_space<vmem>>, %arg3: memref<1x400x128xf32, #tpu.memory_space<vmem>>, %arg4: memref<400x1xf32, #tpu.memory_space<vmem>>, %arg5: memref<256x256xf32, #tpu.memory_space<vmem>>, %arg6: memref<1x256xf32, #tpu.memory_space<vmem>>, %arg7: memref<128x256xf32, #tpu.memory_space<vmem>>, %arg8: memref<128x256xf32, #tpu.memory_space<vmem>>, %arg9: memref<400x256xf32, #tpu.memory_space<vmem>>, %arg10: memref<2x400x128xf32, #tpu.memory_space<vmem>>) attributes {dimension_semantics = [#tpu.dimension_semantics<arbitrary>], iteration_bounds = array<i64: 25>, scalar_prefetch = 0 : i64, scratch_operands = 0 : i64, tpu.core_type = #tpu.core_type<tc>, window_params = [{transform_indices = @transform_0, window_bounds = array<i64: 400, 256>}, {transform_indices = @transform_1, window_bounds = array<i64: 1, 400, 128>}, {transform_indices = @transform_2, window_bounds = array<i64: 1, 400, 128>}, {transform_indices = @transform_3, window_bounds = array<i64: 400, 1>}, {pipeline_mode = #tpu.pipeline_mode<synchronous>, transform_indices = @transform_4, window_bounds = array<i64: 256, 256>}, {pipeline_mode = #tpu.pipeline_mode<synchronous>, transform_indices = @transform_5, window_bounds = array<i64: 1, 256>}, {pipeline_mode = #tpu.pipeline_mode<synchronous>, transform_indices = @transform_6, window_bounds = array<i64: 128, 256>}, {pipeline_mode = #tpu.pipeline_mode<synchronous>, transform_indices = @transform_7, window_bounds = array<i64: 128, 256>}, {transform_indices = @transform_8, window_bounds = array<i64: 400, 256>}, {transform_indices = @transform_9, window_bounds = array<i64: 2, 400, 128>}]} {
    %get3A = arith.constant 0 : index
    %get3A_0 = arith.constant 0 : index
    %get3A_1 = arith.constant 0 : index
    %get3A_2 = vector.load %arg2[%get3A, %get3A_0, %get3A_1] : memref<1x400x128xf32, #tpu.memory_space<vmem>>, vector<1x400x128xf32>
    %get3A_3 = vector.shape_cast %get3A_2 : vector<1x400x128xf32> to vector<400x128xf32>
    %get3A_4 = arith.constant 0 : index
    %get3A_5 = arith.constant 0 : index
    %get3A_6 = vector.load %arg7[%get3A_4, %get3A_5] : memref<128x256xf32, #tpu.memory_space<vmem>>, vector<128x256xf32>
    %dot_general3A = arith.constant dense<0.000000e+00> : vector<400x256xf32>
    %dot_general3A_7 = tpu.matmul %get3A_3, %get3A_6, %dot_general3A {dimension_numbers = #tpu.dot_dimension_numbers<[1], [0], [0], [1], [0, 0, 1, 1], [], []>, transpose_lhs_hint = false} : vector<400x128xf32>, vector<128x256xf32>, vector<400x256xf32> -> vector<400x256xf32>
    %get3A_8 = arith.constant 0 : index
    %get3A_9 = arith.constant 0 : index
    %get3A_10 = arith.constant 0 : index
    %get3A_11 = vector.load %arg3[%get3A_8, %get3A_9, %get3A_10] : memref<1x400x128xf32, #tpu.memory_space<vmem>>, vector<1x400x128xf32>
    %get3A_12 = vector.shape_cast %get3A_11 : vector<1x400x128xf32> to vector<400x128xf32>
    %get3A_13 = arith.constant 0 : index
    %get3A_14 = arith.constant 0 : index
    %get3A_15 = vector.load %arg8[%get3A_13, %get3A_14] : memref<128x256xf32, #tpu.memory_space<vmem>>, vector<128x256xf32>
    %dot_general3A_16 = arith.constant dense<0.000000e+00> : vector<400x256xf32>
    %dot_general3A_17 = tpu.matmul %get3A_12, %get3A_15, %dot_general3A_16 {dimension_numbers = #tpu.dot_dimension_numbers<[1], [0], [0], [1], [0, 0, 1, 1], [], []>, transpose_lhs_hint = false} : vector<400x128xf32>, vector<128x256xf32>, vector<400x256xf32> -> vector<400x256xf32>
    %add3A = arith.addf %dot_general3A_7, %dot_general3A_17 : vector<400x256xf32>
    %get3A_18 = arith.constant 0 : index
    %get3A_19 = arith.constant 0 : index
    %get3A_20 = vector.load %arg4[%get3A_18, %get3A_19] : memref<400x1xf32, #tpu.memory_space<vmem>>, vector<400x1xf32>
    %get3A_21 = arith.constant 0 : index
    %get3A_22 = arith.constant 0 : index
    %get3A_23 = vector.load %arg1[%get3A_21, %get3A_22] : memref<400x256xf32, #tpu.memory_space<vmem>>, vector<400x256xf32>
    %get3A_24 = arith.constant 0 : index
    %get3A_25 = arith.constant 0 : index
    %get3A_26 = vector.load %arg5[%get3A_24, %get3A_25] : memref<256x256xf32, #tpu.memory_space<vmem>>, vector<256x256xf32>
    %dot_general3A_27 = arith.constant dense<0.000000e+00> : vector<400x256xf32>
    %dot_general3A_28 = tpu.matmul %get3A_23, %get3A_26, %dot_general3A_27 {dimension_numbers = #tpu.dot_dimension_numbers<[1], [0], [0], [1], [0, 0, 1, 1], [], []>, transpose_lhs_hint = false} : vector<400x256xf32>, vector<256x256xf32>, vector<400x256xf32> -> vector<400x256xf32>
    %mul3A = vector.broadcast %get3A_20 : vector<400x1xf32> to vector<400x256xf32>
    %mul3A_29 = arith.mulf %mul3A, %add3A : vector<400x256xf32>
    %sub3A = arith.subf %dot_general3A_28, %mul3A_29 : vector<400x256xf32>
    %get3A_30 = arith.constant 0 : index
    %get3A_31 = arith.constant 0 : index
    %get3A_32 = vector.load %arg6[%get3A_30, %get3A_31] : memref<1x256xf32, #tpu.memory_space<vmem>>, vector<1x256xf32>
    %add3A_33 = vector.broadcast %get3A_32 : vector<1x256xf32> to vector<400x256xf32>
    %add3A_34 = arith.addf %sub3A, %add3A_33 : vector<400x256xf32>
    %max3A = arith.constant 0.000000e+00 : f32
    %max3A_35 = vector.broadcast %max3A : f32 to vector<400x256xf32>
    %max3A_36 = arith.maximumf %add3A_34, %max3A_35 : vector<400x256xf32>
    %swap3A = arith.constant 0 : index
    %swap3A_37 = arith.constant 0 : index
    %swap3A_38 = vector.load %arg9[%swap3A, %swap3A_37] : memref<400x256xf32, #tpu.memory_space<vmem>>, vector<400x256xf32>
    tpu.vector_store %arg9[%swap3A, %swap3A_37], %max3A_36 {strides = array<i32>} : memref<400x256xf32, #tpu.memory_space<vmem>>, vector<400x256xf32>,
    %mul3A_39 = vector.broadcast %get3A_20 : vector<400x1xf32> to vector<400x256xf32>
    %mul3A_40 = arith.mulf %max3A_36, %mul3A_39 : vector<400x256xf32>
    %slice3A = vector.extract_strided_slice %mul3A_40 {offsets = [0, 0], sizes = [400, 128], strides = [1, 1]} : vector<400x256xf32> to vector<400x128xf32>
    %swap3A_41 = arith.constant 0 : index
    %swap3A_42 = arith.constant 0 : index
    %swap3A_43 = arith.constant 0 : index
    %swap3A_44 = vector.load %arg10[%swap3A_41, %swap3A_42, %swap3A_43] : memref<2x400x128xf32, #tpu.memory_space<vmem>>, vector<1x400x128xf32>
    %swap3A_45 = vector.shape_cast %swap3A_44 : vector<1x400x128xf32> to vector<400x128xf32>
    %swap3A_46 = vector.shape_cast %slice3A : vector<400x128xf32> to vector<1x400x128xf32>
    tpu.vector_store %arg10[%swap3A_41, %swap3A_42, %swap3A_43], %swap3A_46 {strides = array<i32>} : memref<2x400x128xf32, #tpu.memory_space<vmem>>, vector<1x400x128xf32>,
    %slice3A_47 = vector.extract_strided_slice %mul3A_40 {offsets = [0, 128], sizes = [400, 128], strides = [1, 1]} : vector<400x256xf32> to vector<400x128xf32>
    %swap3A_48 = arith.constant 1 : index
    %swap3A_49 = arith.constant 0 : index
    %swap3A_50 = arith.constant 0 : index
    %swap3A_51 = vector.load %arg10[%swap3A_48, %swap3A_49, %swap3A_50] : memref<2x400x128xf32, #tpu.memory_space<vmem>>, vector<1x400x128xf32>
    %swap3A_52 = vector.shape_cast %swap3A_51 : vector<1x400x128xf32> to vector<400x128xf32>
    %swap3A_53 = vector.shape_cast %slice3A_47 : vector<400x128xf32> to vector<1x400x128xf32>
    tpu.vector_store %arg10[%swap3A_48, %swap3A_49, %swap3A_50], %swap3A_53 {strides = array<i32>} : memref<2x400x128xf32, #tpu.memory_space<vmem>>, vector<1x400x128xf32>,
    return
  }
  func.func @transform_0(%arg0: i32) -> (i32, i32) {
    %c0_i32 = arith.constant 0 : i32
    %c0_i32_0 = arith.constant 0 : i32
    return %arg0, %c0_i32 : i32, i32
  }
  func.func @transform_1(%arg0: i32) -> (i32, i32, i32) {
    %c0_i32 = arith.constant 0 : i32
    %c0_i32_0 = arith.constant 0 : i32
    %c0_i32_1 = arith.constant 0 : i32
    return %c0_i32, %arg0, %c0_i32_0 : i32, i32, i32
  }
  func.func @transform_2(%arg0: i32) -> (i32, i32, i32) {
    %c1_i32 = arith.constant 1 : i32
    %c0_i32 = arith.constant 0 : i32
    %c0_i32_0 = arith.constant 0 : i32
    return %c1_i32, %arg0, %c0_i32 : i32, i32, i32
  }
  func.func @transform_3(%arg0: i32) -> (i32, i32) {
    %c0_i32 = arith.constant 0 : i32
    %c0_i32_0 = arith.constant 0 : i32
    return %arg0, %c0_i32 : i32, i32
  }
  func.func @transform_4(%arg0: i32) -> (i32, i32) {
    %c0_i32 = arith.constant 0 : i32
    %c0_i32_0 = arith.constant 0 : i32
    %c0_i32_1 = arith.constant 0 : i32
    return %c0_i32, %c0_i32_0 : i32, i32
  }
  func.func @transform_5(%arg0: i32) -> (i32, i32) {
    %c0_i32 = arith.constant 0 : i32
    %c0_i32_0 = arith.constant 0 : i32
    %c0_i32_1 = arith.constant 0 : i32
    return %c0_i32, %c0_i32_0 : i32, i32
  }
  func.func @transform_6(%arg0: i32) -> (i32, i32) {
    %c0_i32 = arith.constant 0 : i32
    %c0_i32_0 = arith.constant 0 : i32
    %c0_i32_1 = arith.constant 0 : i32
    return %c0_i32, %c0_i32_0 : i32, i32
  }
  func.func @transform_7(%arg0: i32) -> (i32, i32) {
    %c0_i32 = arith.constant 0 : i32
    %c0_i32_0 = arith.constant 0 : i32
    %c0_i32_1 = arith.constant 0 : i32
    return %c0_i32, %c0_i32_0 : i32, i32
  }
  func.func @transform_8(%arg0: i32) -> (i32, i32) {
    %c0_i32 = arith.constant 0 : i32
    %c0_i32_0 = arith.constant 0 : i32
    return %arg0, %c0_i32 : i32, i32
  }
  func.func @transform_9(%arg0: i32) -> (i32, i32, i32) {
    %c0_i32 = arith.constant 0 : i32
    %c0_i32_0 = arith.constant 0 : i32
    %c0_i32_1 = arith.constant 0 : i32
    return %c0_i32, %arg0, %c0_i32_0 : i32, i32, i32
  }
}

module attributes {stable_mosaic.version = 14 : i64} {
  func.func @_lambda_(%arg0: i32, %arg1: memref<400x256xf32, #tpu.memory_space<vmem>>, %arg2: memref<1x400x128xf32, #tpu.memory_space<vmem>>, %arg3: memref<1x400x128xf32, #tpu.memory_space<vmem>>, %arg4: memref<400x1xf32, #tpu.memory_space<vmem>>, %arg5: memref<256x256xf32, #tpu.memory_space<vmem>>, %arg6: memref<1x256xf32, #tpu.memory_space<vmem>>, %arg7: memref<128x256xf32, #tpu.memory_space<vmem>>, %arg8: memref<128x256xf32, #tpu.memory_space<vmem>>, %arg9: memref<400x256xf32, #tpu.memory_space<vmem>>) attributes {dimension_semantics = [#tpu.dimension_semantics<arbitrary>], iteration_bounds = array<i64: 25>, scalar_prefetch = 0 : i64, scratch_operands = 0 : i64, tpu.core_type = #tpu.core_type<tc>, window_params = [{transform_indices = @transform_0, window_bounds = array<i64: 400, 256>}, {transform_indices = @transform_1, window_bounds = array<i64: 1, 400, 128>}, {transform_indices = @transform_2, window_bounds = array<i64: 1, 400, 128>}, {transform_indices = @transform_3, window_bounds = array<i64: 400, 1>}, {pipeline_mode = #tpu.pipeline_mode<synchronous>, transform_indices = @transform_4, window_bounds = array<i64: 256, 256>}, {pipeline_mode = #tpu.pipeline_mode<synchronous>, transform_indices = @transform_5, window_bounds = array<i64: 1, 256>}, {pipeline_mode = #tpu.pipeline_mode<synchronous>, transform_indices = @transform_6, window_bounds = array<i64: 128, 256>}, {pipeline_mode = #tpu.pipeline_mode<synchronous>, transform_indices = @transform_7, window_bounds = array<i64: 128, 256>}, {transform_indices = @transform_8, window_bounds = array<i64: 400, 256>}]} {
    %get3A = arith.constant 0 : index
    %get3A_0 = arith.constant 0 : index
    %get3A_1 = arith.constant 0 : index
    %get3A_2 = vector.load %arg2[%get3A, %get3A_0, %get3A_1] : memref<1x400x128xf32, #tpu.memory_space<vmem>>, vector<1x400x128xf32>
    %get3A_3 = vector.shape_cast %get3A_2 : vector<1x400x128xf32> to vector<400x128xf32>
    %get3A_4 = arith.constant 0 : index
    %get3A_5 = arith.constant 0 : index
    %get3A_6 = vector.load %arg7[%get3A_4, %get3A_5] : memref<128x256xf32, #tpu.memory_space<vmem>>, vector<128x256xf32>
    %dot_general3A = arith.constant dense<0.000000e+00> : vector<400x256xf32>
    %dot_general3A_7 = tpu.matmul %get3A_3, %get3A_6, %dot_general3A {dimension_numbers = #tpu.dot_dimension_numbers<[1], [0], [0], [1], [0, 0, 1, 1], [], []>, transpose_lhs_hint = false} : vector<400x128xf32>, vector<128x256xf32>, vector<400x256xf32> -> vector<400x256xf32>
    %get3A_8 = arith.constant 0 : index
    %get3A_9 = arith.constant 0 : index
    %get3A_10 = arith.constant 0 : index
    %get3A_11 = vector.load %arg3[%get3A_8, %get3A_9, %get3A_10] : memref<1x400x128xf32, #tpu.memory_space<vmem>>, vector<1x400x128xf32>
    %get3A_12 = vector.shape_cast %get3A_11 : vector<1x400x128xf32> to vector<400x128xf32>
    %get3A_13 = arith.constant 0 : index
    %get3A_14 = arith.constant 0 : index
    %get3A_15 = vector.load %arg8[%get3A_13, %get3A_14] : memref<128x256xf32, #tpu.memory_space<vmem>>, vector<128x256xf32>
    %dot_general3A_16 = arith.constant dense<0.000000e+00> : vector<400x256xf32>
    %dot_general3A_17 = tpu.matmul %get3A_12, %get3A_15, %dot_general3A_16 {dimension_numbers = #tpu.dot_dimension_numbers<[1], [0], [0], [1], [0, 0, 1, 1], [], []>, transpose_lhs_hint = false} : vector<400x128xf32>, vector<128x256xf32>, vector<400x256xf32> -> vector<400x256xf32>
    %add3A = arith.addf %dot_general3A_7, %dot_general3A_17 : vector<400x256xf32>
    %get3A_18 = arith.constant 0 : index
    %get3A_19 = arith.constant 0 : index
    %get3A_20 = vector.load %arg4[%get3A_18, %get3A_19] : memref<400x1xf32, #tpu.memory_space<vmem>>, vector<400x1xf32>
    %get3A_21 = arith.constant 0 : index
    %get3A_22 = arith.constant 0 : index
    %get3A_23 = vector.load %arg1[%get3A_21, %get3A_22] : memref<400x256xf32, #tpu.memory_space<vmem>>, vector<400x256xf32>
    %get3A_24 = arith.constant 0 : index
    %get3A_25 = arith.constant 0 : index
    %get3A_26 = vector.load %arg5[%get3A_24, %get3A_25] : memref<256x256xf32, #tpu.memory_space<vmem>>, vector<256x256xf32>
    %dot_general3A_27 = arith.constant dense<0.000000e+00> : vector<400x256xf32>
    %dot_general3A_28 = tpu.matmul %get3A_23, %get3A_26, %dot_general3A_27 {dimension_numbers = #tpu.dot_dimension_numbers<[1], [0], [0], [1], [0, 0, 1, 1], [], []>, transpose_lhs_hint = false} : vector<400x256xf32>, vector<256x256xf32>, vector<400x256xf32> -> vector<400x256xf32>
    %mul3A = vector.broadcast %get3A_20 : vector<400x1xf32> to vector<400x256xf32>
    %mul3A_29 = arith.mulf %mul3A, %add3A : vector<400x256xf32>
    %sub3A = arith.subf %dot_general3A_28, %mul3A_29 : vector<400x256xf32>
    %get3A_30 = arith.constant 0 : index
    %get3A_31 = arith.constant 0 : index
    %get3A_32 = vector.load %arg6[%get3A_30, %get3A_31] : memref<1x256xf32, #tpu.memory_space<vmem>>, vector<1x256xf32>
    %add3A_33 = vector.broadcast %get3A_32 : vector<1x256xf32> to vector<400x256xf32>
    %add3A_34 = arith.addf %sub3A, %add3A_33 : vector<400x256xf32>
    %swap3A = arith.constant 0 : index
    %swap3A_35 = arith.constant 0 : index
    %swap3A_36 = vector.load %arg9[%swap3A, %swap3A_35] : memref<400x256xf32, #tpu.memory_space<vmem>>, vector<400x256xf32>
    tpu.vector_store %arg9[%swap3A, %swap3A_35], %add3A_34 {strides = array<i32>} : memref<400x256xf32, #tpu.memory_space<vmem>>, vector<400x256xf32>,
    return
  }
  func.func @transform_0(%arg0: i32) -> (i32, i32) {
    %c0_i32 = arith.constant 0 : i32
    %c0_i32_0 = arith.constant 0 : i32
    return %arg0, %c0_i32 : i32, i32
  }
  func.func @transform_1(%arg0: i32) -> (i32, i32, i32) {
    %c0_i32 = arith.constant 0 : i32
    %c0_i32_0 = arith.constant 0 : i32
    %c0_i32_1 = arith.constant 0 : i32
    return %c0_i32, %arg0, %c0_i32_0 : i32, i32, i32
  }
  func.func @transform_2(%arg0: i32) -> (i32, i32, i32) {
    %c1_i32 = arith.constant 1 : i32
    %c0_i32 = arith.constant 0 : i32
    %c0_i32_0 = arith.constant 0 : i32
    return %c1_i32, %arg0, %c0_i32 : i32, i32, i32
  }
  func.func @transform_3(%arg0: i32) -> (i32, i32) {
    %c0_i32 = arith.constant 0 : i32
    %c0_i32_0 = arith.constant 0 : i32
    return %arg0, %c0_i32 : i32, i32
  }
  func.func @transform_4(%arg0: i32) -> (i32, i32) {
    %c0_i32 = arith.constant 0 : i32
    %c0_i32_0 = arith.constant 0 : i32
    %c0_i32_1 = arith.constant 0 : i32
    return %c0_i32, %c0_i32_0 : i32, i32
  }
  func.func @transform_5(%arg0: i32) -> (i32, i32) {
    %c0_i32 = arith.constant 0 : i32
    %c0_i32_0 = arith.constant 0 : i32
    %c0_i32_1 = arith.constant 0 : i32
    return %c0_i32, %c0_i32_0 : i32, i32
  }
  func.func @transform_6(%arg0: i32) -> (i32, i32) {
    %c0_i32 = arith.constant 0 : i32
    %c0_i32_0 = arith.constant 0 : i32
    %c0_i32_1 = arith.constant 0 : i32
    return %c0_i32, %c0_i32_0 : i32, i32
  }
  func.func @transform_7(%arg0: i32) -> (i32, i32) {
    %c0_i32 = arith.constant 0 : i32
    %c0_i32_0 = arith.constant 0 : i32
    %c0_i32_1 = arith.constant 0 : i32
    return %c0_i32, %c0_i32_0 : i32, i32
  }
  func.func @transform_8(%arg0: i32) -> (i32, i32) {
    %c0_i32 = arith.constant 0 : i32
    %c0_i32_0 = arith.constant 0 : i32
    return %arg0, %c0_i32 : i32, i32
  }
}

</mosaic_0001>

<sc_bundles>
// kernel: kernel.10.cloned.1.call-start
scs
__scs_entry_jumppad:
0x0: {  	(pc) =	sbr.rel $0x88, $3  }
0x1: {  	(tag) =	ssettag $0x0;
	lr =	simm.s32 $0x1  }
0x2: {  	[smem:$0x3F96] =	sst lr;
	_ =	strace $0xD0000000  }
0x3: {  	_ = 	snop  }
0x4: {  	_ = 	snop  }
0x5: {  	_ = 	snop  }
0x6: {  	_ = 	snop  }
0x7: {  	_ = 	snop  }
__scs_overlays_trampoline_lowered:
0x8: {  	[smem:$0x3FA5] =	sst s0  }
0x9: {  	[smem:$0x3FA6] =	sst s1  }
0xa: {  	[smem:$0x3FA7] =	sst s2  }
0xb: {  	[smem:$0x3FA8] =	sst s3  }
0xc: {  	[smem:$0x3FA9] =	sst s4  }
0xd: {  	[smem:$0x3FAA] =	sst s5  }
0xe: {  	[smem:$0x3FAB] =	sst s6  }
0xf: {  	[smem:$0x3FAC] =	sst s7  }
0x10: {  	[smem:$0x3FAD] =	sst s8  }
0x11: {  	[smem:$0x3FAE] =	sst s9;
	s0 =	simm.s32 @!p0 $0x0  }
0x12: {  	s1 =	sld [smem:$0x3F94];
	s0 =	simm.s32 @p0 $0x1  }
0x13: {  	[smem:$0x3FAF] =	sst s0;
	s0 =	simm.s32 @!p1 $0x0  }
0x14: {  	s2 =	sld [smem:$0x3F93];
	s0 =	simm.s32 @p1 $0x1  }
0x15: {  	[smem:$0x3FB0] =	sst s0;
	s0 =	simm.s32 @!p2 $0x0  }
0x16: {  	s3 =	sld [smem:$0x3FDB];
	s0 =	simm.s32 @p2 $0x1  }
0x17: {  	s4 =	simm.s32 $0x1BF5;
	[smem:$0x3FB2] =	sst s0  }
0x18: {  	s0 =	sld [smem:$0x3F95];
	_ =	swait.ge [sflag:s4], $0x0  }
0x19: {  	s7 =	sld [smem:$0x3F96]  }
0x1a: {  	s8 =	sadd.s32 $0xFFFFE003, lr  }
0x1b: {  	s9 =	sadd.s32 $0xFFFFFEF7, lr;
	s5 =	simm.s32 $0xFFFFFFFF;
	p2 =	slt.u32 s8, $0xFFFFF086  }
0x1c: {  	p1 =	slt.u32 s9, $0xF7A;
	s5 =	simm.s32 @!p2 $0x0  }
0x1d: {  	s5 =	simm.s32 @p1 $0x1;
	p0 =	seq.s32 s7, s2  }
0x1e: {  	s7 =	smul.u32 @!p0 $0xF7A, s2;
	p2 =	seq.s32 @!p0 s5, $0x0  }
0x1f: {  	s9 =	smul.u32 $0xF7A, s1;
	s8 =	simm.s32 @!p0 $0x1BF5;
	p2 =	por !p2, p0  }
0x20: {  	[sflag:s8] =	ssyncset.s32 @!p0 $0xFFFFF086;
	s6 =	sadd.s32 @!p0 s3, s7;
	s7 =	simm.s32 @!p0 $0x108  }
0x21: {  	s3 =	sadd.s32 s3, s9;
	s6 =	sadd.s32 @!p0 $0x88, s6;
	s7 =	simm.s32 @p2 $0x1082  }
0x22: {  	[simem:s7], [sflag:s8] =	dma.local @!p0 [hbm:s6], $0xF7A  }
0x23: {  	s9 =	sor.u32 $0xD0000000, s2;
	s6 =	simm.s32 $0x108;
	_ =	swait.ge @!p0 [sflag:s8], $0x0  }
0x24: {  	s3 =	sadd.s32 $0x88, s3;
	s6 =	simm.s32 @!p1 $0x1082;
	[sflag:s4] =	ssyncset.s32 $0xFFFFF086  }
0x25: {  	[simem:s6], [sflag:s4] =	dma.local [hbm:s3], $0xF7A  }
0x26: {  	[smem:$0x3F96] =	sst s1;
	(tag) =	ssettag s2;
	_ =	strace s9  }
0x27: {  	s1 =	sld [smem:$0x3FA6]  }
0x28: {  	s2 =	sld [smem:$0x3FA7]  }
0x29: {  	s4 =	sld [smem:$0x3FA9]  }
0x2a: {  	p0 =	seq.s32 s5, $0x0;
	s5 =	sld [smem:$0x3FAA]  }
0x2b: {  	s6 =	sld [smem:$0x3FAB]  }
0x2c: {  	s7 =	sld [smem:$0x3FAC]  }
0x2d: {  	s3 =	simm.s32 $0x108;
	s8 =	sld [smem:$0x3FAD]  }
0x2e: {  	s3 =	simm.s32 @!p0 $0x1082;
	s9 =	sld [smem:$0x3FAE]  }
0x2f: {  	lr =	sadd.s32 s0, s3;
	s0 =	sld [smem:$0x3FA5]  }
0x30: {  	s3 =	sld [smem:$0x3FA8]  }
0x31: {  	[smem:$0x3FB1] =	sst s10  }
0x32: {  	s10 =	sld [smem:$0x3FAF];
	_ =	sdelay $0x3  }
0x33: {  	p0 =	seq.s32 s10, $0x1;
	s10 =	sld [smem:$0x3FB1];
	_ =	sdelay $0x3  }
0x34: {  	[smem:$0x3FB1] =	sst s10  }
0x35: {  	s10 =	sld [smem:$0x3FB0];
	_ =	sdelay $0x3  }
0x36: {  	p1 =	seq.s32 s10, $0x1;
	s10 =	sld [smem:$0x3FB1];
	_ =	sdelay $0x3  }
0x37: {  	[smem:$0x3FB1] =	sst s10  }
0x38: {  	s10 =	sld [smem:$0x3FB2]  }
0x39: {  	_ = 	snop;
	(pc) =	sbr.ind lr, $3  }
0x3a: {  	_ = 	snop  }
0x3b: {  	_ = 	snop  }
0x3c: {  	p2 =	seq.s32 s10, $0x1;
	s10 =	sld [smem:$0x3FB1]  }
0x3d: {  	_ =	shalt  }
0x3e: {  	_ =	shalt  }
0x3f: {  	_ =	shalt  }
0x40: {  	_ =	shalt  }
0x41: {  	_ =	shalt  }
0x42: {  	_ =	shalt  }
0x43: {  	_ =	shalt  }
0x44: {  	_ =	shalt  }
0x45: {  	_ =	shalt  }
0x46: {  	_ =	shalt  }
0x47: {  	_ =	shalt  }
0x48: {  	_ =	shalt  }
0x49: {  	_ =	shalt  }
0x4a: {  	_ =	shalt  }
0x4b: {  	_ =	shalt  }
0x4c: {  	_ =	shalt  }
0x4d: {  	_ =	shalt  }
0x4e: {  	_ =	shalt  }
0x4f: {  	_ =	shalt  }
0x50: {  	_ =	shalt  }
0x51: {  	_ =	shalt  }
0x52: {  	_ =	shalt  }
0x53: {  	_ =	shalt  }
0x54: {  	_ =	shalt  }
0x55: {  	_ =	shalt  }
0x56: {  	_ =	shalt  }
0x57: {  	_ =	shalt  }
0x58: {  	_ =	shalt  }
0x59: {  	_ =	shalt  }
0x5a: {  	_ =	shalt  }
0x5b: {  	_ =	shalt  }
0x5c: {  	_ =	shalt  }
0x5d: {  	_ =	shalt  }
0x5e: {  	_ =	shalt  }
0x5f: {  	_ =	shalt  }
0x60: {  	_ =	shalt  }
0x61: {  	_ =	shalt  }
0x62: {  	_ =	shalt  }
0x63: {  	_ =	shalt  }
0x64: {  	_ =	shalt  }
0x65: {  	_ =	shalt  }
0x66: {  	_ =	shalt  }
0x67: {  	_ =	shalt  }
0x68: {  	_ =	shalt  }
0x69: {  	_ =	shalt  }
0x6a: {  	_ =	shalt  }
0x6b: {  	_ =	shalt  }
0x6c: {  	_ =	shalt  }
0x6d: {  	_ =	shalt  }
0x6e: {  	_ =	shalt  }
0x6f: {  	_ =	shalt  }
0x70: {  	_ =	shalt  }
0x71: {  	_ =	shalt  }
0x72: {  	_ =	shalt  }
0x73: {  	_ =	shalt  }
0x74: {  	_ =	shalt  }
0x75: {  	_ =	shalt  }
0x76: {  	_ =	shalt  }
0x77: {  	_ =	shalt  }
0x78: {  	_ =	shalt  }
0x79: {  	_ =	shalt  }
0x7a: {  	_ =	shalt  }
0x7b: {  	_ =	shalt  }
0x7c: {  	_ =	shalt  }
0x7d: {  	_ =	shalt  }
0x7e: {  	_ =	shalt  }
0x7f: {  	_ =	shalt  }
0x80: {  	_ =	shalt  }
0x81: {  	_ =	shalt  }
0x82: {  	_ =	shalt  }
0x83: {  	_ =	shalt  }
0x84: {  	_ =	shalt  }
0x85: {  	_ =	shalt  }
0x86: {  	_ =	shalt  }
0x87: {  	_ =	shalt  }
.Lfunc_end0:
.L_simem_size_0:
called_computation_lowered:
.L_overlay_start_0:
0x88: {  	s2 =	sld [smem:$0x3FD9]  }
0x89: {  	s3 =	sld [smem:$0x3FFE];
	_ =	sdelay $0x1  }
0x8a: {  	s1 =	srdreg.scid  }
0x8b: {  	s0 =	sand.u32 $0x1, s1  }
0x8c: {  	s17 =	sshll.u32 s0, $0xA;
	s2 =	sadd.s32 s3, s2  }
0x8d: {  	s2 =	sadd.s32 s2, s17  }
0x8e: {  	[smem:$0x3FBD] =	sst s2  }
0x8f: {  	_ = 	snop  }
0x90: {  	s2 =	sld [smem:$0x3FD0];
	(tm) =	ssettm $0x1  }
0x91: {  	s18 =	sld [smem:$0x3FFB];
	_ =	sdelay $0x3  }
0x92: {  	_ =	strace s18  }
0x93: {  	s3 =	sld [smem:$0x3FFC];
	_ =	sdelay $0x3  }
0x94: {  	_ =	strace s3  }
0x95: {  	s3 =	sld [smem:$0x3FFD];
	_ =	sdelay $0x3  }
0x96: {  	_ =	strace s3  }
0x97: {  	_ =	strace $0x8FFFFFFF  }
0x98: {  	s19 =	sld [smem:$0x3FDB];
	_ =	sdelay $0x1  }
0x99: {  	s4 =	simm.s32 $_scs_section_size  }
0x9a: {  	s5 =	simm.s32 $_size__tile_overlayer_lowered;
	s6 =	simm.s32 $_tile_overlayer_lowered  }
0x9b: {  	s22 =	simm.s32 $0x1BFF;
	s21 =	sshll.u32 s6, $0x1;
	s3 =	sadd.s32 s4, s19  }
0x9c: {  	s7 =	simm.s32 $0x0;
	s20 =	sshll.u32 s5, $0x1;
	s5 =	sadd.s32 s21, s3  }
0x9d: {  	[timem:s7], [sflag:s22] =	dma.local [hbm:s5], s20  }
0x9e: {  	_ =	swait.ge [sflag:s22], s20  }
0x9f: {  	s4 =	ssub.s32 $0x0, s20;
	[sflag:s22] =	ssyncset.done $0x0  }
0xa0: {  	[sflag:s22] =	ssyncadd.s32 s4;
	_ =	sdelay $0x1  }
0xa1: {  	s23 =	simm.s32 $0x1B8B  }
0xa2: {  	_ =	swait.ge [sflag:s23], $0x1  }
0xa3: {  	[sflag:s23] =	ssyncset.done $0x0  }
0xa4: {  	s25 =	simm.s32 $0x1B8E;
	s24 =	sld [smem:$0x3FFE];
	[sflag:s23] =	ssyncadd.s32 $0xFFFFFFFF  }
0xa5: {  	s26 =	simm.s32 $execute0_lowered;
	[smem:$0x3FD2] =	sst s25  }
0xa6: {  	s5 =	sshll.u32 s26, $0x1;
	_ =	strace $0x80000046;
	[dreg:$0x1] =	wrdreg $0xFFFFFFFF  }
0xa7: {  	s28 =	simm.s32 $_size_execute0_lowered;
	s3 =	sadd.s32 s3, s5;
	[dreg:$0x0] =	wrdreg $0x0  }
0xa8: {  	s5 =	sshll.u32 s28, $0x1;
	[dreg:$0x2] =	wrdreg s3  }
0xa9: {  	[dreg:$0x3] =	wrdreg s5  }
0xaa: {  	[dreg:$0x4] =	wrdreg $0xC0  }
0xab: {  	_ =	task [dreg:s7], $0x5FFFF  }
0xac: {  	[dreg:$0x1] =	wrdreg $0xFFFFFFFF  }
0xad: {  	[dreg:$0x0] =	wrdreg $0x60  }
0xae: {  	[dreg:$0x2] =	wrdreg s2  }
0xaf: {  	[dreg:$0x3] =	wrdreg s24  }
0xb0: {  	[dreg:$0x4] =	wrdreg $0x53000  }
0xb1: {  	[dreg:$0x5] =	wrdreg $0x9  }
0xb2: {  	_ =	task.clear_ibuf [dreg:s7], $0x6FFFF;
	_ =	strace $0x90000046  }
0xb3: {  	s29 =	simm.s32 $0x9;
	_ =	strace $0x80000048  }
0xb4: {  	_ =	swait.ge [sflag:s29], $0x1  }
0xb5: {  	[sflag:s29] =	ssyncadd.s32 $0xFFFFFFFF  }
0xb6: {  	_ =	strace $0x90000048  }
0xb7: {  	_ =	sfence  }
0xb8: {  	s30 =	sld [smem:$0x0];
	_ =	sdelay $0x2  }
0xb9: {  	s31 =	sshll.u32 s1, $0xD;
	s1 =	sshrl.u32 s1, $0x2  }
0xba: {  	s3 =	sand.u32 $0x4000, s31;
	s1 =	sadd.s32 s1, s30  }
0xbb: {  	s0 =	sor.u32 s3, s0;
	s1 =	sshll.u32 s1, $0x11  }
0xbc: {  	s0 =	sor.u32 s1, s0  }
0xbd: {  	s0 =	sadd.s32 $0x8F2B, s0  }
0xbe: {  	[sflag:s0] =	ssyncadd.remote.s32 $0x1  }
0xbf: {  	_ =	sfence.sel $0xFFFF  }
0xc0: {  	[dreg:$0x0] =	wrdreg $0xFFFFFFFF;
	(pc) =	sbr.abs _section_cstart, $3  }
0xc1: {  	[dreg:$0x1] =	wrdreg $0xFFFFFFFF  }
0xc2: {  	_ =	task.clear_ibuf [dreg:s7], $0x2FFFF;
	_ =	strace $0x9FFFFFFF  }
0xc3: {  	(tm) =	ssettm $0x7FFFFFFF  }
tec
execute0_lowered:
.L_overlay_start_1:
0x0: {  	(tag) =	ssettag $0x1  }
0x1: {  	s5 =	rddreg [dreg:$0x0]  }
0x2: {  	s4 =	rddreg [dreg:$0x1]  }
0x3: {  	s2 =	rddreg [dreg:$0x2]  }
0x4: {  	s0 =	rddreg [dreg:$0x3];
	s3 =	simm.s32 $0x0;
	s1 =	stileid.u32  }
0x5: {  	s6 =	srdreg.scid;
	s14 =	simm.s32 $0x0;
	s7 =	smul.u32 $0x280, s1  }
0x6: {  	[smem:$0x7FF] =	sst s3;
	s10 =	sand.u32 $0x1, s6;
	s11 =	smul.u32 $0xA00, s1  }
0x7: {  	_ =	strace $0x80000047;
	s6 =	ssub.s32 $0x2, s10;
	p0 =	sne.s32 s10, $0x0  }
0x8: {  	s10 =	simm.s32 $0x80;
	s8 =	sshrl.u32 s7, $0x3;
	s9 =	sshrl.u32 s6, $0x1  }
0x9: {  	s5 =	sadd.s32 s5, s11;
	s11 =	simm.s32 $0x5000;
	s12 =	sshll.u32 @!p0 s1, $0x6  }
0xa: {  	s8 =	sadd.s32 s8, s4;
	s9 =	ssub.s32 s6, s9;
	s4 =	sadd.s32 s7, s2  }
0xb: {  	s12 =	sor.u32 @!p0 $0x1C01, s12;
	s6 =	sadd.s32 $0xD400, s8;
	s7 =	smax.u32 s9, $0x1  }
0xc: {  	v0 =	vimm.f32 $0.0e+00;
	v1 =	vimm.f32 $1.000000000e+00;
	s8 =	simm.s32 $0x5080;
	s9 =	simm.s32 $0x1;
	s13 =	sshrl.u32 @!p0 s4, $0x3  }
.LBB2_1:
0xd: {  	[tilespmem:$0x5080] =	vst v0  }
0xe: {  	[tilespmem:$0x5090] =	vst v0  }
0xf: {  	[tilespmem:$0x50A0] =	vst v0  }
0x10: {  	[tilespmem:$0x50B0] =	vst v0  }
0x11: {  	[tilespmem:$0x50C0] =	vst v0  }
0x12: {  	[tilespmem:$0x50D0] =	vst v0  }
0x13: {  	[tilespmem:$0x50E0] =	vst v0  }
0x14: {  	[tilespmem:$0x50F0] =	vst v0  }
0x15: {  	[tilespmem:$0x5100] =	vst v0  }
0x16: {  	[tilespmem:$0x5110] =	vst v0  }
0x17: {  	[tilespmem:$0x5120] =	vst v0  }
0x18: {  	[tilespmem:$0x5130] =	vst v0  }
0x19: {  	[tilespmem:$0x5140] =	vst v0  }
0x1a: {  	[tilespmem:$0x5150] =	vst v0  }
0x1b: {  	[tilespmem:$0x5160] =	vst v0  }
0x1c: {  	[tilespmem:$0x5170] =	vst v0  }
0x1d: {  	[tilespmem:$0x5180] =	vst v0  }
0x1e: {  	[tilespmem:$0x5190] =	vst v0  }
0x1f: {  	[tilespmem:$0x51A0] =	vst v0  }
0x20: {  	[tilespmem:$0x51B0] =	vst v0  }
0x21: {  	[tilespmem:$0x51C0] =	vst v0  }
0x22: {  	[tilespmem:$0x51D0] =	vst v0  }
0x23: {  	[tilespmem:$0x51E0] =	vst v0  }
0x24: {  	[tilespmem:$0x51F0] =	vst v0  }
0x25: {  	[tilespmem:$0x5200] =	vst v0  }
0x26: {  	[tilespmem:$0x5210] =	vst v0  }
0x27: {  	[tilespmem:$0x5220] =	vst v0  }
0x28: {  	[tilespmem:$0x5230] =	vst v0  }
0x29: {  	[tilespmem:$0x5240] =	vst v0  }
0x2a: {  	[tilespmem:$0x5250] =	vst v0  }
0x2b: {  	[tilespmem:$0x5260] =	vst v0  }
0x2c: {  	[tilespmem:$0x5270] =	vst v0  }
0x2d: {  	[tilespmem:$0x5280] =	vst v0  }
0x2e: {  	[tilespmem:$0x5290] =	vst v0  }
0x2f: {  	[tilespmem:$0x52A0] =	vst v0  }
0x30: {  	[tilespmem:$0x52B0] =	vst v0  }
0x31: {  	[tilespmem:$0x52C0] =	vst v0  }
0x32: {  	[tilespmem:$0x52D0] =	vst v0  }
0x33: {  	[tilespmem:$0x52E0] =	vst v0  }
0x34: {  	[tilespmem:$0x52F0] =	vst v0  }
0x35: {  	[spmem:s4] =	stream.linear.scatter [tilespmem:s8], [sflag:$0x1], $0x280, $0x38;
	[tilespmem:$0x5580] =	vst v63  }
0x36: {  	_ =	swait.ge [sflag:s9], $0x280  }
0x37: {  	[sflag:s9] =	ssyncset.done $0x0  }
0x38: {  	[sflag:s9] =	ssyncadd.s32 $0xFFFFFD80  }
0x39: {  	[tilespmem:$0x5000] =	vst v1  }
0x3a: {  	[tilespmem:$0x5010] =	vst v1  }
0x3b: {  	[tilespmem:$0x5020] =	vst v1  }
0x3c: {  	[tilespmem:$0x5030] =	vst v1  }
0x3d: {  	[tilespmem:$0x5040] =	vst v1  }
0x3e: {  	[tilespmem:$0x5050] =	vst v1  }
0x3f: {  	[tilespmem:$0x5060] =	vst v1  }
0x40: {  	[tilespmem:$0x5070] =	vst v1  }
0x41: {  	[tilespmem:s3], [sflag:$0x1] =	stream.linear.gather [hbm4b:s5+s3], $0x5000, $0x38;
	[tilespmem:$0x5580] =	vst v63  }
0x42: {  	_ =	swait.ge [sflag:s9], $0x5000  }
0x43: {  	[sflag:s9] =	ssyncset.done $0x0  }
0x44: {  	[sflag:s9] =	ssyncadd.s32 $0xFFFFB000  }
0x45: {  	s15 =	simm.s32 $0x0;
	[bflag:$0x0] =	sbarrier.arrive $0xFFFF  }
0x46: {  	[spmem:s2] =	stream.indirect.scatter.add.f32 [tilespmem:s11], [sflag:$0x1], $0x1, s15, s10, $0xb8;
	[tilespmem:$0x5580] =	vst v63  }
0x47: {  	_ =	swait.ge [sflag:s9], $0x80  }
0x48: {  	s15 =	simm.s32 $0x200;
	[sflag:s9] =	ssyncset.done $0x0  }
.LBB2_2:
0x49: {  	s16 =	sshra.s32 s15, $0x2;
	[sflag:s9] =	ssyncadd.s32 $0xFFFFFF80;
	p1 =	sne.s32 s15, $0x13E00  }
0x4a: {  	[spmem:s2] =	stream.indirect.scatter.add.f32 [tilespmem:s11], [sflag:$0x1], $0x1, s16, s10, $0xb8;
	[tilespmem:$0x5580] =	vst v63  }
.Ltmp0:
0x4b: {  	_ = 	snop;
	(pc) =	sbr.rel @p1 .LBB2_2-.Ltmp0, $4  }
0x4c: {  	_ = 	snop  }
0x4d: {  	s15 =	sadd.s32 $0x200, s15  }
0x4e: {  	_ =	swait.ge [sflag:s9], $0x80  }
0x4f: {  	[sflag:s9] =	ssyncset.done $0x0  }
0x50: {  	s14 =	sadd.s32 $0x1, s14  }
0x51: {  	[sflag:s9] =	ssyncadd.s32 $0xFFFFFF80;
	p1 =	sne.s32 s14, s7  }
.Ltmp1:
0x52: {  	s15 =	simm.s32 @!p0 $0x1;
	[bflag:$0x0] =	sbarrier.arrive $0xFFFF;
	(pc) =	sbr.rel @p1 .LBB2_1-.Ltmp1, $4  }
0x53: {  	[hbm:s6], [sflag:s12] =	dma.local @!p0 [spmem:s13], $0x50  }
0x54: {  	_ =	swait.ge @!p0 [sflag:s15], $0x50  }
0x55: {  	[sflag:s15] =	ssyncset.done @!p0 $0x0  }
0x56: {  	[sflag:s15] =	ssyncadd.s32 @!p0 $0xFFFFFFB0  }
0x57: {  	_ =	sfence.sel $0x180000  }
0x58: {  	[bflag:$0x0] =	sbarrier.arrive $0xFFFF  }
0x59: {  	p0 =	sne.s32 s1, $0x0;
	_ =	strace $0x90000047  }
0x5a: {  	s0 =	sadd.s32 @!p0 $0x100000, s0;
	[bflag:$0x2] =	sbarrier.arrive $0xFFFF  }
0x5b: {  	[sflag:s0] =	ssyncadd.tile.s32 @!p0 $0x1;
	_ =	shalt  }
.Lfunc_end2:
_tile_overlayer_lowered:
.L_overlay_start_2:
0x5c: {  	(tag) =	ssettag $0x2  }
0x5d: {  	s0 =	rddreg [dreg:$0x0];
	s2 =	stileid.u32  }
0x5e: {  	s1 =	rddreg [dreg:$0x1];
	p0 =	sne.s32 s2, $0x0  }
0x5f: {  	s3 =	rddreg [dreg:$0x2];
	[bflag:$0x3] =	sbarrier.arrive $0xFFFF;
	s2 =	simm.s32 @!p0 $0x1C01  }
0x60: {  	[timem:s3], [sflag:s2] =	dma.local @!p0 [hbm:s0], s1  }
0x61: {  	s0 =	simm.s32 @!p0 $0x1  }
0x62: {  	_ =	swait.ge @!p0 [sflag:s0], s1  }
0x63: {  	s1 =	ssub.s32 @!p0 $0x0, s1;
	[sflag:s0] =	ssyncset.done @!p0 $0x0  }
0x64: {  	[sflag:s0] =	ssyncadd.s32 @!p0 s1  }
0x65: {  	[bflag:$0x3] =	sbarrier.arrive $0xFFFF  }
0x66: {  	_ =	shalt  }

// kernel: kernel.13.cloned.1.call-start
scs
__scs_entry_jumppad:
0x0: {  	(pc) =	sbr.rel $0x88, $3  }
0x1: {  	(tag) =	ssettag $0x0;
	lr =	simm.s32 $0x1  }
0x2: {  	[smem:$0x3F96] =	sst lr;
	_ =	strace $0xD0000000  }
0x3: {  	_ = 	snop  }
0x4: {  	_ = 	snop  }
0x5: {  	_ = 	snop  }
0x6: {  	_ = 	snop  }
0x7: {  	_ = 	snop  }
__scs_overlays_trampoline_lowered:
0x8: {  	[smem:$0x3FA5] =	sst s0  }
0x9: {  	[smem:$0x3FA6] =	sst s1  }
0xa: {  	[smem:$0x3FA7] =	sst s2  }
0xb: {  	[smem:$0x3FA8] =	sst s3  }
0xc: {  	[smem:$0x3FA9] =	sst s4  }
0xd: {  	[smem:$0x3FAA] =	sst s5  }
0xe: {  	[smem:$0x3FAB] =	sst s6  }
0xf: {  	[smem:$0x3FAC] =	sst s7  }
0x10: {  	[smem:$0x3FAD] =	sst s8  }
0x11: {  	[smem:$0x3FAE] =	sst s9;
	s0 =	simm.s32 @!p0 $0x0  }
0x12: {  	s1 =	sld [smem:$0x3F94];
	s0 =	simm.s32 @p0 $0x1  }
0x13: {  	[smem:$0x3FAF] =	sst s0;
	s0 =	simm.s32 @!p1 $0x0  }
0x14: {  	s2 =	sld [smem:$0x3F93];
	s0 =	simm.s32 @p1 $0x1  }
0x15: {  	[smem:$0x3FB0] =	sst s0;
	s0 =	simm.s32 @!p2 $0x0  }
0x16: {  	s3 =	sld [smem:$0x3FDB];
	s0 =	simm.s32 @p2 $0x1  }
0x17: {  	s4 =	simm.s32 $0x1BF5;
	[smem:$0x3FB2] =	sst s0  }
0x18: {  	s0 =	sld [smem:$0x3F95];
	_ =	swait.ge [sflag:s4], $0x0  }
0x19: {  	s7 =	sld [smem:$0x3F96]  }
0x1a: {  	s8 =	sadd.s32 $0xFFFFE003, lr  }
0x1b: {  	s9 =	sadd.s32 $0xFFFFFEF7, lr;
	s5 =	simm.s32 $0xFFFFFFFF;
	p2 =	slt.u32 s8, $0xFFFFF086  }
0x1c: {  	p1 =	slt.u32 s9, $0xF7A;
	s5 =	simm.s32 @!p2 $0x0  }
0x1d: {  	s5 =	simm.s32 @p1 $0x1;
	p0 =	seq.s32 s7, s2  }
0x1e: {  	s7 =	smul.u32 @!p0 $0xF7A, s2;
	p2 =	seq.s32 @!p0 s5, $0x0  }
0x1f: {  	s9 =	smul.u32 $0xF7A, s1;
	s8 =	simm.s32 @!p0 $0x1BF5;
	p2 =	por !p2, p0  }
0x20: {  	[sflag:s8] =	ssyncset.s32 @!p0 $0xFFFFF086;
	s6 =	sadd.s32 @!p0 s3, s7;
	s7 =	simm.s32 @!p0 $0x108  }
0x21: {  	s3 =	sadd.s32 s3, s9;
	s6 =	sadd.s32 @!p0 $0x88, s6;
	s7 =	simm.s32 @p2 $0x1082  }
0x22: {  	[simem:s7], [sflag:s8] =	dma.local @!p0 [hbm:s6], $0xF7A  }
0x23: {  	s9 =	sor.u32 $0xD0000000, s2;
	s6 =	simm.s32 $0x108;
	_ =	swait.ge @!p0 [sflag:s8], $0x0  }
0x24: {  	s3 =	sadd.s32 $0x88, s3;
	s6 =	simm.s32 @!p1 $0x1082;
	[sflag:s4] =	ssyncset.s32 $0xFFFFF086  }
0x25: {  	[simem:s6], [sflag:s4] =	dma.local [hbm:s3], $0xF7A  }
0x26: {  	[smem:$0x3F96] =	sst s1;
	(tag) =	ssettag s2;
	_ =	strace s9  }
0x27: {  	s1 =	sld [smem:$0x3FA6]  }
0x28: {  	s2 =	sld [smem:$0x3FA7]  }
0x29: {  	s4 =	sld [smem:$0x3FA9]  }
0x2a: {  	p0 =	seq.s32 s5, $0x0;
	s5 =	sld [smem:$0x3FAA]  }
0x2b: {  	s6 =	sld [smem:$0x3FAB]  }
0x2c: {  	s7 =	sld [smem:$0x3FAC]  }
0x2d: {  	s3 =	simm.s32 $0x108;
	s8 =	sld [smem:$0x3FAD]  }
0x2e: {  	s3 =	simm.s32 @!p0 $0x1082;
	s9 =	sld [smem:$0x3FAE]  }
0x2f: {  	lr =	sadd.s32 s0, s3;
	s0 =	sld [smem:$0x3FA5]  }
0x30: {  	s3 =	sld [smem:$0x3FA8]  }
0x31: {  	[smem:$0x3FB1] =	sst s10  }
0x32: {  	s10 =	sld [smem:$0x3FAF];
	_ =	sdelay $0x3  }
0x33: {  	p0 =	seq.s32 s10, $0x1;
	s10 =	sld [smem:$0x3FB1];
	_ =	sdelay $0x3  }
0x34: {  	[smem:$0x3FB1] =	sst s10  }
0x35: {  	s10 =	sld [smem:$0x3FB0];
	_ =	sdelay $0x3  }
0x36: {  	p1 =	seq.s32 s10, $0x1;
	s10 =	sld [smem:$0x3FB1];
	_ =	sdelay $0x3  }
0x37: {  	[smem:$0x3FB1] =	sst s10  }
0x38: {  	s10 =	sld [smem:$0x3FB2]  }
0x39: {  	_ = 	snop;
	(pc) =	sbr.ind lr, $3  }
0x3a: {  	_ = 	snop  }
0x3b: {  	_ = 	snop  }
0x3c: {  	p2 =	seq.s32 s10, $0x1;
	s10 =	sld [smem:$0x3FB1]  }
0x3d: {  	_ =	shalt  }
0x3e: {  	_ =	shalt  }
0x3f: {  	_ =	shalt  }
0x40: {  	_ =	shalt  }
0x41: {  	_ =	shalt  }
0x42: {  	_ =	shalt  }
0x43: {  	_ =	shalt  }
0x44: {  	_ =	shalt  }
0x45: {  	_ =	shalt  }
0x46: {  	_ =	shalt  }
0x47: {  	_ =	shalt  }
0x48: {  	_ =	shalt  }
0x49: {  	_ =	shalt  }
0x4a: {  	_ =	shalt  }
0x4b: {  	_ =	shalt  }
0x4c: {  	_ =	shalt  }
0x4d: {  	_ =	shalt  }
0x4e: {  	_ =	shalt  }
0x4f: {  	_ =	shalt  }
0x50: {  	_ =	shalt  }
0x51: {  	_ =	shalt  }
0x52: {  	_ =	shalt  }
0x53: {  	_ =	shalt  }
0x54: {  	_ =	shalt  }
0x55: {  	_ =	shalt  }
0x56: {  	_ =	shalt  }
0x57: {  	_ =	shalt  }
0x58: {  	_ =	shalt  }
0x59: {  	_ =	shalt  }
0x5a: {  	_ =	shalt  }
0x5b: {  	_ =	shalt  }
0x5c: {  	_ =	shalt  }
0x5d: {  	_ =	shalt  }
0x5e: {  	_ =	shalt  }
0x5f: {  	_ =	shalt  }
0x60: {  	_ =	shalt  }
0x61: {  	_ =	shalt  }
0x62: {  	_ =	shalt  }
0x63: {  	_ =	shalt  }
0x64: {  	_ =	shalt  }
0x65: {  	_ =	shalt  }
0x66: {  	_ =	shalt  }
0x67: {  	_ =	shalt  }
0x68: {  	_ =	shalt  }
0x69: {  	_ =	shalt  }
0x6a: {  	_ =	shalt  }
0x6b: {  	_ =	shalt  }
0x6c: {  	_ =	shalt  }
0x6d: {  	_ =	shalt  }
0x6e: {  	_ =	shalt  }
0x6f: {  	_ =	shalt  }
0x70: {  	_ =	shalt  }
0x71: {  	_ =	shalt  }
0x72: {  	_ =	shalt  }
0x73: {  	_ =	shalt  }
0x74: {  	_ =	shalt  }
0x75: {  	_ =	shalt  }
0x76: {  	_ =	shalt  }
0x77: {  	_ =	shalt  }
0x78: {  	_ =	shalt  }
0x79: {  	_ =	shalt  }
0x7a: {  	_ =	shalt  }
0x7b: {  	_ =	shalt  }
0x7c: {  	_ =	shalt  }
0x7d: {  	_ =	shalt  }
0x7e: {  	_ =	shalt  }
0x7f: {  	_ =	shalt  }
0x80: {  	_ =	shalt  }
0x81: {  	_ =	shalt  }
0x82: {  	_ =	shalt  }
0x83: {  	_ =	shalt  }
0x84: {  	_ =	shalt  }
0x85: {  	_ =	shalt  }
0x86: {  	_ =	shalt  }
0x87: {  	_ =	shalt  }
.Lfunc_end0:
.L_simem_size_0:
called_computation.1_lowered:
.L_overlay_start_0:
0x88: {  	s2 =	sld [smem:$0x3FD9]  }
0x89: {  	s3 =	sld [smem:$0x3FFE];
	_ =	sdelay $0x1  }
0x8a: {  	s1 =	srdreg.scid  }
0x8b: {  	s0 =	sand.u32 $0x1, s1  }
0x8c: {  	s17 =	sshll.u32 s0, $0xA;
	s2 =	sadd.s32 s3, s2  }
0x8d: {  	s2 =	sadd.s32 s2, s17  }
0x8e: {  	[smem:$0x3FBD] =	sst s2  }
0x8f: {  	_ = 	snop  }
0x90: {  	s2 =	sld [smem:$0x3FD0];
	(tm) =	ssettm $0x1  }
0x91: {  	s18 =	sld [smem:$0x3FFB];
	_ =	sdelay $0x3  }
0x92: {  	_ =	strace s18  }
0x93: {  	s3 =	sld [smem:$0x3FFC];
	_ =	sdelay $0x3  }
0x94: {  	_ =	strace s3  }
0x95: {  	s3 =	sld [smem:$0x3FFD];
	_ =	sdelay $0x3  }
0x96: {  	_ =	strace s3  }
0x97: {  	_ =	strace $0x8FFFFFFF  }
0x98: {  	s19 =	sld [smem:$0x3FDB];
	_ =	sdelay $0x1  }
0x99: {  	s4 =	simm.s32 $_scs_section_size  }
0x9a: {  	s5 =	simm.s32 $_size__tile_overlayer_lowered;
	s6 =	simm.s32 $_tile_overlayer_lowered  }
0x9b: {  	s22 =	simm.s32 $0x1BFF;
	s21 =	sshll.u32 s6, $0x1;
	s3 =	sadd.s32 s4, s19  }
0x9c: {  	s7 =	simm.s32 $0x0;
	s20 =	sshll.u32 s5, $0x1;
	s5 =	sadd.s32 s21, s3  }
0x9d: {  	[timem:s7], [sflag:s22] =	dma.local [hbm:s5], s20  }
0x9e: {  	_ =	swait.ge [sflag:s22], s20  }
0x9f: {  	s4 =	ssub.s32 $0x0, s20;
	[sflag:s22] =	ssyncset.done $0x0  }
0xa0: {  	[sflag:s22] =	ssyncadd.s32 s4;
	_ =	sdelay $0x1  }
0xa1: {  	s23 =	simm.s32 $0x1B8B  }
0xa2: {  	_ =	swait.ge [sflag:s23], $0x1  }
0xa3: {  	[sflag:s23] =	ssyncset.done $0x0  }
0xa4: {  	s25 =	simm.s32 $0x1B8E;
	s24 =	sld [smem:$0x3FFE];
	[sflag:s23] =	ssyncadd.s32 $0xFFFFFFFF  }
0xa5: {  	s26 =	simm.s32 $execute0_lowered;
	[smem:$0x3FD2] =	sst s25  }
0xa6: {  	s5 =	sshll.u32 s26, $0x1;
	_ =	strace $0x80000049;
	[dreg:$0x1] =	wrdreg $0xFFFFFFFF  }
0xa7: {  	s28 =	simm.s32 $_size_execute0_lowered;
	s3 =	sadd.s32 s3, s5;
	[dreg:$0x0] =	wrdreg $0x0  }
0xa8: {  	s5 =	sshll.u32 s28, $0x1;
	[dreg:$0x2] =	wrdreg s3  }
0xa9: {  	[dreg:$0x3] =	wrdreg s5  }
0xaa: {  	[dreg:$0x4] =	wrdreg $0xC0  }
0xab: {  	_ =	task [dreg:s7], $0x5FFFF  }
0xac: {  	[dreg:$0x1] =	wrdreg $0xFFFFFFFF  }
0xad: {  	[dreg:$0x0] =	wrdreg $0x60  }
0xae: {  	[dreg:$0x2] =	wrdreg s2  }
0xaf: {  	[dreg:$0x3] =	wrdreg s24  }
0xb0: {  	[dreg:$0x4] =	wrdreg $0x82000  }
0xb1: {  	[dreg:$0x5] =	wrdreg $0x9  }
0xb2: {  	_ =	task.clear_ibuf [dreg:s7], $0x6FFFF;
	_ =	strace $0x90000049  }
0xb3: {  	s29 =	simm.s32 $0x9;
	_ =	strace $0x8000004B  }
0xb4: {  	_ =	swait.ge [sflag:s29], $0x1  }
0xb5: {  	[sflag:s29] =	ssyncadd.s32 $0xFFFFFFFF  }
0xb6: {  	_ =	strace $0x9000004B  }
0xb7: {  	_ =	sfence  }
0xb8: {  	s30 =	sld [smem:$0x0];
	_ =	sdelay $0x2  }
0xb9: {  	s31 =	sshll.u32 s1, $0xD;
	s1 =	sshrl.u32 s1, $0x2  }
0xba: {  	s3 =	sand.u32 $0x4000, s31;
	s1 =	sadd.s32 s1, s30  }
0xbb: {  	s0 =	sor.u32 s3, s0;
	s1 =	sshll.u32 s1, $0x11  }
0xbc: {  	s0 =	sor.u32 s1, s0  }
0xbd: {  	s0 =	sadd.s32 $0x8F2B, s0  }
0xbe: {  	[sflag:s0] =	ssyncadd.remote.s32 $0x1  }
0xbf: {  	_ =	sfence.sel $0xFFFF  }
0xc0: {  	[dreg:$0x0] =	wrdreg $0xFFFFFFFF;
	(pc) =	sbr.abs _section_cstart, $3  }
0xc1: {  	[dreg:$0x1] =	wrdreg $0xFFFFFFFF  }
0xc2: {  	_ =	task.clear_ibuf [dreg:s7], $0x2FFFF;
	_ =	strace $0x9FFFFFFF  }
0xc3: {  	(tm) =	ssettm $0x7FFFFFFF  }
tec
execute0_lowered:
.L_overlay_start_1:
0x0: {  	(tag) =	ssettag $0x1  }
0x1: {  	s1 =	rddreg [dreg:$0x0]  }
0x2: {  	s0 =	rddreg [dreg:$0x1]  }
0x3: {  	s3 =	rddreg [dreg:$0x2]  }
0x4: {  	s2 =	srdreg.scid;
	s18 =	stileid.u32  }
0x5: {  	s4 =	simm.s32 $0x0;
	s19 =	simm.s32 $0x7;
	s20 =	simm.s32 $0x100  }
0x6: {  	s21 =	simm.s32 $0x80;
	s22 =	simm.s32 $0x180;
	s28 =	simm.s32 $0x4200  }
0x7: {  	s29 =	simm.s32 $0x5;
	s30 =	simm.s32 $0x6;
	s5 =	smul.u32 $0x2800, s18  }
0x8: {  	s31 =	simm.s32 $0x0;
	s2 =	sand.u32 $0x1, s2;
	s23 =	smul.u32 $0x50000, s18  }
0x9: {  	[smem:$0x7FF] =	sst s4;
	s16 =	sadd.s32 $0x3400, s0;
	s26 =	smul.u32 $0x500, s18  }
0xa: {  	s17 =	sadd.s32 $0xDA00, s0;
	s6 =	smul.u32 $0x28000, s2;
	_ =	strace $0x8000004A  }
0xb: {  	s24 =	ssub.s32 $0x2, s2;
	s7 =	sshll.u32 s2, $0x4;
	s2 =	smul.u32 $0x5000, s2  }
0xc: {  	s8 =	sshrl.u32 s24, $0x1;
	s7 =	sor.u32 s18, s7;
	s18 =	simm.s32 $0x200  }
0xd: {  	s5 =	sadd.s32 s5, s6;
	s6 =	sshrl.u32 s23, $0x2;
	s15 =	ssub.s32 s24, s8  }
0xe: {  	s11 =	smul.u32 $0x500, s7;
	s23 =	simm.s32 $0x1;
	s24 =	simm.s32 $0x3  }
0xf: {  	s0 =	sadd.s32 s5, s0;
	s5 =	sadd.s32 s6, s3;
	s15 =	smax.u32 s15, $0x1  }
0x10: {  	s6 =	sadd.s32 $0x4000, s5;
	s25 =	sadd.s32 $0x8000, s5;
	s8 =	sadd.s32 $0xC000, s5  }
0x11: {  	s9 =	sadd.s32 $0x10000, s5;
	s10 =	sadd.s32 s16, s11;
	s13 =	sor.u32 $0x10, s11  }
0x12: {  	s11 =	sadd.s32 s17, s11;
	s14 =	sadd.s32 $0x17A00, s0;
	[dreg:$0x4] =	wrdreg s6  }
0x13: {  	[dreg:$0x5] =	wrdreg s25;
	s12 =	sadd.s32 s16, s13;
	s13 =	sadd.s32 s17, s13  }
0x14: {  	s16 =	sadd.s32 s2, s16;
	s2 =	sadd.s32 s2, s17;
	s25 =	simm.s32 $0x2  }
0x15: {  	v0 =	vimm.f32 $0.0e+00;
	s16 =	sadd.s32 s26, s16;
	s17 =	sadd.s32 s26, s2;
	s26 =	simm.s32 $0x4  }
.LBB2_1:
0x16: {  	s0 =	simm.s32 $0x0;
	s2 =	simm.s32 $0x200  }
.LBB2_2:
0x17: {  	p0 =	sne.s32 s2, $0xFE00;
	[tilespmem:s0+$0x270] =	vst v0  }
0x18: {  	[tilespmem:s0+$0x200] =	vst v0  }
0x19: {  	[tilespmem:s0+$0x210] =	vst v0  }
.Ltmp0:
0x1a: {  	[tilespmem:s0+$0x220] =	vst v0;
	(pc) =	sbr.rel @p0 .LBB2_2-.Ltmp0, $4  }
0x1b: {  	[tilespmem:s0+$0x230] =	vst v0  }
0x1c: {  	[tilespmem:s0+$0x240] =	vst v0  }
0x1d: {  	[tilespmem:s0+$0x250] =	vst v0  }
0x1e: {  	[tilespmem:s0+$0x260] =	vst v0;
	s0 =	sshra.s32 s2, $0x2;
	s2 =	sadd.s32 $0x200, s2  }
0x1f: {  	[tilespmem:s0+$0x270] =	vst v0  }
0x20: {  	[tilespmem:s0+$0x200] =	vst v0  }
0x21: {  	[tilespmem:s0+$0x210] =	vst v0  }
0x22: {  	[tilespmem:s0+$0x220] =	vst v0  }
0x23: {  	[tilespmem:s0+$0x230] =	vst v0  }
0x24: {  	[tilespmem:s0+$0x240] =	vst v0  }
0x25: {  	[tilespmem:s0+$0x250] =	vst v0  }
0x26: {  	[tilespmem:s0+$0x260] =	vst v0  }
0x27: {  	[spmem:s5] =	stream.linear.scatter [tilespmem:s18], [sflag:$0x7], $0x4000, $0x38;
	[tilespmem:$0x1C200] =	vst v63  }
0x28: {  	_ =	swait.ge [sflag:s19], $0x4000  }
0x29: {  	[sflag:s19] =	ssyncset.done $0x0  }
0x2a: {  	s7 =	rddreg [dreg:$0x4];
	[sflag:s19] =	ssyncadd.s32 $0xFFFFC000  }
0x2b: {  	[spmem:s7] =	stream.linear.scatter [tilespmem:s18], [sflag:$0x7], $0x4000, $0x38;
	[tilespmem:$0x1C200] =	vst v63  }
0x2c: {  	_ =	swait.ge [sflag:s19], $0x4000  }
0x2d: {  	[sflag:s19] =	ssyncset.done $0x0  }
0x2e: {  	s2 =	rddreg [dreg:$0x5];
	[sflag:s19] =	ssyncadd.s32 $0xFFFFC000  }
0x2f: {  	[spmem:s2] =	stream.linear.scatter [tilespmem:s18], [sflag:$0x7], $0x4000, $0x38;
	[tilespmem:$0x1C200] =	vst v63  }
0x30: {  	_ =	swait.ge [sflag:s19], $0x4000  }
0x31: {  	[sflag:s19] =	ssyncset.done $0x0  }
0x32: {  	[sflag:s19] =	ssyncadd.s32 $0xFFFFC000  }
0x33: {  	[spmem:s8] =	stream.linear.scatter [tilespmem:s18], [sflag:$0x7], $0x4000, $0x38;
	[tilespmem:$0x1C200] =	vst v63  }
0x34: {  	_ =	swait.ge [sflag:s19], $0x4000  }
0x35: {  	[sflag:s19] =	ssyncset.done $0x0  }
0x36: {  	[sflag:s19] =	ssyncadd.s32 $0xFFFFC000  }
0x37: {  	[spmem:s9] =	stream.linear.scatter [tilespmem:s18], [sflag:$0x7], $0x4000, $0x38;
	[tilespmem:$0x1C200] =	vst v63  }
0x38: {  	_ =	swait.ge [sflag:s19], $0x4000  }
0x39: {  	[sflag:s19] =	ssyncset.done $0x0  }
0x3a: {  	[sflag:s19] =	ssyncadd.s32 $0xFFFFC000  }
0x3b: {  	s6 =	simm.s32 $0x0;
	[bflag:$0x0] =	sbarrier.arrive $0xFFFF  }
0x3c: {  	[tilespmem:s6], [sflag:$0x1] =	stream.linear.gather [hbm4b:s10+s6], $0x80, $0x38;
	[tilespmem:$0x1C200] =	vst v63  }
0x3d: {  	_ = 	snop  }
0x3e: {  	[tilespmem:s20], [sflag:$0x3] =	stream.linear.gather [hbm4b:s11+s6], $0x80, $0x38;
	[tilespmem:$0x1C200] =	vst v63  }
0x3f: {  	_ = 	snop  }
0x40: {  	[tilespmem:s21], [sflag:$0x2] =	stream.linear.gather [hbm4b:s12+s6], $0x80, $0x38;
	[tilespmem:$0x1C200] =	vst v63  }
0x41: {  	_ = 	snop  }
0x42: {  	[tilespmem:s22], [sflag:$0x4] =	stream.linear.gather [hbm4b:s13+s6], $0x80, $0x38;
	[tilespmem:$0x1C200] =	vst v63  }
0x43: {  	_ =	swait.ge [sflag:s23], $0x80  }
0x44: {  	[sflag:s23] =	ssyncset.done $0x0  }
0x45: {  	[sflag:s23] =	ssyncadd.s32 $0xFFFFFF80  }
0x46: {  	_ =	swait.ge [sflag:s24], $0x80  }
0x47: {  	[sflag:s24] =	ssyncset.done $0x0  }
0x48: {  	[sflag:s24] =	ssyncadd.s32 $0xFFFFFF80  }
0x49: {  	[tilespmem:s18], [sflag:$0x5] =	stream.indirect.gather [hbm4b:s1+s21], $0x80, s6, s21, $0xb8;
	[tilespmem:$0x1C200] =	vst v63  }
0x4a: {  	_ =	swait.ge [sflag:s25], $0x80  }
0x4b: {  	[sflag:s25] =	ssyncset.done $0x0  }
0x4c: {  	[sflag:s25] =	ssyncadd.s32 $0xFFFFFF80  }
0x4d: {  	_ =	swait.ge [sflag:s26], $0x80  }
0x4e: {  	[sflag:s26] =	ssyncset.done $0x0  }
0x4f: {  	[sflag:s26] =	ssyncadd.s32 $0xFFFFFF80  }
0x50: {  	[tilespmem:s28], [sflag:$0x6] =	stream.indirect.gather [hbm4b:s1+s21], $0x80, s21, s21, $0xb8;
	[tilespmem:$0x1C200] =	vst v63  }
0x51: {  	_ =	swait.ge [sflag:s29], $0x4000  }
0x52: {  	[sflag:s29] =	ssyncset.done $0x0  }
0x53: {  	[sflag:s29] =	ssyncadd.s32 $0xFFFFC000  }
0x54: {  	[spmem:s3] =	stream.indirect.scatter.add.f32 [tilespmem:s18], [sflag:$0x7], $0x80, s20, s21, $0xb8;
	[tilespmem:$0x1C200] =	vst v63  }
0x55: {  	_ =	swait.ge [sflag:s19], $0x4000  }
0x56: {  	s0 =	sadd.s32 $0x0, s16;
	[sflag:s19] =	ssyncset.done $0x0  }
0x57: {  	s2 =	sadd.s32 $0x20, s0;
	s6 =	sadd.s32 $0x0, s17;
	[sflag:s19] =	ssyncadd.s32 $0xFFFFC000  }
0x58: {  	[tilespmem:s4], [sflag:$0x1] =	stream.linear.gather [hbm4b:s2+s4], $0x80, $0x38;
	[tilespmem:$0x1C200] =	vst v63  }
0x59: {  	s7 =	sadd.s32 $0x20, s6  }
0x5a: {  	[tilespmem:s20], [sflag:$0x3] =	stream.linear.gather [hbm4b:s7+s4], $0x80, $0x38;
	[tilespmem:$0x1C200] =	vst v63  }
0x5b: {  	_ =	swait.ge [sflag:s23], $0x80  }
0x5c: {  	[sflag:s23] =	ssyncset.done $0x0  }
0x5d: {  	[sflag:s23] =	ssyncadd.s32 $0xFFFFFF80  }
0x5e: {  	_ =	swait.ge [sflag:s24], $0x80  }
0x5f: {  	[sflag:s24] =	ssyncset.done $0x0  }
0x60: {  	[sflag:s24] =	ssyncadd.s32 $0xFFFFFF80  }
0x61: {  	[tilespmem:s18], [sflag:$0x5] =	stream.indirect.gather [hbm4b:s1+s21], $0x80, s4, s21, $0xb8;
	[tilespmem:$0x1C200] =	vst v63  }
0x62: {  	_ =	swait.ge [sflag:s30], $0x4000  }
0x63: {  	[sflag:s30] =	ssyncset.done $0x0  }
0x64: {  	[sflag:s30] =	ssyncadd.s32 $0xFFFFC000  }
0x65: {  	[spmem:s3] =	stream.indirect.scatter.add.f32 [tilespmem:s28], [sflag:$0x7], $0x80, s22, s21, $0xb8;
	[tilespmem:$0x1C200] =	vst v63  }
0x66: {  	_ =	swait.ge [sflag:s19], $0x4000  }
0x67: {  	[sflag:s19] =	ssyncset.done $0x0  }
0x68: {  	s0 =	sadd.s32 $0x30, s0;
	[sflag:s19] =	ssyncadd.s32 $0xFFFFC000  }
0x69: {  	[tilespmem:s21], [sflag:$0x2] =	stream.linear.gather [hbm4b:s0+s4], $0x80, $0x38;
	[tilespmem:$0x1C200] =	vst v63  }
0x6a: {  	s2 =	sadd.s32 $0x30, s6;
	s0 =	simm.s32 $0x20  }
.LBB2_4:
0x6b: {  	[tilespmem:s22], [sflag:$0x4] =	stream.linear.gather [hbm4b:s2+s4], $0x80, $0x38;
	[tilespmem:$0x1C200] =	vst v63  }
0x6c: {  	s2 =	smov.u32 s0  }
0x6d: {  	p0 =	sne.s32 s0, $0x4C0;
	s0 =	sadd.s32 $0x20, s0;
	_ =	swait.ge [sflag:s25], $0x80  }
0x6e: {  	[sflag:s25] =	ssyncset.done $0x0  }
0x6f: {  	[sflag:s25] =	ssyncadd.s32 $0xFFFFFF80  }
0x70: {  	_ =	swait.ge [sflag:s26], $0x80  }
0x71: {  	[sflag:s26] =	ssyncset.done $0x0  }
0x72: {  	[sflag:s26] =	ssyncadd.s32 $0xFFFFFF80  }
0x73: {  	[tilespmem:s28], [sflag:$0x6] =	stream.indirect.gather [hbm4b:s1+s21], $0x80, s21, s21, $0xb8;
	[tilespmem:$0x1C200] =	vst v63  }
0x74: {  	_ =	swait.ge [sflag:s29], $0x4000  }
0x75: {  	[sflag:s29] =	ssyncset.done $0x0  }
0x76: {  	[sflag:s29] =	ssyncadd.s32 $0xFFFFC000  }
0x77: {  	[spmem:s3] =	stream.indirect.scatter.add.f32 [tilespmem:s18], [sflag:$0x7], $0x80, s20, s21, $0xb8;
	[tilespmem:$0x1C200] =	vst v63  }
0x78: {  	_ =	swait.ge [sflag:s19], $0x4000  }
0x79: {  	s6 =	sadd.s32 s2, s16;
	[sflag:s19] =	ssyncset.done $0x0  }
0x7a: {  	s2 =	sadd.s32 s2, s17;
	s7 =	sadd.s32 $0x20, s6;
	[sflag:s19] =	ssyncadd.s32 $0xFFFFC000  }
0x7b: {  	[tilespmem:s4], [sflag:$0x1] =	stream.linear.gather [hbm4b:s7+s4], $0x80, $0x38;
	[tilespmem:$0x1C200] =	vst v63  }
0x7c: {  	s7 =	sadd.s32 $0x20, s2  }
0x7d: {  	[tilespmem:s20], [sflag:$0x3] =	stream.linear.gather [hbm4b:s7+s4], $0x80, $0x38;
	[tilespmem:$0x1C200] =	vst v63  }
0x7e: {  	_ =	swait.ge [sflag:s23], $0x80  }
0x7f: {  	[sflag:s23] =	ssyncset.done $0x0  }
0x80: {  	[sflag:s23] =	ssyncadd.s32 $0xFFFFFF80  }
0x81: {  	_ =	swait.ge [sflag:s24], $0x80  }
0x82: {  	[sflag:s24] =	ssyncset.done $0x0  }
0x83: {  	[sflag:s24] =	ssyncadd.s32 $0xFFFFFF80  }
0x84: {  	[tilespmem:s18], [sflag:$0x5] =	stream.indirect.gather [hbm4b:s1+s21], $0x80, s4, s21, $0xb8;
	[tilespmem:$0x1C200] =	vst v63  }
0x85: {  	_ =	swait.ge [sflag:s30], $0x4000  }
0x86: {  	[sflag:s30] =	ssyncset.done $0x0  }
0x87: {  	[sflag:s30] =	ssyncadd.s32 $0xFFFFC000  }
0x88: {  	[spmem:s3] =	stream.indirect.scatter.add.f32 [tilespmem:s28], [sflag:$0x7], $0x80, s22, s21, $0xb8;
	[tilespmem:$0x1C200] =	vst v63  }
.Ltmp1:
0x89: {  	_ =	swait.ge [sflag:s19], $0x4000;
	(pc) =	sbr.rel @p0 .LBB2_4-.Ltmp1, $4  }
0x8a: {  	[sflag:s19] =	ssyncset.done $0x0  }
0x8b: {  	s6 =	sadd.s32 $0x30, s6;
	[sflag:s19] =	ssyncadd.s32 $0xFFFFC000  }
0x8c: {  	[tilespmem:s21], [sflag:$0x2] =	stream.linear.gather [hbm4b:s6+s4], $0x80, $0x38;
	[tilespmem:$0x1C200] =	vst v63  }
0x8d: {  	s2 =	sadd.s32 $0x30, s2  }
0x8e: {  	[tilespmem:s22], [sflag:$0x4] =	stream.linear.gather [hbm4b:s2+s4], $0x80, $0x38;
	[tilespmem:$0x1C200] =	vst v63  }
0x8f: {  	_ =	swait.ge [sflag:s25], $0x80  }
0x90: {  	[sflag:s25] =	ssyncset.done $0x0  }
0x91: {  	[sflag:s25] =	ssyncadd.s32 $0xFFFFFF80  }
0x92: {  	_ =	swait.ge [sflag:s26], $0x80  }
0x93: {  	[sflag:s26] =	ssyncset.done $0x0  }
0x94: {  	[sflag:s26] =	ssyncadd.s32 $0xFFFFFF80  }
0x95: {  	[tilespmem:s28], [sflag:$0x6] =	stream.indirect.gather [hbm4b:s1+s21], $0x80, s21, s21, $0xb8;
	[tilespmem:$0x1C200] =	vst v63  }
0x96: {  	_ =	swait.ge [sflag:s29], $0x4000  }
0x97: {  	[sflag:s29] =	ssyncset.done $0x0  }
0x98: {  	[sflag:s29] =	ssyncadd.s32 $0xFFFFC000  }
0x99: {  	[spmem:s3] =	stream.indirect.scatter.add.f32 [tilespmem:s18], [sflag:$0x7], $0x80, s20, s21, $0xb8;
	[tilespmem:$0x1C200] =	vst v63  }
0x9a: {  	_ =	swait.ge [sflag:s19], $0x4000  }
0x9b: {  	[sflag:s19] =	ssyncset.done $0x0  }
0x9c: {  	[sflag:s19] =	ssyncadd.s32 $0xFFFFC000  }
0x9d: {  	_ =	swait.ge [sflag:s30], $0x4000  }
0x9e: {  	[sflag:s30] =	ssyncset.done $0x0  }
0x9f: {  	[sflag:s30] =	ssyncadd.s32 $0xFFFFC000  }
0xa0: {  	[spmem:s3] =	stream.indirect.scatter.add.f32 [tilespmem:s28], [sflag:$0x7], $0x80, s22, s21, $0xb8;
	[tilespmem:$0x1C200] =	vst v63  }
0xa1: {  	s0 =	stileid.u32;
	_ =	swait.ge [sflag:s19], $0x4000  }
0xa2: {  	s7 =	sshrl.u32 s5, $0x3;
	s31 =	sadd.s32 $0x1, s31;
	[sflag:s19] =	ssyncset.done $0x0  }
0xa3: {  	s0 =	sshll.u32 s0, $0x6;
	p0 =	sne.s32 s31, s15;
	[sflag:s19] =	ssyncadd.s32 $0xFFFFC000  }
.Ltmp2:
0xa4: {  	s0 =	sor.u32 $0x1C07, s0;
	[bflag:$0x0] =	sbarrier.arrive $0xFFFF;
	(pc) =	sbr.rel @p0 .LBB2_1-.Ltmp2, $4  }
0xa5: {  	[hbm:s14], [sflag:s0] =	dma.local [spmem:s7], $0x2800  }
0xa6: {  	_ =	swait.ge [sflag:s19], $0x2800  }
0xa7: {  	[sflag:s19] =	ssyncset.done $0x0  }
0xa8: {  	[sflag:s19] =	ssyncadd.s32 $0xFFFFD800  }
0xa9: {  	_ =	sfence.sel $0x180000  }
0xaa: {  	[bflag:$0x0] =	sbarrier.arrive $0xFFFF  }
0xab: {  	_ =	strace $0x9000004A  }
0xac: {  	s0 =	stileid.u32;
	[bflag:$0x2] =	sbarrier.arrive $0xFFFF  }
0xad: {  	p0 =	sne.s32 s0, $0x0;
	s0 =	rddreg [dreg:$0x3]  }
0xae: {  	s0 =	sadd.s32 @!p0 $0x100000, s0  }
0xaf: {  	[sflag:s0] =	ssyncadd.tile.s32 @!p0 $0x1;
	_ =	shalt  }
.Lfunc_end2:
_tile_overlayer_lowered:
.L_overlay_start_2:
0xb0: {  	(tag) =	ssettag $0x2  }
0xb1: {  	s0 =	rddreg [dreg:$0x0];
	s2 =	stileid.u32  }
0xb2: {  	s1 =	rddreg [dreg:$0x1];
	p0 =	sne.s32 s2, $0x0  }
0xb3: {  	s3 =	rddreg [dreg:$0x2];
	[bflag:$0x3] =	sbarrier.arrive $0xFFFF;
	s2 =	simm.s32 @!p0 $0x1C07  }
0xb4: {  	[timem:s3], [sflag:s2] =	dma.local @!p0 [hbm:s0], s1  }
0xb5: {  	s0 =	simm.s32 @!p0 $0x7  }
0xb6: {  	_ =	swait.ge @!p0 [sflag:s0], s1  }
0xb7: {  	s1 =	ssub.s32 @!p0 $0x0, s1;
	[sflag:s0] =	ssyncset.done @!p0 $0x0  }
0xb8: {  	[sflag:s0] =	ssyncadd.s32 @!p0 s1  }
0xb9: {  	[bflag:$0x3] =	sbarrier.arrive $0xFFFF  }
0xba: {  	_ =	shalt  }

// kernel: kernel.16.cloned.1.call-start
scs
__scs_entry_jumppad:
0x0: {  	(pc) =	sbr.rel $0x88, $3  }
0x1: {  	(tag) =	ssettag $0x0;
	lr =	simm.s32 $0x1  }
0x2: {  	[smem:$0x3F96] =	sst lr;
	_ =	strace $0xD0000000  }
0x3: {  	_ = 	snop  }
0x4: {  	_ = 	snop  }
0x5: {  	_ = 	snop  }
0x6: {  	_ = 	snop  }
0x7: {  	_ = 	snop  }
__scs_overlays_trampoline_lowered:
0x8: {  	[smem:$0x3FA5] =	sst s0  }
0x9: {  	[smem:$0x3FA6] =	sst s1  }
0xa: {  	[smem:$0x3FA7] =	sst s2  }
0xb: {  	[smem:$0x3FA8] =	sst s3  }
0xc: {  	[smem:$0x3FA9] =	sst s4  }
0xd: {  	[smem:$0x3FAA] =	sst s5  }
0xe: {  	[smem:$0x3FAB] =	sst s6  }
0xf: {  	[smem:$0x3FAC] =	sst s7  }
0x10: {  	[smem:$0x3FAD] =	sst s8  }
0x11: {  	[smem:$0x3FAE] =	sst s9;
	s0 =	simm.s32 @!p0 $0x0  }
0x12: {  	s1 =	sld [smem:$0x3F94];
	s0 =	simm.s32 @p0 $0x1  }
0x13: {  	[smem:$0x3FAF] =	sst s0;
	s0 =	simm.s32 @!p1 $0x0  }
0x14: {  	s2 =	sld [smem:$0x3F93];
	s0 =	simm.s32 @p1 $0x1  }
0x15: {  	[smem:$0x3FB0] =	sst s0;
	s0 =	simm.s32 @!p2 $0x0  }
0x16: {  	s3 =	sld [smem:$0x3FDB];
	s0 =	simm.s32 @p2 $0x1  }
0x17: {  	s4 =	simm.s32 $0x1BF5;
	[smem:$0x3FB2] =	sst s0  }
0x18: {  	s0 =	sld [smem:$0x3F95];
	_ =	swait.ge [sflag:s4], $0x0  }
0x19: {  	s7 =	sld [smem:$0x3F96]  }
0x1a: {  	s8 =	sadd.s32 $0xFFFFE003, lr  }
0x1b: {  	s9 =	sadd.s32 $0xFFFFFEF7, lr;
	s5 =	simm.s32 $0xFFFFFFFF;
	p2 =	slt.u32 s8, $0xFFFFF086  }
0x1c: {  	p1 =	slt.u32 s9, $0xF7A;
	s5 =	simm.s32 @!p2 $0x0  }
0x1d: {  	s5 =	simm.s32 @p1 $0x1;
	p0 =	seq.s32 s7, s2  }
0x1e: {  	s7 =	smul.u32 @!p0 $0xF7A, s2;
	p2 =	seq.s32 @!p0 s5, $0x0  }
0x1f: {  	s9 =	smul.u32 $0xF7A, s1;
	s8 =	simm.s32 @!p0 $0x1BF5;
	p2 =	por !p2, p0  }
0x20: {  	[sflag:s8] =	ssyncset.s32 @!p0 $0xFFFFF086;
	s6 =	sadd.s32 @!p0 s3, s7;
	s7 =	simm.s32 @!p0 $0x108  }
0x21: {  	s3 =	sadd.s32 s3, s9;
	s6 =	sadd.s32 @!p0 $0x88, s6;
	s7 =	simm.s32 @p2 $0x1082  }
0x22: {  	[simem:s7], [sflag:s8] =	dma.local @!p0 [hbm:s6], $0xF7A  }
0x23: {  	s9 =	sor.u32 $0xD0000000, s2;
	s6 =	simm.s32 $0x108;
	_ =	swait.ge @!p0 [sflag:s8], $0x0  }
0x24: {  	s3 =	sadd.s32 $0x88, s3;
	s6 =	simm.s32 @!p1 $0x1082;
	[sflag:s4] =	ssyncset.s32 $0xFFFFF086  }
0x25: {  	[simem:s6], [sflag:s4] =	dma.local [hbm:s3], $0xF7A  }
0x26: {  	[smem:$0x3F96] =	sst s1;
	(tag) =	ssettag s2;
	_ =	strace s9  }
0x27: {  	s1 =	sld [smem:$0x3FA6]  }
0x28: {  	s2 =	sld [smem:$0x3FA7]  }
0x29: {  	s4 =	sld [smem:$0x3FA9]  }
0x2a: {  	p0 =	seq.s32 s5, $0x0;
	s5 =	sld [smem:$0x3FAA]  }
0x2b: {  	s6 =	sld [smem:$0x3FAB]  }
0x2c: {  	s7 =	sld [smem:$0x3FAC]  }
0x2d: {  	s3 =	simm.s32 $0x108;
	s8 =	sld [smem:$0x3FAD]  }
0x2e: {  	s3 =	simm.s32 @!p0 $0x1082;
	s9 =	sld [smem:$0x3FAE]  }
0x2f: {  	lr =	sadd.s32 s0, s3;
	s0 =	sld [smem:$0x3FA5]  }
0x30: {  	s3 =	sld [smem:$0x3FA8]  }
0x31: {  	[smem:$0x3FB1] =	sst s10  }
0x32: {  	s10 =	sld [smem:$0x3FAF];
	_ =	sdelay $0x3  }
0x33: {  	p0 =	seq.s32 s10, $0x1;
	s10 =	sld [smem:$0x3FB1];
	_ =	sdelay $0x3  }
0x34: {  	[smem:$0x3FB1] =	sst s10  }
0x35: {  	s10 =	sld [smem:$0x3FB0];
	_ =	sdelay $0x3  }
0x36: {  	p1 =	seq.s32 s10, $0x1;
	s10 =	sld [smem:$0x3FB1];
	_ =	sdelay $0x3  }
0x37: {  	[smem:$0x3FB1] =	sst s10  }
0x38: {  	s10 =	sld [smem:$0x3FB2]  }
0x39: {  	_ = 	snop;
	(pc) =	sbr.ind lr, $3  }
0x3a: {  	_ = 	snop  }
0x3b: {  	_ = 	snop  }
0x3c: {  	p2 =	seq.s32 s10, $0x1;
	s10 =	sld [smem:$0x3FB1]  }
0x3d: {  	_ =	shalt  }
0x3e: {  	_ =	shalt  }
0x3f: {  	_ =	shalt  }
0x40: {  	_ =	shalt  }
0x41: {  	_ =	shalt  }
0x42: {  	_ =	shalt  }
0x43: {  	_ =	shalt  }
0x44: {  	_ =	shalt  }
0x45: {  	_ =	shalt  }
0x46: {  	_ =	shalt  }
0x47: {  	_ =	shalt  }
0x48: {  	_ =	shalt  }
0x49: {  	_ =	shalt  }
0x4a: {  	_ =	shalt  }
0x4b: {  	_ =	shalt  }
0x4c: {  	_ =	shalt  }
0x4d: {  	_ =	shalt  }
0x4e: {  	_ =	shalt  }
0x4f: {  	_ =	shalt  }
0x50: {  	_ =	shalt  }
0x51: {  	_ =	shalt  }
0x52: {  	_ =	shalt  }
0x53: {  	_ =	shalt  }
0x54: {  	_ =	shalt  }
0x55: {  	_ =	shalt  }
0x56: {  	_ =	shalt  }
0x57: {  	_ =	shalt  }
0x58: {  	_ =	shalt  }
0x59: {  	_ =	shalt  }
0x5a: {  	_ =	shalt  }
0x5b: {  	_ =	shalt  }
0x5c: {  	_ =	shalt  }
0x5d: {  	_ =	shalt  }
0x5e: {  	_ =	shalt  }
0x5f: {  	_ =	shalt  }
0x60: {  	_ =	shalt  }
0x61: {  	_ =	shalt  }
0x62: {  	_ =	shalt  }
0x63: {  	_ =	shalt  }
0x64: {  	_ =	shalt  }
0x65: {  	_ =	shalt  }
0x66: {  	_ =	shalt  }
0x67: {  	_ =	shalt  }
0x68: {  	_ =	shalt  }
0x69: {  	_ =	shalt  }
0x6a: {  	_ =	shalt  }
0x6b: {  	_ =	shalt  }
0x6c: {  	_ =	shalt  }
0x6d: {  	_ =	shalt  }
0x6e: {  	_ =	shalt  }
0x6f: {  	_ =	shalt  }
0x70: {  	_ =	shalt  }
0x71: {  	_ =	shalt  }
0x72: {  	_ =	shalt  }
0x73: {  	_ =	shalt  }
0x74: {  	_ =	shalt  }
0x75: {  	_ =	shalt  }
0x76: {  	_ =	shalt  }
0x77: {  	_ =	shalt  }
0x78: {  	_ =	shalt  }
0x79: {  	_ =	shalt  }
0x7a: {  	_ =	shalt  }
0x7b: {  	_ =	shalt  }
0x7c: {  	_ =	shalt  }
0x7d: {  	_ =	shalt  }
0x7e: {  	_ =	shalt  }
0x7f: {  	_ =	shalt  }
0x80: {  	_ =	shalt  }
0x81: {  	_ =	shalt  }
0x82: {  	_ =	shalt  }
0x83: {  	_ =	shalt  }
0x84: {  	_ =	shalt  }
0x85: {  	_ =	shalt  }
0x86: {  	_ =	shalt  }
0x87: {  	_ =	shalt  }
.Lfunc_end0:
.L_simem_size_0:
called_computation.2_lowered:
.L_overlay_start_0:
0x88: {  	s2 =	sld [smem:$0x3FD9]  }
0x89: {  	s3 =	sld [smem:$0x3FFE];
	_ =	sdelay $0x1  }
0x8a: {  	s1 =	srdreg.scid  }
0x8b: {  	s0 =	sand.u32 $0x1, s1  }
0x8c: {  	s17 =	sshll.u32 s0, $0xA;
	s2 =	sadd.s32 s3, s2  }
0x8d: {  	s2 =	sadd.s32 s2, s17  }
0x8e: {  	[smem:$0x3FBD] =	sst s2  }
0x8f: {  	_ = 	snop  }
0x90: {  	s2 =	sld [smem:$0x3FD0];
	(tm) =	ssettm $0x1  }
0x91: {  	s18 =	sld [smem:$0x3FFB];
	_ =	sdelay $0x3  }
0x92: {  	_ =	strace s18  }
0x93: {  	s3 =	sld [smem:$0x3FFC];
	_ =	sdelay $0x3  }
0x94: {  	_ =	strace s3  }
0x95: {  	s3 =	sld [smem:$0x3FFD];
	_ =	sdelay $0x3  }
0x96: {  	_ =	strace s3  }
0x97: {  	_ =	strace $0x8FFFFFFF  }
0x98: {  	s19 =	sld [smem:$0x3FDB];
	_ =	sdelay $0x1  }
0x99: {  	s4 =	simm.s32 $_scs_section_size  }
0x9a: {  	s5 =	simm.s32 $_size__tile_overlayer_lowered;
	s6 =	simm.s32 $_tile_overlayer_lowered  }
0x9b: {  	s22 =	simm.s32 $0x1BFF;
	s21 =	sshll.u32 s6, $0x1;
	s3 =	sadd.s32 s4, s19  }
0x9c: {  	s7 =	simm.s32 $0x0;
	s20 =	sshll.u32 s5, $0x1;
	s5 =	sadd.s32 s21, s3  }
0x9d: {  	[timem:s7], [sflag:s22] =	dma.local [hbm:s5], s20  }
0x9e: {  	_ =	swait.ge [sflag:s22], s20  }
0x9f: {  	s4 =	ssub.s32 $0x0, s20;
	[sflag:s22] =	ssyncset.done $0x0  }
0xa0: {  	[sflag:s22] =	ssyncadd.s32 s4;
	_ =	sdelay $0x1  }
0xa1: {  	s23 =	simm.s32 $0x1B8B  }
0xa2: {  	_ =	swait.ge [sflag:s23], $0x1  }
0xa3: {  	[sflag:s23] =	ssyncset.done $0x0  }
0xa4: {  	s25 =	simm.s32 $0x1B8E;
	s24 =	sld [smem:$0x3FFE];
	[sflag:s23] =	ssyncadd.s32 $0xFFFFFFFF  }
0xa5: {  	s26 =	simm.s32 $execute0_lowered;
	[smem:$0x3FD2] =	sst s25  }
0xa6: {  	s5 =	sshll.u32 s26, $0x1;
	_ =	strace $0x8000004C;
	[dreg:$0x1] =	wrdreg $0xFFFFFFFF  }
0xa7: {  	s28 =	simm.s32 $_size_execute0_lowered;
	s3 =	sadd.s32 s3, s5;
	[dreg:$0x0] =	wrdreg $0x0  }
0xa8: {  	s5 =	sshll.u32 s28, $0x1;
	[dreg:$0x2] =	wrdreg s3  }
0xa9: {  	[dreg:$0x3] =	wrdreg s5  }
0xaa: {  	[dreg:$0x4] =	wrdreg $0xC0  }
0xab: {  	_ =	task [dreg:s7], $0x5FFFF  }
0xac: {  	[dreg:$0x1] =	wrdreg $0xFFFFFFFF  }
0xad: {  	[dreg:$0x0] =	wrdreg $0x60  }
0xae: {  	[dreg:$0x2] =	wrdreg s2  }
0xaf: {  	[dreg:$0x3] =	wrdreg s24  }
0xb0: {  	[dreg:$0x4] =	wrdreg $0x82000  }
0xb1: {  	[dreg:$0x5] =	wrdreg $0x9  }
0xb2: {  	_ =	task.clear_ibuf [dreg:s7], $0x6FFFF;
	_ =	strace $0x9000004C  }
0xb3: {  	s29 =	simm.s32 $0x9;
	_ =	strace $0x8000004E  }
0xb4: {  	_ =	swait.ge [sflag:s29], $0x1  }
0xb5: {  	[sflag:s29] =	ssyncadd.s32 $0xFFFFFFFF  }
0xb6: {  	_ =	strace $0x9000004E  }
0xb7: {  	_ =	sfence  }
0xb8: {  	s30 =	sld [smem:$0x0];
	_ =	sdelay $0x2  }
0xb9: {  	s31 =	sshll.u32 s1, $0xD;
	s1 =	sshrl.u32 s1, $0x2  }
0xba: {  	s3 =	sand.u32 $0x4000, s31;
	s1 =	sadd.s32 s1, s30  }
0xbb: {  	s0 =	sor.u32 s3, s0;
	s1 =	sshll.u32 s1, $0x11  }
0xbc: {  	s0 =	sor.u32 s1, s0  }
0xbd: {  	s0 =	sadd.s32 $0x8F2B, s0  }
0xbe: {  	[sflag:s0] =	ssyncadd.remote.s32 $0x1  }
0xbf: {  	_ =	sfence.sel $0xFFFF  }
0xc0: {  	[dreg:$0x0] =	wrdreg $0xFFFFFFFF;
	(pc) =	sbr.abs _section_cstart, $3  }
0xc1: {  	[dreg:$0x1] =	wrdreg $0xFFFFFFFF  }
0xc2: {  	_ =	task.clear_ibuf [dreg:s7], $0x2FFFF;
	_ =	strace $0x9FFFFFFF  }
0xc3: {  	(tm) =	ssettm $0x7FFFFFFF  }
tec
execute0_lowered:
.L_overlay_start_1:
0x0: {  	(tag) =	ssettag $0x1  }
0x1: {  	s1 =	rddreg [dreg:$0x0]  }
0x2: {  	s0 =	rddreg [dreg:$0x1]  }
0x3: {  	s3 =	rddreg [dreg:$0x2]  }
0x4: {  	s2 =	srdreg.scid;
	s18 =	stileid.u32  }
0x5: {  	s4 =	simm.s32 $0x0;
	s19 =	simm.s32 $0x7;
	s20 =	simm.s32 $0x100  }
0x6: {  	s21 =	simm.s32 $0x80;
	s22 =	simm.s32 $0x180;
	s28 =	simm.s32 $0x4200  }
0x7: {  	s29 =	simm.s32 $0x5;
	s30 =	simm.s32 $0x6;
	s5 =	smul.u32 $0x2800, s18  }
0x8: {  	s31 =	simm.s32 $0x0;
	s2 =	sand.u32 $0x1, s2;
	s23 =	smul.u32 $0x50000, s18  }
0x9: {  	[smem:$0x7FF] =	sst s4;
	s16 =	sadd.s32 $0x67A00, s0;
	s26 =	smul.u32 $0xA00, s18  }
0xa: {  	s17 =	sadd.s32 $0x7BA00, s0;
	s6 =	smul.u32 $0x28000, s2;
	_ =	strace $0x8000004D  }
0xb: {  	s24 =	ssub.s32 $0x2, s2;
	s7 =	sshll.u32 s2, $0x4;
	s2 =	smul.u32 $0xA000, s2  }
0xc: {  	s8 =	sshrl.u32 s24, $0x1;
	s7 =	sor.u32 s18, s7;
	s18 =	simm.s32 $0x200  }
0xd: {  	s5 =	sadd.s32 s5, s6;
	s6 =	sshrl.u32 s23, $0x2;
	s15 =	ssub.s32 s24, s8  }
0xe: {  	s11 =	smul.u32 $0xA00, s7;
	s23 =	simm.s32 $0x1;
	s24 =	simm.s32 $0x3  }
0xf: {  	s0 =	sadd.s32 s5, s0;
	s5 =	sadd.s32 s6, s3;
	s15 =	smax.u32 s15, $0x1  }
0x10: {  	s6 =	sadd.s32 $0x4000, s5;
	s25 =	sadd.s32 $0x8000, s5;
	s8 =	sadd.s32 $0xC000, s5  }
0x11: {  	s9 =	sadd.s32 $0x10000, s5;
	s10 =	sadd.s32 s16, s11;
	s13 =	sor.u32 $0x10, s11  }
0x12: {  	s11 =	sadd.s32 s17, s11;
	s14 =	sadd.s32 $0x8FA00, s0;
	[dreg:$0x4] =	wrdreg s6  }
0x13: {  	[dreg:$0x5] =	wrdreg s25;
	s12 =	sadd.s32 s16, s13;
	s13 =	sadd.s32 s17, s13  }
0x14: {  	s16 =	sadd.s32 s2, s16;
	s2 =	sadd.s32 s2, s17;
	s25 =	simm.s32 $0x2  }
0x15: {  	v0 =	vimm.f32 $0.0e+00;
	s16 =	sadd.s32 s26, s16;
	s17 =	sadd.s32 s26, s2;
	s26 =	simm.s32 $0x4  }
.LBB2_1:
0x16: {  	s0 =	simm.s32 $0x0;
	s2 =	simm.s32 $0x200  }
.LBB2_2:
0x17: {  	p0 =	sne.s32 s2, $0xFE00;
	[tilespmem:s0+$0x270] =	vst v0  }
0x18: {  	[tilespmem:s0+$0x200] =	vst v0  }
0x19: {  	[tilespmem:s0+$0x210] =	vst v0  }
.Ltmp0:
0x1a: {  	[tilespmem:s0+$0x220] =	vst v0;
	(pc) =	sbr.rel @p0 .LBB2_2-.Ltmp0, $4  }
0x1b: {  	[tilespmem:s0+$0x230] =	vst v0  }
0x1c: {  	[tilespmem:s0+$0x240] =	vst v0  }
0x1d: {  	[tilespmem:s0+$0x250] =	vst v0  }
0x1e: {  	[tilespmem:s0+$0x260] =	vst v0;
	s0 =	sshra.s32 s2, $0x2;
	s2 =	sadd.s32 $0x200, s2  }
0x1f: {  	[tilespmem:s0+$0x270] =	vst v0  }
0x20: {  	[tilespmem:s0+$0x200] =	vst v0  }
0x21: {  	[tilespmem:s0+$0x210] =	vst v0  }
0x22: {  	[tilespmem:s0+$0x220] =	vst v0  }
0x23: {  	[tilespmem:s0+$0x230] =	vst v0  }
0x24: {  	[tilespmem:s0+$0x240] =	vst v0  }
0x25: {  	[tilespmem:s0+$0x250] =	vst v0  }
0x26: {  	[tilespmem:s0+$0x260] =	vst v0  }
0x27: {  	[spmem:s5] =	stream.linear.scatter [tilespmem:s18], [sflag:$0x7], $0x4000, $0x38;
	[tilespmem:$0x1C200] =	vst v63  }
0x28: {  	_ =	swait.ge [sflag:s19], $0x4000  }
0x29: {  	[sflag:s19] =	ssyncset.done $0x0  }
0x2a: {  	s7 =	rddreg [dreg:$0x4];
	[sflag:s19] =	ssyncadd.s32 $0xFFFFC000  }
0x2b: {  	[spmem:s7] =	stream.linear.scatter [tilespmem:s18], [sflag:$0x7], $0x4000, $0x38;
	[tilespmem:$0x1C200] =	vst v63  }
0x2c: {  	_ =	swait.ge [sflag:s19], $0x4000  }
0x2d: {  	[sflag:s19] =	ssyncset.done $0x0  }
0x2e: {  	s2 =	rddreg [dreg:$0x5];
	[sflag:s19] =	ssyncadd.s32 $0xFFFFC000  }
0x2f: {  	[spmem:s2] =	stream.linear.scatter [tilespmem:s18], [sflag:$0x7], $0x4000, $0x38;
	[tilespmem:$0x1C200] =	vst v63  }
0x30: {  	_ =	swait.ge [sflag:s19], $0x4000  }
0x31: {  	[sflag:s19] =	ssyncset.done $0x0  }
0x32: {  	[sflag:s19] =	ssyncadd.s32 $0xFFFFC000  }
0x33: {  	[spmem:s8] =	stream.linear.scatter [tilespmem:s18], [sflag:$0x7], $0x4000, $0x38;
	[tilespmem:$0x1C200] =	vst v63  }
0x34: {  	_ =	swait.ge [sflag:s19], $0x4000  }
0x35: {  	[sflag:s19] =	ssyncset.done $0x0  }
0x36: {  	[sflag:s19] =	ssyncadd.s32 $0xFFFFC000  }
0x37: {  	[spmem:s9] =	stream.linear.scatter [tilespmem:s18], [sflag:$0x7], $0x4000, $0x38;
	[tilespmem:$0x1C200] =	vst v63  }
0x38: {  	_ =	swait.ge [sflag:s19], $0x4000  }
0x39: {  	[sflag:s19] =	ssyncset.done $0x0  }
0x3a: {  	[sflag:s19] =	ssyncadd.s32 $0xFFFFC000  }
0x3b: {  	s6 =	simm.s32 $0x0;
	[bflag:$0x0] =	sbarrier.arrive $0xFFFF  }
0x3c: {  	[tilespmem:s6], [sflag:$0x1] =	stream.linear.gather [hbm4b:s10+s6], $0x80, $0x38;
	[tilespmem:$0x1C200] =	vst v63  }
0x3d: {  	_ = 	snop  }
0x3e: {  	[tilespmem:s20], [sflag:$0x3] =	stream.linear.gather [hbm4b:s11+s6], $0x80, $0x38;
	[tilespmem:$0x1C200] =	vst v63  }
0x3f: {  	_ = 	snop  }
0x40: {  	[tilespmem:s21], [sflag:$0x2] =	stream.linear.gather [hbm4b:s12+s6], $0x80, $0x38;
	[tilespmem:$0x1C200] =	vst v63  }
0x41: {  	_ = 	snop  }
0x42: {  	[tilespmem:s22], [sflag:$0x4] =	stream.linear.gather [hbm4b:s13+s6], $0x80, $0x38;
	[tilespmem:$0x1C200] =	vst v63  }
0x43: {  	_ =	swait.ge [sflag:s23], $0x80  }
0x44: {  	[sflag:s23] =	ssyncset.done $0x0  }
0x45: {  	[sflag:s23] =	ssyncadd.s32 $0xFFFFFF80  }
0x46: {  	_ =	swait.ge [sflag:s24], $0x80  }
0x47: {  	[sflag:s24] =	ssyncset.done $0x0  }
0x48: {  	[sflag:s24] =	ssyncadd.s32 $0xFFFFFF80  }
0x49: {  	[tilespmem:s18], [sflag:$0x5] =	stream.indirect.gather [hbm4b:s1+s21], $0x80, s6, s21, $0xb8;
	[tilespmem:$0x1C200] =	vst v63  }
0x4a: {  	_ =	swait.ge [sflag:s25], $0x80  }
0x4b: {  	[sflag:s25] =	ssyncset.done $0x0  }
0x4c: {  	[sflag:s25] =	ssyncadd.s32 $0xFFFFFF80  }
0x4d: {  	_ =	swait.ge [sflag:s26], $0x80  }
0x4e: {  	[sflag:s26] =	ssyncset.done $0x0  }
0x4f: {  	[sflag:s26] =	ssyncadd.s32 $0xFFFFFF80  }
0x50: {  	[tilespmem:s28], [sflag:$0x6] =	stream.indirect.gather [hbm4b:s1+s21], $0x80, s21, s21, $0xb8;
	[tilespmem:$0x1C200] =	vst v63  }
0x51: {  	_ =	swait.ge [sflag:s29], $0x4000  }
0x52: {  	[sflag:s29] =	ssyncset.done $0x0  }
0x53: {  	[sflag:s29] =	ssyncadd.s32 $0xFFFFC000  }
0x54: {  	[spmem:s3] =	stream.indirect.scatter.add.f32 [tilespmem:s18], [sflag:$0x7], $0x80, s20, s21, $0xb8;
	[tilespmem:$0x1C200] =	vst v63  }
0x55: {  	_ =	swait.ge [sflag:s19], $0x4000  }
0x56: {  	s0 =	sadd.s32 $0x0, s16;
	[sflag:s19] =	ssyncset.done $0x0  }
0x57: {  	s2 =	sadd.s32 $0x20, s0;
	s6 =	sadd.s32 $0x0, s17;
	[sflag:s19] =	ssyncadd.s32 $0xFFFFC000  }
0x58: {  	[tilespmem:s4], [sflag:$0x1] =	stream.linear.gather [hbm4b:s2+s4], $0x80, $0x38;
	[tilespmem:$0x1C200] =	vst v63  }
0x59: {  	s7 =	sadd.s32 $0x20, s6  }
0x5a: {  	[tilespmem:s20], [sflag:$0x3] =	stream.linear.gather [hbm4b:s7+s4], $0x80, $0x38;
	[tilespmem:$0x1C200] =	vst v63  }
0x5b: {  	_ =	swait.ge [sflag:s23], $0x80  }
0x5c: {  	[sflag:s23] =	ssyncset.done $0x0  }
0x5d: {  	[sflag:s23] =	ssyncadd.s32 $0xFFFFFF80  }
0x5e: {  	_ =	swait.ge [sflag:s24], $0x80  }
0x5f: {  	[sflag:s24] =	ssyncset.done $0x0  }
0x60: {  	[sflag:s24] =	ssyncadd.s32 $0xFFFFFF80  }
0x61: {  	[tilespmem:s18], [sflag:$0x5] =	stream.indirect.gather [hbm4b:s1+s21], $0x80, s4, s21, $0xb8;
	[tilespmem:$0x1C200] =	vst v63  }
0x62: {  	_ =	swait.ge [sflag:s30], $0x4000  }
0x63: {  	[sflag:s30] =	ssyncset.done $0x0  }
0x64: {  	[sflag:s30] =	ssyncadd.s32 $0xFFFFC000  }
0x65: {  	[spmem:s3] =	stream.indirect.scatter.add.f32 [tilespmem:s28], [sflag:$0x7], $0x80, s22, s21, $0xb8;
	[tilespmem:$0x1C200] =	vst v63  }
0x66: {  	_ =	swait.ge [sflag:s19], $0x4000  }
0x67: {  	[sflag:s19] =	ssyncset.done $0x0  }
0x68: {  	s0 =	sadd.s32 $0x30, s0;
	[sflag:s19] =	ssyncadd.s32 $0xFFFFC000  }
0x69: {  	[tilespmem:s21], [sflag:$0x2] =	stream.linear.gather [hbm4b:s0+s4], $0x80, $0x38;
	[tilespmem:$0x1C200] =	vst v63  }
0x6a: {  	s2 =	sadd.s32 $0x30, s6;
	s0 =	simm.s32 $0x20  }
.LBB2_4:
0x6b: {  	[tilespmem:s22], [sflag:$0x4] =	stream.linear.gather [hbm4b:s2+s4], $0x80, $0x38;
	[tilespmem:$0x1C200] =	vst v63  }
0x6c: {  	s2 =	smov.u32 s0  }
0x6d: {  	p0 =	sne.s32 s0, $0x9C0;
	s0 =	sadd.s32 $0x20, s0;
	_ =	swait.ge [sflag:s25], $0x80  }
0x6e: {  	[sflag:s25] =	ssyncset.done $0x0  }
0x6f: {  	[sflag:s25] =	ssyncadd.s32 $0xFFFFFF80  }
0x70: {  	_ =	swait.ge [sflag:s26], $0x80  }
0x71: {  	[sflag:s26] =	ssyncset.done $0x0  }
0x72: {  	[sflag:s26] =	ssyncadd.s32 $0xFFFFFF80  }
0x73: {  	[tilespmem:s28], [sflag:$0x6] =	stream.indirect.gather [hbm4b:s1+s21], $0x80, s21, s21, $0xb8;
	[tilespmem:$0x1C200] =	vst v63  }
0x74: {  	_ =	swait.ge [sflag:s29], $0x4000  }
0x75: {  	[sflag:s29] =	ssyncset.done $0x0  }
0x76: {  	[sflag:s29] =	ssyncadd.s32 $0xFFFFC000  }
0x77: {  	[spmem:s3] =	stream.indirect.scatter.add.f32 [tilespmem:s18], [sflag:$0x7], $0x80, s20, s21, $0xb8;
	[tilespmem:$0x1C200] =	vst v63  }
0x78: {  	_ =	swait.ge [sflag:s19], $0x4000  }
0x79: {  	s6 =	sadd.s32 s2, s16;
	[sflag:s19] =	ssyncset.done $0x0  }
0x7a: {  	s2 =	sadd.s32 s2, s17;
	s7 =	sadd.s32 $0x20, s6;
	[sflag:s19] =	ssyncadd.s32 $0xFFFFC000  }
0x7b: {  	[tilespmem:s4], [sflag:$0x1] =	stream.linear.gather [hbm4b:s7+s4], $0x80, $0x38;
	[tilespmem:$0x1C200] =	vst v63  }
0x7c: {  	s7 =	sadd.s32 $0x20, s2  }
0x7d: {  	[tilespmem:s20], [sflag:$0x3] =	stream.linear.gather [hbm4b:s7+s4], $0x80, $0x38;
	[tilespmem:$0x1C200] =	vst v63  }
0x7e: {  	_ =	swait.ge [sflag:s23], $0x80  }
0x7f: {  	[sflag:s23] =	ssyncset.done $0x0  }
0x80: {  	[sflag:s23] =	ssyncadd.s32 $0xFFFFFF80  }
0x81: {  	_ =	swait.ge [sflag:s24], $0x80  }
0x82: {  	[sflag:s24] =	ssyncset.done $0x0  }
0x83: {  	[sflag:s24] =	ssyncadd.s32 $0xFFFFFF80  }
0x84: {  	[tilespmem:s18], [sflag:$0x5] =	stream.indirect.gather [hbm4b:s1+s21], $0x80, s4, s21, $0xb8;
	[tilespmem:$0x1C200] =	vst v63  }
0x85: {  	_ =	swait.ge [sflag:s30], $0x4000  }
0x86: {  	[sflag:s30] =	ssyncset.done $0x0  }
0x87: {  	[sflag:s30] =	ssyncadd.s32 $0xFFFFC000  }
0x88: {  	[spmem:s3] =	stream.indirect.scatter.add.f32 [tilespmem:s28], [sflag:$0x7], $0x80, s22, s21, $0xb8;
	[tilespmem:$0x1C200] =	vst v63  }
.Ltmp1:
0x89: {  	_ =	swait.ge [sflag:s19], $0x4000;
	(pc) =	sbr.rel @p0 .LBB2_4-.Ltmp1, $4  }
0x8a: {  	[sflag:s19] =	ssyncset.done $0x0  }
0x8b: {  	s6 =	sadd.s32 $0x30, s6;
	[sflag:s19] =	ssyncadd.s32 $0xFFFFC000  }
0x8c: {  	[tilespmem:s21], [sflag:$0x2] =	stream.linear.gather [hbm4b:s6+s4], $0x80, $0x38;
	[tilespmem:$0x1C200] =	vst v63  }
0x8d: {  	s2 =	sadd.s32 $0x30, s2  }
0x8e: {  	[tilespmem:s22], [sflag:$0x4] =	stream.linear.gather [hbm4b:s2+s4], $0x80, $0x38;
	[tilespmem:$0x1C200] =	vst v63  }
0x8f: {  	_ =	swait.ge [sflag:s25], $0x80  }
0x90: {  	[sflag:s25] =	ssyncset.done $0x0  }
0x91: {  	[sflag:s25] =	ssyncadd.s32 $0xFFFFFF80  }
0x92: {  	_ =	swait.ge [sflag:s26], $0x80  }
0x93: {  	[sflag:s26] =	ssyncset.done $0x0  }
0x94: {  	[sflag:s26] =	ssyncadd.s32 $0xFFFFFF80  }
0x95: {  	[tilespmem:s28], [sflag:$0x6] =	stream.indirect.gather [hbm4b:s1+s21], $0x80, s21, s21, $0xb8;
	[tilespmem:$0x1C200] =	vst v63  }
0x96: {  	_ =	swait.ge [sflag:s29], $0x4000  }
0x97: {  	[sflag:s29] =	ssyncset.done $0x0  }
0x98: {  	[sflag:s29] =	ssyncadd.s32 $0xFFFFC000  }
0x99: {  	[spmem:s3] =	stream.indirect.scatter.add.f32 [tilespmem:s18], [sflag:$0x7], $0x80, s20, s21, $0xb8;
	[tilespmem:$0x1C200] =	vst v63  }
0x9a: {  	_ =	swait.ge [sflag:s19], $0x4000  }
0x9b: {  	[sflag:s19] =	ssyncset.done $0x0  }
0x9c: {  	[sflag:s19] =	ssyncadd.s32 $0xFFFFC000  }
0x9d: {  	_ =	swait.ge [sflag:s30], $0x4000  }
0x9e: {  	[sflag:s30] =	ssyncset.done $0x0  }
0x9f: {  	[sflag:s30] =	ssyncadd.s32 $0xFFFFC000  }
0xa0: {  	[spmem:s3] =	stream.indirect.scatter.add.f32 [tilespmem:s28], [sflag:$0x7], $0x80, s22, s21, $0xb8;
	[tilespmem:$0x1C200] =	vst v63  }
0xa1: {  	s0 =	stileid.u32;
	_ =	swait.ge [sflag:s19], $0x4000  }
0xa2: {  	s7 =	sshrl.u32 s5, $0x3;
	s31 =	sadd.s32 $0x1, s31;
	[sflag:s19] =	ssyncset.done $0x0  }
0xa3: {  	s0 =	sshll.u32 s0, $0x6;
	p0 =	sne.s32 s31, s15;
	[sflag:s19] =	ssyncadd.s32 $0xFFFFC000  }
.Ltmp2:
0xa4: {  	s0 =	sor.u32 $0x1C07, s0;
	[bflag:$0x0] =	sbarrier.arrive $0xFFFF;
	(pc) =	sbr.rel @p0 .LBB2_1-.Ltmp2, $4  }
0xa5: {  	[hbm:s14], [sflag:s0] =	dma.local [spmem:s7], $0x2800  }
0xa6: {  	_ =	swait.ge [sflag:s19], $0x2800  }
0xa7: {  	[sflag:s19] =	ssyncset.done $0x0  }
0xa8: {  	[sflag:s19] =	ssyncadd.s32 $0xFFFFD800  }
0xa9: {  	_ =	sfence.sel $0x180000  }
0xaa: {  	[bflag:$0x0] =	sbarrier.arrive $0xFFFF  }
0xab: {  	_ =	strace $0x9000004D  }
0xac: {  	s0 =	stileid.u32;
	[bflag:$0x2] =	sbarrier.arrive $0xFFFF  }
0xad: {  	p0 =	sne.s32 s0, $0x0;
	s0 =	rddreg [dreg:$0x3]  }
0xae: {  	s0 =	sadd.s32 @!p0 $0x100000, s0  }
0xaf: {  	[sflag:s0] =	ssyncadd.tile.s32 @!p0 $0x1;
	_ =	shalt  }
.Lfunc_end2:
_tile_overlayer_lowered:
.L_overlay_start_2:
0xb0: {  	(tag) =	ssettag $0x2  }
0xb1: {  	s0 =	rddreg [dreg:$0x0];
	s2 =	stileid.u32  }
0xb2: {  	s1 =	rddreg [dreg:$0x1];
	p0 =	sne.s32 s2, $0x0  }
0xb3: {  	s3 =	rddreg [dreg:$0x2];
	[bflag:$0x3] =	sbarrier.arrive $0xFFFF;
	s2 =	simm.s32 @!p0 $0x1C07  }
0xb4: {  	[timem:s3], [sflag:s2] =	dma.local @!p0 [hbm:s0], s1  }
0xb5: {  	s0 =	simm.s32 @!p0 $0x7  }
0xb6: {  	_ =	swait.ge @!p0 [sflag:s0], s1  }
0xb7: {  	s1 =	ssub.s32 @!p0 $0x0, s1;
	[sflag:s0] =	ssyncset.done @!p0 $0x0  }
0xb8: {  	[sflag:s0] =	ssyncadd.s32 @!p0 s1  }
0xb9: {  	[bflag:$0x3] =	sbarrier.arrive $0xFFFF  }
0xba: {  	_ =	shalt  }

// kernel: kernel.19.cloned.1.call-start
scs
__scs_entry_jumppad:
0x0: {  	(pc) =	sbr.rel $0x88, $3  }
0x1: {  	(tag) =	ssettag $0x0;
	lr =	simm.s32 $0x1  }
0x2: {  	[smem:$0x3F96] =	sst lr;
	_ =	strace $0xD0000000  }
0x3: {  	_ = 	snop  }
0x4: {  	_ = 	snop  }
0x5: {  	_ = 	snop  }
0x6: {  	_ = 	snop  }
0x7: {  	_ = 	snop  }
__scs_overlays_trampoline_lowered:
0x8: {  	[smem:$0x3FA5] =	sst s0  }
0x9: {  	[smem:$0x3FA6] =	sst s1  }
0xa: {  	[smem:$0x3FA7] =	sst s2  }
0xb: {  	[smem:$0x3FA8] =	sst s3  }
0xc: {  	[smem:$0x3FA9] =	sst s4  }
0xd: {  	[smem:$0x3FAA] =	sst s5  }
0xe: {  	[smem:$0x3FAB] =	sst s6  }
0xf: {  	[smem:$0x3FAC] =	sst s7  }
0x10: {  	[smem:$0x3FAD] =	sst s8  }
0x11: {  	[smem:$0x3FAE] =	sst s9;
	s0 =	simm.s32 @!p0 $0x0  }
0x12: {  	s1 =	sld [smem:$0x3F94];
	s0 =	simm.s32 @p0 $0x1  }
0x13: {  	[smem:$0x3FAF] =	sst s0;
	s0 =	simm.s32 @!p1 $0x0  }
0x14: {  	s2 =	sld [smem:$0x3F93];
	s0 =	simm.s32 @p1 $0x1  }
0x15: {  	[smem:$0x3FB0] =	sst s0;
	s0 =	simm.s32 @!p2 $0x0  }
0x16: {  	s3 =	sld [smem:$0x3FDB];
	s0 =	simm.s32 @p2 $0x1  }
0x17: {  	s4 =	simm.s32 $0x1BF5;
	[smem:$0x3FB2] =	sst s0  }
0x18: {  	s0 =	sld [smem:$0x3F95];
	_ =	swait.ge [sflag:s4], $0x0  }
0x19: {  	s7 =	sld [smem:$0x3F96]  }
0x1a: {  	s8 =	sadd.s32 $0xFFFFE003, lr  }
0x1b: {  	s9 =	sadd.s32 $0xFFFFFEF7, lr;
	s5 =	simm.s32 $0xFFFFFFFF;
	p2 =	slt.u32 s8, $0xFFFFF086  }
0x1c: {  	p1 =	slt.u32 s9, $0xF7A;
	s5 =	simm.s32 @!p2 $0x0  }
0x1d: {  	s5 =	simm.s32 @p1 $0x1;
	p0 =	seq.s32 s7, s2  }
0x1e: {  	s7 =	smul.u32 @!p0 $0xF7A, s2;
	p2 =	seq.s32 @!p0 s5, $0x0  }
0x1f: {  	s9 =	smul.u32 $0xF7A, s1;
	s8 =	simm.s32 @!p0 $0x1BF5;
	p2 =	por !p2, p0  }
0x20: {  	[sflag:s8] =	ssyncset.s32 @!p0 $0xFFFFF086;
	s6 =	sadd.s32 @!p0 s3, s7;
	s7 =	simm.s32 @!p0 $0x108  }
0x21: {  	s3 =	sadd.s32 s3, s9;
	s6 =	sadd.s32 @!p0 $0x88, s6;
	s7 =	simm.s32 @p2 $0x1082  }
0x22: {  	[simem:s7], [sflag:s8] =	dma.local @!p0 [hbm:s6], $0xF7A  }
0x23: {  	s9 =	sor.u32 $0xD0000000, s2;
	s6 =	simm.s32 $0x108;
	_ =	swait.ge @!p0 [sflag:s8], $0x0  }
0x24: {  	s3 =	sadd.s32 $0x88, s3;
	s6 =	simm.s32 @!p1 $0x1082;
	[sflag:s4] =	ssyncset.s32 $0xFFFFF086  }
0x25: {  	[simem:s6], [sflag:s4] =	dma.local [hbm:s3], $0xF7A  }
0x26: {  	[smem:$0x3F96] =	sst s1;
	(tag) =	ssettag s2;
	_ =	strace s9  }
0x27: {  	s1 =	sld [smem:$0x3FA6]  }
0x28: {  	s2 =	sld [smem:$0x3FA7]  }
0x29: {  	s4 =	sld [smem:$0x3FA9]  }
0x2a: {  	p0 =	seq.s32 s5, $0x0;
	s5 =	sld [smem:$0x3FAA]  }
0x2b: {  	s6 =	sld [smem:$0x3FAB]  }
0x2c: {  	s7 =	sld [smem:$0x3FAC]  }
0x2d: {  	s3 =	simm.s32 $0x108;
	s8 =	sld [smem:$0x3FAD]  }
0x2e: {  	s3 =	simm.s32 @!p0 $0x1082;
	s9 =	sld [smem:$0x3FAE]  }
0x2f: {  	lr =	sadd.s32 s0, s3;
	s0 =	sld [smem:$0x3FA5]  }
0x30: {  	s3 =	sld [smem:$0x3FA8]  }
0x31: {  	[smem:$0x3FB1] =	sst s10  }
0x32: {  	s10 =	sld [smem:$0x3FAF];
	_ =	sdelay $0x3  }
0x33: {  	p0 =	seq.s32 s10, $0x1;
	s10 =	sld [smem:$0x3FB1];
	_ =	sdelay $0x3  }
0x34: {  	[smem:$0x3FB1] =	sst s10  }
0x35: {  	s10 =	sld [smem:$0x3FB0];
	_ =	sdelay $0x3  }
0x36: {  	p1 =	seq.s32 s10, $0x1;
	s10 =	sld [smem:$0x3FB1];
	_ =	sdelay $0x3  }
0x37: {  	[smem:$0x3FB1] =	sst s10  }
0x38: {  	s10 =	sld [smem:$0x3FB2]  }
0x39: {  	_ = 	snop;
	(pc) =	sbr.ind lr, $3  }
0x3a: {  	_ = 	snop  }
0x3b: {  	_ = 	snop  }
0x3c: {  	p2 =	seq.s32 s10, $0x1;
	s10 =	sld [smem:$0x3FB1]  }
0x3d: {  	_ =	shalt  }
0x3e: {  	_ =	shalt  }
0x3f: {  	_ =	shalt  }
0x40: {  	_ =	shalt  }
0x41: {  	_ =	shalt  }
0x42: {  	_ =	shalt  }
0x43: {  	_ =	shalt  }
0x44: {  	_ =	shalt  }
0x45: {  	_ =	shalt  }
0x46: {  	_ =	shalt  }
0x47: {  	_ =	shalt  }
0x48: {  	_ =	shalt  }
0x49: {  	_ =	shalt  }
0x4a: {  	_ =	shalt  }
0x4b: {  	_ =	shalt  }
0x4c: {  	_ =	shalt  }
0x4d: {  	_ =	shalt  }
0x4e: {  	_ =	shalt  }
0x4f: {  	_ =	shalt  }
0x50: {  	_ =	shalt  }
0x51: {  	_ =	shalt  }
0x52: {  	_ =	shalt  }
0x53: {  	_ =	shalt  }
0x54: {  	_ =	shalt  }
0x55: {  	_ =	shalt  }
0x56: {  	_ =	shalt  }
0x57: {  	_ =	shalt  }
0x58: {  	_ =	shalt  }
0x59: {  	_ =	shalt  }
0x5a: {  	_ =	shalt  }
0x5b: {  	_ =	shalt  }
0x5c: {  	_ =	shalt  }
0x5d: {  	_ =	shalt  }
0x5e: {  	_ =	shalt  }
0x5f: {  	_ =	shalt  }
0x60: {  	_ =	shalt  }
0x61: {  	_ =	shalt  }
0x62: {  	_ =	shalt  }
0x63: {  	_ =	shalt  }
0x64: {  	_ =	shalt  }
0x65: {  	_ =	shalt  }
0x66: {  	_ =	shalt  }
0x67: {  	_ =	shalt  }
0x68: {  	_ =	shalt  }
0x69: {  	_ =	shalt  }
0x6a: {  	_ =	shalt  }
0x6b: {  	_ =	shalt  }
0x6c: {  	_ =	shalt  }
0x6d: {  	_ =	shalt  }
0x6e: {  	_ =	shalt  }
0x6f: {  	_ =	shalt  }
0x70: {  	_ =	shalt  }
0x71: {  	_ =	shalt  }
0x72: {  	_ =	shalt  }
0x73: {  	_ =	shalt  }
0x74: {  	_ =	shalt  }
0x75: {  	_ =	shalt  }
0x76: {  	_ =	shalt  }
0x77: {  	_ =	shalt  }
0x78: {  	_ =	shalt  }
0x79: {  	_ =	shalt  }
0x7a: {  	_ =	shalt  }
0x7b: {  	_ =	shalt  }
0x7c: {  	_ =	shalt  }
0x7d: {  	_ =	shalt  }
0x7e: {  	_ =	shalt  }
0x7f: {  	_ =	shalt  }
0x80: {  	_ =	shalt  }
0x81: {  	_ =	shalt  }
0x82: {  	_ =	shalt  }
0x83: {  	_ =	shalt  }
0x84: {  	_ =	shalt  }
0x85: {  	_ =	shalt  }
0x86: {  	_ =	shalt  }
0x87: {  	_ =	shalt  }
.Lfunc_end0:
.L_simem_size_0:
called_computation.3_lowered:
.L_overlay_start_0:
0x88: {  	s2 =	sld [smem:$0x3FD9]  }
0x89: {  	s3 =	sld [smem:$0x3FFE];
	_ =	sdelay $0x1  }
0x8a: {  	s1 =	srdreg.scid  }
0x8b: {  	s0 =	sand.u32 $0x1, s1  }
0x8c: {  	s17 =	sshll.u32 s0, $0xA;
	s2 =	sadd.s32 s3, s2  }
0x8d: {  	s2 =	sadd.s32 s2, s17  }
0x8e: {  	[smem:$0x3FBD] =	sst s2  }
0x8f: {  	_ = 	snop  }
0x90: {  	s2 =	sld [smem:$0x3FD0];
	(tm) =	ssettm $0x1  }
0x91: {  	s18 =	sld [smem:$0x3FFB];
	_ =	sdelay $0x3  }
0x92: {  	_ =	strace s18  }
0x93: {  	s3 =	sld [smem:$0x3FFC];
	_ =	sdelay $0x3  }
0x94: {  	_ =	strace s3  }
0x95: {  	s3 =	sld [smem:$0x3FFD];
	_ =	sdelay $0x3  }
0x96: {  	_ =	strace s3  }
0x97: {  	_ =	strace $0x8FFFFFFF  }
0x98: {  	s19 =	sld [smem:$0x3FDB];
	_ =	sdelay $0x1  }
0x99: {  	s4 =	simm.s32 $_scs_section_size  }
0x9a: {  	s5 =	simm.s32 $_size__tile_overlayer_lowered;
	s6 =	simm.s32 $_tile_overlayer_lowered  }
0x9b: {  	s22 =	simm.s32 $0x1BFF;
	s21 =	sshll.u32 s6, $0x1;
	s3 =	sadd.s32 s4, s19  }
0x9c: {  	s7 =	simm.s32 $0x0;
	s20 =	sshll.u32 s5, $0x1;
	s5 =	sadd.s32 s21, s3  }
0x9d: {  	[timem:s7], [sflag:s22] =	dma.local [hbm:s5], s20  }
0x9e: {  	_ =	swait.ge [sflag:s22], s20  }
0x9f: {  	s4 =	ssub.s32 $0x0, s20;
	[sflag:s22] =	ssyncset.done $0x0  }
0xa0: {  	[sflag:s22] =	ssyncadd.s32 s4;
	_ =	sdelay $0x1  }
0xa1: {  	s23 =	simm.s32 $0x1B8B  }
0xa2: {  	_ =	swait.ge [sflag:s23], $0x1  }
0xa3: {  	[sflag:s23] =	ssyncset.done $0x0  }
0xa4: {  	s25 =	simm.s32 $0x1B8E;
	s24 =	sld [smem:$0x3FFE];
	[sflag:s23] =	ssyncadd.s32 $0xFFFFFFFF  }
0xa5: {  	s26 =	simm.s32 $execute0_lowered;
	[smem:$0x3FD2] =	sst s25  }
0xa6: {  	s5 =	sshll.u32 s26, $0x1;
	_ =	strace $0x8000004F;
	[dreg:$0x1] =	wrdreg $0xFFFFFFFF  }
0xa7: {  	s28 =	simm.s32 $_size_execute0_lowered;
	s3 =	sadd.s32 s3, s5;
	[dreg:$0x0] =	wrdreg $0x0  }
0xa8: {  	s5 =	sshll.u32 s28, $0x1;
	[dreg:$0x2] =	wrdreg s3  }
0xa9: {  	[dreg:$0x3] =	wrdreg s5  }
0xaa: {  	[dreg:$0x4] =	wrdreg $0xC0  }
0xab: {  	_ =	task [dreg:s7], $0x5FFFF  }
0xac: {  	[dreg:$0x1] =	wrdreg $0xFFFFFFFF  }
0xad: {  	[dreg:$0x0] =	wrdreg $0x60  }
0xae: {  	[dreg:$0x2] =	wrdreg s2  }
0xaf: {  	[dreg:$0x3] =	wrdreg s24  }
0xb0: {  	[dreg:$0x4] =	wrdreg $0x82000  }
0xb1: {  	[dreg:$0x5] =	wrdreg $0x9  }
0xb2: {  	_ =	task.clear_ibuf [dreg:s7], $0x6FFFF;
	_ =	strace $0x9000004F  }
0xb3: {  	s29 =	simm.s32 $0x9;
	_ =	strace $0x80000051  }
0xb4: {  	_ =	swait.ge [sflag:s29], $0x1  }
0xb5: {  	[sflag:s29] =	ssyncadd.s32 $0xFFFFFFFF  }
0xb6: {  	_ =	strace $0x90000051  }
0xb7: {  	_ =	sfence  }
0xb8: {  	s30 =	sld [smem:$0x0];
	_ =	sdelay $0x2  }
0xb9: {  	s31 =	sshll.u32 s1, $0xD;
	s1 =	sshrl.u32 s1, $0x2  }
0xba: {  	s3 =	sand.u32 $0x4000, s31;
	s1 =	sadd.s32 s1, s30  }
0xbb: {  	s0 =	sor.u32 s3, s0;
	s1 =	sshll.u32 s1, $0x11  }
0xbc: {  	s0 =	sor.u32 s1, s0  }
0xbd: {  	s0 =	sadd.s32 $0x8F2B, s0  }
0xbe: {  	[sflag:s0] =	ssyncadd.remote.s32 $0x1  }
0xbf: {  	_ =	sfence.sel $0xFFFF  }
0xc0: {  	[dreg:$0x0] =	wrdreg $0xFFFFFFFF;
	(pc) =	sbr.abs _section_cstart, $3  }
0xc1: {  	[dreg:$0x1] =	wrdreg $0xFFFFFFFF  }
0xc2: {  	_ =	task.clear_ibuf [dreg:s7], $0x2FFFF;
	_ =	strace $0x9FFFFFFF  }
0xc3: {  	(tm) =	ssettm $0x7FFFFFFF  }
tec
execute0_lowered:
.L_overlay_start_1:
0x0: {  	(tag) =	ssettag $0x1  }
0x1: {  	s1 =	rddreg [dreg:$0x0]  }
0x2: {  	s0 =	rddreg [dreg:$0x1]  }
0x3: {  	s3 =	rddreg [dreg:$0x2]  }
0x4: {  	s2 =	srdreg.scid;
	s18 =	stileid.u32  }
0x5: {  	s4 =	simm.s32 $0x0;
	s19 =	simm.s32 $0x7;
	s20 =	simm.s32 $0x100  }
0x6: {  	s21 =	simm.s32 $0x80;
	s22 =	simm.s32 $0x180;
	s28 =	simm.s32 $0x4200  }
0x7: {  	s29 =	simm.s32 $0x5;
	s30 =	simm.s32 $0x6;
	s5 =	smul.u32 $0x2800, s18  }
0x8: {  	s31 =	simm.s32 $0x0;
	s2 =	sand.u32 $0x1, s2;
	s23 =	smul.u32 $0x50000, s18  }
0x9: {  	[smem:$0x7FF] =	sst s4;
	s16 =	sadd.s32 $0x67A00, s0;
	s26 =	smul.u32 $0xA00, s18  }
0xa: {  	s17 =	sadd.s32 $0x7BA00, s0;
	s6 =	smul.u32 $0x28000, s2;
	_ =	strace $0x80000050  }
0xb: {  	s24 =	ssub.s32 $0x2, s2;
	s7 =	sshll.u32 s2, $0x4;
	s2 =	smul.u32 $0xA000, s2  }
0xc: {  	s8 =	sshrl.u32 s24, $0x1;
	s7 =	sor.u32 s18, s7;
	s18 =	simm.s32 $0x200  }
0xd: {  	s5 =	sadd.s32 s5, s6;
	s6 =	sshrl.u32 s23, $0x2;
	s15 =	ssub.s32 s24, s8  }
0xe: {  	s11 =	smul.u32 $0xA00, s7;
	s23 =	simm.s32 $0x1;
	s24 =	simm.s32 $0x3  }
0xf: {  	s0 =	sadd.s32 s5, s0;
	s5 =	sadd.s32 s6, s3;
	s15 =	smax.u32 s15, $0x1  }
0x10: {  	s6 =	sadd.s32 $0x4000, s5;
	s25 =	sadd.s32 $0x8000, s5;
	s8 =	sadd.s32 $0xC000, s5  }
0x11: {  	s9 =	sadd.s32 $0x10000, s5;
	s10 =	sadd.s32 s16, s11;
	s13 =	sor.u32 $0x10, s11  }
0x12: {  	s11 =	sadd.s32 s17, s11;
	s14 =	sadd.s32 $0x8FA00, s0;
	[dreg:$0x4] =	wrdreg s6  }
0x13: {  	[dreg:$0x5] =	wrdreg s25;
	s12 =	sadd.s32 s16, s13;
	s13 =	sadd.s32 s17, s13  }
0x14: {  	s16 =	sadd.s32 s2, s16;
	s2 =	sadd.s32 s2, s17;
	s25 =	simm.s32 $0x2  }
0x15: {  	v0 =	vimm.f32 $0.0e+00;
	s16 =	sadd.s32 s26, s16;
	s17 =	sadd.s32 s26, s2;
	s26 =	simm.s32 $0x4  }
.LBB2_1:
0x16: {  	s0 =	simm.s32 $0x0;
	s2 =	simm.s32 $0x200  }
.LBB2_2:
0x17: {  	p0 =	sne.s32 s2, $0xFE00;
	[tilespmem:s0+$0x270] =	vst v0  }
0x18: {  	[tilespmem:s0+$0x200] =	vst v0  }
0x19: {  	[tilespmem:s0+$0x210] =	vst v0  }
.Ltmp0:
0x1a: {  	[tilespmem:s0+$0x220] =	vst v0;
	(pc) =	sbr.rel @p0 .LBB2_2-.Ltmp0, $4  }
0x1b: {  	[tilespmem:s0+$0x230] =	vst v0  }
0x1c: {  	[tilespmem:s0+$0x240] =	vst v0  }
0x1d: {  	[tilespmem:s0+$0x250] =	vst v0  }
0x1e: {  	[tilespmem:s0+$0x260] =	vst v0;
	s0 =	sshra.s32 s2, $0x2;
	s2 =	sadd.s32 $0x200, s2  }
0x1f: {  	[tilespmem:s0+$0x270] =	vst v0  }
0x20: {  	[tilespmem:s0+$0x200] =	vst v0  }
0x21: {  	[tilespmem:s0+$0x210] =	vst v0  }
0x22: {  	[tilespmem:s0+$0x220] =	vst v0  }
0x23: {  	[tilespmem:s0+$0x230] =	vst v0  }
0x24: {  	[tilespmem:s0+$0x240] =	vst v0  }
0x25: {  	[tilespmem:s0+$0x250] =	vst v0  }
0x26: {  	[tilespmem:s0+$0x260] =	vst v0  }
0x27: {  	[spmem:s5] =	stream.linear.scatter [tilespmem:s18], [sflag:$0x7], $0x4000, $0x38;
	[tilespmem:$0x1C200] =	vst v63  }
0x28: {  	_ =	swait.ge [sflag:s19], $0x4000  }
0x29: {  	[sflag:s19] =	ssyncset.done $0x0  }
0x2a: {  	s7 =	rddreg [dreg:$0x4];
	[sflag:s19] =	ssyncadd.s32 $0xFFFFC000  }
0x2b: {  	[spmem:s7] =	stream.linear.scatter [tilespmem:s18], [sflag:$0x7], $0x4000, $0x38;
	[tilespmem:$0x1C200] =	vst v63  }
0x2c: {  	_ =	swait.ge [sflag:s19], $0x4000  }
0x2d: {  	[sflag:s19] =	ssyncset.done $0x0  }
0x2e: {  	s2 =	rddreg [dreg:$0x5];
	[sflag:s19] =	ssyncadd.s32 $0xFFFFC000  }
0x2f: {  	[spmem:s2] =	stream.linear.scatter [tilespmem:s18], [sflag:$0x7], $0x4000, $0x38;
	[tilespmem:$0x1C200] =	vst v63  }
0x30: {  	_ =	swait.ge [sflag:s19], $0x4000  }
0x31: {  	[sflag:s19] =	ssyncset.done $0x0  }
0x32: {  	[sflag:s19] =	ssyncadd.s32 $0xFFFFC000  }
0x33: {  	[spmem:s8] =	stream.linear.scatter [tilespmem:s18], [sflag:$0x7], $0x4000, $0x38;
	[tilespmem:$0x1C200] =	vst v63  }
0x34: {  	_ =	swait.ge [sflag:s19], $0x4000  }
0x35: {  	[sflag:s19] =	ssyncset.done $0x0  }
0x36: {  	[sflag:s19] =	ssyncadd.s32 $0xFFFFC000  }
0x37: {  	[spmem:s9] =	stream.linear.scatter [tilespmem:s18], [sflag:$0x7], $0x4000, $0x38;
	[tilespmem:$0x1C200] =	vst v63  }
0x38: {  	_ =	swait.ge [sflag:s19], $0x4000  }
0x39: {  	[sflag:s19] =	ssyncset.done $0x0  }
0x3a: {  	[sflag:s19] =	ssyncadd.s32 $0xFFFFC000  }
0x3b: {  	s6 =	simm.s32 $0x0;
	[bflag:$0x0] =	sbarrier.arrive $0xFFFF  }
0x3c: {  	[tilespmem:s6], [sflag:$0x1] =	stream.linear.gather [hbm4b:s10+s6], $0x80, $0x38;
	[tilespmem:$0x1C200] =	vst v63  }
0x3d: {  	_ = 	snop  }
0x3e: {  	[tilespmem:s20], [sflag:$0x3] =	stream.linear.gather [hbm4b:s11+s6], $0x80, $0x38;
	[tilespmem:$0x1C200] =	vst v63  }
0x3f: {  	_ = 	snop  }
0x40: {  	[tilespmem:s21], [sflag:$0x2] =	stream.linear.gather [hbm4b:s12+s6], $0x80, $0x38;
	[tilespmem:$0x1C200] =	vst v63  }
0x41: {  	_ = 	snop  }
0x42: {  	[tilespmem:s22], [sflag:$0x4] =	stream.linear.gather [hbm4b:s13+s6], $0x80, $0x38;
	[tilespmem:$0x1C200] =	vst v63  }
0x43: {  	_ =	swait.ge [sflag:s23], $0x80  }
0x44: {  	[sflag:s23] =	ssyncset.done $0x0  }
0x45: {  	[sflag:s23] =	ssyncadd.s32 $0xFFFFFF80  }
0x46: {  	_ =	swait.ge [sflag:s24], $0x80  }
0x47: {  	[sflag:s24] =	ssyncset.done $0x0  }
0x48: {  	[sflag:s24] =	ssyncadd.s32 $0xFFFFFF80  }
0x49: {  	[tilespmem:s18], [sflag:$0x5] =	stream.indirect.gather [hbm4b:s1+s21], $0x80, s6, s21, $0xb8;
	[tilespmem:$0x1C200] =	vst v63  }
0x4a: {  	_ =	swait.ge [sflag:s25], $0x80  }
0x4b: {  	[sflag:s25] =	ssyncset.done $0x0  }
0x4c: {  	[sflag:s25] =	ssyncadd.s32 $0xFFFFFF80  }
0x4d: {  	_ =	swait.ge [sflag:s26], $0x80  }
0x4e: {  	[sflag:s26] =	ssyncset.done $0x0  }
0x4f: {  	[sflag:s26] =	ssyncadd.s32 $0xFFFFFF80  }
0x50: {  	[tilespmem:s28], [sflag:$0x6] =	stream.indirect.gather [hbm4b:s1+s21], $0x80, s21, s21, $0xb8;
	[tilespmem:$0x1C200] =	vst v63  }
0x51: {  	_ =	swait.ge [sflag:s29], $0x4000  }
0x52: {  	[sflag:s29] =	ssyncset.done $0x0  }
0x53: {  	[sflag:s29] =	ssyncadd.s32 $0xFFFFC000  }
0x54: {  	[spmem:s3] =	stream.indirect.scatter.add.f32 [tilespmem:s18], [sflag:$0x7], $0x80, s20, s21, $0xb8;
	[tilespmem:$0x1C200] =	vst v63  }
0x55: {  	_ =	swait.ge [sflag:s19], $0x4000  }
0x56: {  	s0 =	sadd.s32 $0x0, s16;
	[sflag:s19] =	ssyncset.done $0x0  }
0x57: {  	s2 =	sadd.s32 $0x20, s0;
	s6 =	sadd.s32 $0x0, s17;
	[sflag:s19] =	ssyncadd.s32 $0xFFFFC000  }
0x58: {  	[tilespmem:s4], [sflag:$0x1] =	stream.linear.gather [hbm4b:s2+s4], $0x80, $0x38;
	[tilespmem:$0x1C200] =	vst v63  }
0x59: {  	s7 =	sadd.s32 $0x20, s6  }
0x5a: {  	[tilespmem:s20], [sflag:$0x3] =	stream.linear.gather [hbm4b:s7+s4], $0x80, $0x38;
	[tilespmem:$0x1C200] =	vst v63  }
0x5b: {  	_ =	swait.ge [sflag:s23], $0x80  }
0x5c: {  	[sflag:s23] =	ssyncset.done $0x0  }
0x5d: {  	[sflag:s23] =	ssyncadd.s32 $0xFFFFFF80  }
0x5e: {  	_ =	swait.ge [sflag:s24], $0x80  }
0x5f: {  	[sflag:s24] =	ssyncset.done $0x0  }
0x60: {  	[sflag:s24] =	ssyncadd.s32 $0xFFFFFF80  }
0x61: {  	[tilespmem:s18], [sflag:$0x5] =	stream.indirect.gather [hbm4b:s1+s21], $0x80, s4, s21, $0xb8;
	[tilespmem:$0x1C200] =	vst v63  }
0x62: {  	_ =	swait.ge [sflag:s30], $0x4000  }
0x63: {  	[sflag:s30] =	ssyncset.done $0x0  }
0x64: {  	[sflag:s30] =	ssyncadd.s32 $0xFFFFC000  }
0x65: {  	[spmem:s3] =	stream.indirect.scatter.add.f32 [tilespmem:s28], [sflag:$0x7], $0x80, s22, s21, $0xb8;
	[tilespmem:$0x1C200] =	vst v63  }
0x66: {  	_ =	swait.ge [sflag:s19], $0x4000  }
0x67: {  	[sflag:s19] =	ssyncset.done $0x0  }
0x68: {  	s0 =	sadd.s32 $0x30, s0;
	[sflag:s19] =	ssyncadd.s32 $0xFFFFC000  }
0x69: {  	[tilespmem:s21], [sflag:$0x2] =	stream.linear.gather [hbm4b:s0+s4], $0x80, $0x38;
	[tilespmem:$0x1C200] =	vst v63  }
0x6a: {  	s2 =	sadd.s32 $0x30, s6;
	s0 =	simm.s32 $0x20  }
.LBB2_4:
0x6b: {  	[tilespmem:s22], [sflag:$0x4] =	stream.linear.gather [hbm4b:s2+s4], $0x80, $0x38;
	[tilespmem:$0x1C200] =	vst v63  }
0x6c: {  	s2 =	smov.u32 s0  }
0x6d: {  	p0 =	sne.s32 s0, $0x9C0;
	s0 =	sadd.s32 $0x20, s0;
	_ =	swait.ge [sflag:s25], $0x80  }
0x6e: {  	[sflag:s25] =	ssyncset.done $0x0  }
0x6f: {  	[sflag:s25] =	ssyncadd.s32 $0xFFFFFF80  }
0x70: {  	_ =	swait.ge [sflag:s26], $0x80  }
0x71: {  	[sflag:s26] =	ssyncset.done $0x0  }
0x72: {  	[sflag:s26] =	ssyncadd.s32 $0xFFFFFF80  }
0x73: {  	[tilespmem:s28], [sflag:$0x6] =	stream.indirect.gather [hbm4b:s1+s21], $0x80, s21, s21, $0xb8;
	[tilespmem:$0x1C200] =	vst v63  }
0x74: {  	_ =	swait.ge [sflag:s29], $0x4000  }
0x75: {  	[sflag:s29] =	ssyncset.done $0x0  }
0x76: {  	[sflag:s29] =	ssyncadd.s32 $0xFFFFC000  }
0x77: {  	[spmem:s3] =	stream.indirect.scatter.add.f32 [tilespmem:s18], [sflag:$0x7], $0x80, s20, s21, $0xb8;
	[tilespmem:$0x1C200] =	vst v63  }
0x78: {  	_ =	swait.ge [sflag:s19], $0x4000  }
0x79: {  	s6 =	sadd.s32 s2, s16;
	[sflag:s19] =	ssyncset.done $0x0  }
0x7a: {  	s2 =	sadd.s32 s2, s17;
	s7 =	sadd.s32 $0x20, s6;
	[sflag:s19] =	ssyncadd.s32 $0xFFFFC000  }
0x7b: {  	[tilespmem:s4], [sflag:$0x1] =	stream.linear.gather [hbm4b:s7+s4], $0x80, $0x38;
	[tilespmem:$0x1C200] =	vst v63  }
0x7c: {  	s7 =	sadd.s32 $0x20, s2  }
0x7d: {  	[tilespmem:s20], [sflag:$0x3] =	stream.linear.gather [hbm4b:s7+s4], $0x80, $0x38;
	[tilespmem:$0x1C200] =	vst v63  }
0x7e: {  	_ =	swait.ge [sflag:s23], $0x80  }
0x7f: {  	[sflag:s23] =	ssyncset.done $0x0  }
0x80: {  	[sflag:s23] =	ssyncadd.s32 $0xFFFFFF80  }
0x81: {  	_ =	swait.ge [sflag:s24], $0x80  }
0x82: {  	[sflag:s24] =	ssyncset.done $0x0  }
0x83: {  	[sflag:s24] =	ssyncadd.s32 $0xFFFFFF80  }
0x84: {  	[tilespmem:s18], [sflag:$0x5] =	stream.indirect.gather [hbm4b:s1+s21], $0x80, s4, s21, $0xb8;
	[tilespmem:$0x1C200] =	vst v63  }
0x85: {  	_ =	swait.ge [sflag:s30], $0x4000  }
0x86: {  	[sflag:s30] =	ssyncset.done $0x0  }
0x87: {  	[sflag:s30] =	ssyncadd.s32 $0xFFFFC000  }
0x88: {  	[spmem:s3] =	stream.indirect.scatter.add.f32 [tilespmem:s28], [sflag:$0x7], $0x80, s22, s21, $0xb8;
	[tilespmem:$0x1C200] =	vst v63  }
.Ltmp1:
0x89: {  	_ =	swait.ge [sflag:s19], $0x4000;
	(pc) =	sbr.rel @p0 .LBB2_4-.Ltmp1, $4  }
0x8a: {  	[sflag:s19] =	ssyncset.done $0x0  }
0x8b: {  	s6 =	sadd.s32 $0x30, s6;
	[sflag:s19] =	ssyncadd.s32 $0xFFFFC000  }
0x8c: {  	[tilespmem:s21], [sflag:$0x2] =	stream.linear.gather [hbm4b:s6+s4], $0x80, $0x38;
	[tilespmem:$0x1C200] =	vst v63  }
0x8d: {  	s2 =	sadd.s32 $0x30, s2  }
0x8e: {  	[tilespmem:s22], [sflag:$0x4] =	stream.linear.gather [hbm4b:s2+s4], $0x80, $0x38;
	[tilespmem:$0x1C200] =	vst v63  }
0x8f: {  	_ =	swait.ge [sflag:s25], $0x80  }
0x90: {  	[sflag:s25] =	ssyncset.done $0x0  }
0x91: {  	[sflag:s25] =	ssyncadd.s32 $0xFFFFFF80  }
0x92: {  	_ =	swait.ge [sflag:s26], $0x80  }
0x93: {  	[sflag:s26] =	ssyncset.done $0x0  }
0x94: {  	[sflag:s26] =	ssyncadd.s32 $0xFFFFFF80  }
0x95: {  	[tilespmem:s28], [sflag:$0x6] =	stream.indirect.gather [hbm4b:s1+s21], $0x80, s21, s21, $0xb8;
	[tilespmem:$0x1C200] =	vst v63  }
0x96: {  	_ =	swait.ge [sflag:s29], $0x4000  }
0x97: {  	[sflag:s29] =	ssyncset.done $0x0  }
0x98: {  	[sflag:s29] =	ssyncadd.s32 $0xFFFFC000  }
0x99: {  	[spmem:s3] =	stream.indirect.scatter.add.f32 [tilespmem:s18], [sflag:$0x7], $0x80, s20, s21, $0xb8;
	[tilespmem:$0x1C200] =	vst v63  }
0x9a: {  	_ =	swait.ge [sflag:s19], $0x4000  }
0x9b: {  	[sflag:s19] =	ssyncset.done $0x0  }
0x9c: {  	[sflag:s19] =	ssyncadd.s32 $0xFFFFC000  }
0x9d: {  	_ =	swait.ge [sflag:s30], $0x4000  }
0x9e: {  	[sflag:s30] =	ssyncset.done $0x0  }
0x9f: {  	[sflag:s30] =	ssyncadd.s32 $0xFFFFC000  }
0xa0: {  	[spmem:s3] =	stream.indirect.scatter.add.f32 [tilespmem:s28], [sflag:$0x7], $0x80, s22, s21, $0xb8;
	[tilespmem:$0x1C200] =	vst v63  }
0xa1: {  	s0 =	stileid.u32;
	_ =	swait.ge [sflag:s19], $0x4000  }
0xa2: {  	s7 =	sshrl.u32 s5, $0x3;
	s31 =	sadd.s32 $0x1, s31;
	[sflag:s19] =	ssyncset.done $0x0  }
0xa3: {  	s0 =	sshll.u32 s0, $0x6;
	p0 =	sne.s32 s31, s15;
	[sflag:s19] =	ssyncadd.s32 $0xFFFFC000  }
.Ltmp2:
0xa4: {  	s0 =	sor.u32 $0x1C07, s0;
	[bflag:$0x0] =	sbarrier.arrive $0xFFFF;
	(pc) =	sbr.rel @p0 .LBB2_1-.Ltmp2, $4  }
0xa5: {  	[hbm:s14], [sflag:s0] =	dma.local [spmem:s7], $0x2800  }
0xa6: {  	_ =	swait.ge [sflag:s19], $0x2800  }
0xa7: {  	[sflag:s19] =	ssyncset.done $0x0  }
0xa8: {  	[sflag:s19] =	ssyncadd.s32 $0xFFFFD800  }
0xa9: {  	_ =	sfence.sel $0x180000  }
0xaa: {  	[bflag:$0x0] =	sbarrier.arrive $0xFFFF  }
0xab: {  	_ =	strace $0x90000050  }
0xac: {  	s0 =	stileid.u32;
	[bflag:$0x2] =	sbarrier.arrive $0xFFFF  }
0xad: {  	p0 =	sne.s32 s0, $0x0;
	s0 =	rddreg [dreg:$0x3]  }
0xae: {  	s0 =	sadd.s32 @!p0 $0x100000, s0  }
0xaf: {  	[sflag:s0] =	ssyncadd.tile.s32 @!p0 $0x1;
	_ =	shalt  }
.Lfunc_end2:
_tile_overlayer_lowered:
.L_overlay_start_2:
0xb0: {  	(tag) =	ssettag $0x2  }
0xb1: {  	s0 =	rddreg [dreg:$0x0];
	s2 =	stileid.u32  }
0xb2: {  	s1 =	rddreg [dreg:$0x1];
	p0 =	sne.s32 s2, $0x0  }
0xb3: {  	s3 =	rddreg [dreg:$0x2];
	[bflag:$0x3] =	sbarrier.arrive $0xFFFF;
	s2 =	simm.s32 @!p0 $0x1C07  }
0xb4: {  	[timem:s3], [sflag:s2] =	dma.local @!p0 [hbm:s0], s1  }
0xb5: {  	s0 =	simm.s32 @!p0 $0x7  }
0xb6: {  	_ =	swait.ge @!p0 [sflag:s0], s1  }
0xb7: {  	s1 =	ssub.s32 @!p0 $0x0, s1;
	[sflag:s0] =	ssyncset.done @!p0 $0x0  }
0xb8: {  	[sflag:s0] =	ssyncadd.s32 @!p0 s1  }
0xb9: {  	[bflag:$0x3] =	sbarrier.arrive $0xFFFF  }
0xba: {  	_ =	shalt  }

</sc_bundles>
